<compile_context>
chip_gen: v7x
topology: tpu7x:2x2x1
jax: 0.10.2.dev20260603
libtpu: 0.0.44.dev20260713+nightly
codegen_flags: <defaults>
</compile_context>

<pallas_src>
import functools

import jax
import jax.numpy as jnp
from jax import lax
from jax.experimental import pallas as pl
from jax.experimental.pallas import tpu as pltpu
from jax.experimental.pallas import tpu_sc as plsc

BATCH = 16384
EMBED_DIM = 32
LANES = 16
NUM_CORES = 2
NUM_SUBCORES = 16
NUM_WORKERS = NUM_CORES * NUM_SUBCORES
BPW = BATCH // NUM_WORKERS
LANE_TILE = 128
CHUNKS = BPW // LANES


def _build():
    mesh = plsc.VectorSubcoreMesh(core_axis_name="c", subcore_axis_name="s")

    @functools.partial(
        pl.kernel,
        mesh=mesh,
        out_type=jax.ShapeDtypeStruct((BATCH,), jnp.float32),
        compiler_params=pltpu.CompilerParams(
            needs_layout_passes=False, use_tc_tiling_on_sc=True),
        scratch_types=[
            pltpu.VMEM((BPW,), jnp.int32),
            pltpu.VMEM((BPW,), jnp.int32),
            pltpu.VMEM((24 * EMBED_DIM, LANE_TILE), jnp.float32),
            pltpu.VMEM((EMBED_DIM * LANES,), jnp.float32),
            pltpu.VMEM((EMBED_DIM * LANES,), jnp.float32),
            pltpu.VMEM((BPW,), jnp.float32),
            pltpu.SemaphoreType.DMA,
            pltpu.SemaphoreType.DMA,
        ],
    )
    def cmf_kernel(uidx_hbm, iidx_hbm, utab_hbm, ttab_hbm, out_hbm,
                   uidx_v, iidx_v, tiles_v, ucomp_v, tcomp_v, out_v,
                   sem_u, sem_i):
        wid = lax.axis_index("s") * NUM_CORES + lax.axis_index("c")
        base = wid * BPW

        pltpu.sync_copy(uidx_hbm.at[pl.ds(base, BPW)], uidx_v)
        pltpu.sync_copy(iidx_hbm.at[pl.ds(base, BPW)], iidx_v)

        iota16 = lax.iota(jnp.int32, LANES)
        slot_rows = iota16 * EMBED_DIM
        lane_mod = jnp.full((LANES,), LANE_TILE, jnp.int32)

        def fetch_and_extract(tab_hbm, idx_ref, comp_ref, c, sem):
            vec = idx_ref[pl.ds(c * LANES, LANES)]
            copies = []
            for k in range(LANES):
                tcol = vec[k] // LANE_TILE
                start = pl.multiple_of(tcol * LANE_TILE, LANE_TILE)
                copies.append(pltpu.async_copy(
                    tab_hbm.at[:, pl.ds(start, LANE_TILE)],
                    tiles_v.at[pl.ds(k * EMBED_DIM, EMBED_DIM)], sem))
            for cp in copies:
                cp.wait()
            lane = lax.rem(vec, lane_mod)
            for d in range(EMBED_DIM):
                vals = plsc.load_gather(tiles_v, [slot_rows + d, lane])
                comp_ref[pl.ds(d * LANES, LANES)] = vals

        def chunk_body(c, _):
            fetch_and_extract(utab_hbm, uidx_v, ucomp_v, c, sem_u)
            fetch_and_extract(ttab_hbm, iidx_v, tcomp_v, c, sem_i)
            acc = jnp.zeros((LANES,), jnp.float32)
            for d in range(EMBED_DIM):
                u = ucomp_v[pl.ds(d * LANES, LANES)]
                v = tcomp_v[pl.ds(d * LANES, LANES)]
                acc = acc + u * v
            out_v[pl.ds(c * LANES, LANES)] = 1.0 / (1.0 + jnp.exp(-acc))
            return 0

        lax.fori_loop(0, CHUNKS, chunk_body, 0)

        pltpu.sync_copy(out_v, out_hbm.at[pl.ds(base, BPW)])

    return cmf_kernel


@functools.cache
def _get_cmf():
    return _build()


def kernel(user_indices, item_indices, user_table, src_item_table, tgt_item_table):
    del src_item_table
    return _get_cmf()(user_indices.astype(jnp.int32),
                      item_indices.astype(jnp.int32),
                      user_table.T, tgt_item_table.T)

# --- scband reference (transcript-rebuilt; emitter-appended) ---
"""Pipeline reference for scband-cmf-79534204387831 (READ-ONLY COPY).

The authoritative reference and input builder live on the scoring server;
editing this copy changes nothing except your own understanding.
"""

import jax, jax.numpy as jnp
import numpy as np

NUM_USERS = 1000000
NUM_SRC_ITEMS = 1000000
NUM_TGT_ITEMS = 1000000
EMBED_DIM = 32
BATCH = 16384

def setup_inputs(seed: int = 0) -> dict:
    key = jax.random.key(seed)
    k1, k2, k3, k4, k5 = jax.random.split(key, 5)
    user_indices = jax.random.randint(k1, (BATCH,), 0, NUM_USERS, dtype=jnp.int64 if jax.config.jax_enable_x64 else jnp.int32)
    item_indices = jax.random.randint(k2, (BATCH,), 0, NUM_TGT_ITEMS, dtype=jnp.int64 if jax.config.jax_enable_x64 else jnp.int32)
    user_table = jax.random.normal(k3, (NUM_USERS, EMBED_DIM), dtype=jnp.float32) * 0.01
    src_item_table = jax.random.normal(k4, (NUM_SRC_ITEMS, EMBED_DIM), dtype=jnp.float32) * 0.01
    tgt_item_table = jax.random.normal(k5, (NUM_TGT_ITEMS, EMBED_DIM), dtype=jnp.float32) * 0.01
    return {
        'user_indices': user_indices,
        'item_indices': item_indices,
        'user_table': user_table,
        'src_item_table': src_item_table,
        'tgt_item_table': tgt_item_table,
    }

def reference(user_indices, item_indices, user_table, src_item_table, tgt_item_table):
    # domain='target' (default)
    user_vec = jnp.take(user_table, user_indices, axis=0)
    item_vec = jnp.take(tgt_item_table, item_indices, axis=0)
    dot = jnp.sum(user_vec * item_vec, axis=1)
    return jax.nn.sigmoid(dot)

if __name__ == "__main__":
    import jax
    _d = setup_inputs()
    print(jax.jit(kernel)(*tuple(_d.values())))

</pallas_src>

<mosaic_0001>
#map = affine_map<(d0, d1) -> (0)>
#map1 = affine_map<(d0, d1) -> (0, 0)>
module attributes {stable_mosaic.version = 14 : i64} {
  func.func @cmf_kernel(%arg0: i32, %arg1: i32, %arg2: memref<16384xi32, #tpu.memory_space<hbm>>, %arg3: memref<16384xi32, #tpu.memory_space<hbm>>, %arg4: memref<32x1000000xf32, #tpu.memory_space<hbm>>, %arg5: memref<32x1000000xf32, #tpu.memory_space<hbm>>, %arg6: memref<16384xf32, #tpu.memory_space<hbm>>, %arg7: memref<512xi32, #tpu.memory_space<vmem>>, %arg8: memref<512xi32, #tpu.memory_space<vmem>>, %arg9: memref<768x128xf32, #tpu.memory_space<vmem>>, %arg10: memref<512xf32, #tpu.memory_space<vmem>>, %arg11: memref<512xf32, #tpu.memory_space<vmem>>, %arg12: memref<512xf32, #tpu.memory_space<vmem>>, %arg13: memref<!tpu.dma_semaphore, #tpu.memory_space<semaphore_mem>>, %arg14: memref<!tpu.dma_semaphore, #tpu.memory_space<semaphore_mem>>) attributes {dimension_semantics = [#tpu.dimension_semantics<core_parallel>, #tpu.dimension_semantics<subcore_parallel>], iteration_bounds = array<i64: 2, 16>, scalar_prefetch = 0 : i64, scratch_operands = 8 : i64, tpu.core_type = #tpu.core_type<sc_vector_subcore>, window_params = [{transform_indices = #map}, {transform_indices = #map}, {transform_indices = #map1}, {transform_indices = #map1}, {transform_indices = #map}]} {
    %mul3A = arith.constant 2 : i32
    %mul3A_0 = arith.muli %arg1, %mul3A : i32
    %add3A = arith.addi %mul3A_0, %arg0 : i32
    %mul3A_1 = arith.constant 512 : i32
    %mul3A_2 = arith.muli %add3A, %mul3A_1 : i32
    "tpu.region"() ({
      %run_scoped3A = tpu.sem_alloc : memref<!tpu.dma_semaphore, #tpu.memory_space<semaphore_mem>>
      %dma_start3A = tpu.memref_slice %arg2[%mul3A_2] : memref<16384xi32, #tpu.memory_space<hbm>> -> memref<512xi32, #tpu.memory_space<hbm>>
      %dma_start3A_13 = tpu.memref_slice %arg2[%mul3A_2] : memref<16384xi32, #tpu.memory_space<hbm>> -> memref<512xi32, #tpu.memory_space<hbm>>
      tpu.enqueue_dma source(%dma_start3A_13 : memref<512xi32, #tpu.memory_space<hbm>>) target(%arg7 : memref<512xi32, #tpu.memory_space<vmem>>) target_semaphore(%run_scoped3A : memref<!tpu.dma_semaphore, #tpu.memory_space<semaphore_mem>>)
      %dma_wait3A = tpu.memref_slice %arg2[%mul3A_2] : memref<16384xi32, #tpu.memory_space<hbm>> -> memref<512xi32, #tpu.memory_space<hbm>>
      %dma_wait3A_14 = tpu.memref_slice %arg2[%mul3A_2] : memref<16384xi32, #tpu.memory_space<hbm>> -> memref<512xi32, #tpu.memory_space<hbm>>
      tpu.wait_dma2 semaphore(%run_scoped3A : memref<!tpu.dma_semaphore, #tpu.memory_space<semaphore_mem>>) src(%dma_wait3A_14 : memref<512xi32, #tpu.memory_space<hbm>>) dst(%arg7 : memref<512xi32, #tpu.memory_space<vmem>>)
      tpu.yield
    }) : () -> ()
    "tpu.region"() ({
      %run_scoped3A = tpu.sem_alloc : memref<!tpu.dma_semaphore, #tpu.memory_space<semaphore_mem>>
      %dma_start3A = tpu.memref_slice %arg3[%mul3A_2] : memref<16384xi32, #tpu.memory_space<hbm>> -> memref<512xi32, #tpu.memory_space<hbm>>
      %dma_start3A_13 = tpu.memref_slice %arg3[%mul3A_2] : memref<16384xi32, #tpu.memory_space<hbm>> -> memref<512xi32, #tpu.memory_space<hbm>>
      tpu.enqueue_dma source(%dma_start3A_13 : memref<512xi32, #tpu.memory_space<hbm>>) target(%arg8 : memref<512xi32, #tpu.memory_space<vmem>>) target_semaphore(%run_scoped3A : memref<!tpu.dma_semaphore, #tpu.memory_space<semaphore_mem>>)
      %dma_wait3A = tpu.memref_slice %arg3[%mul3A_2] : memref<16384xi32, #tpu.memory_space<hbm>> -> memref<512xi32, #tpu.memory_space<hbm>>
      %dma_wait3A_14 = tpu.memref_slice %arg3[%mul3A_2] : memref<16384xi32, #tpu.memory_space<hbm>> -> memref<512xi32, #tpu.memory_space<hbm>>
      tpu.wait_dma2 semaphore(%run_scoped3A : memref<!tpu.dma_semaphore, #tpu.memory_space<semaphore_mem>>) src(%dma_wait3A_14 : memref<512xi32, #tpu.memory_space<hbm>>) dst(%arg8 : memref<512xi32, #tpu.memory_space<vmem>>)
      tpu.yield
    }) : () -> ()
    %iota3A = tpu.iota {dimensions = array<i32: 0>} : vector<16xi32>
    %mul3A_3 = arith.constant 32 : i32
    %mul3A_4 = vector.broadcast %mul3A_3 : i32 to vector<16xi32>
    %mul3A_5 = arith.muli %iota3A, %mul3A_4 : vector<16xi32>
    %broadcast_in_dim3A = arith.constant 128 : i32
    %broadcast_in_dim3A_6 = vector.broadcast %broadcast_in_dim3A : i32 to vector<16xi32>
    %scan3A = arith.constant 0 : i32
    %scan3A_7 = arith.constant 0 : i32
    %scan3A_8 = arith.constant 32 : i32
    %scan3A_9 = arith.addi %scan3A_7, %scan3A_8 : i32
    %scan3A_10 = arith.constant 1 : i32
    %scan3A_11 = scf.for %scan3A_13 = %scan3A_7 to %scan3A_9 step %scan3A_10 iter_args(%scan3A_14 = %scan3A) -> (i32)  : i32 {
      %mul3A_15 = arith.constant 16 : i32
      %mul3A_16 = arith.muli %scan3A_13, %mul3A_15 : i32
      %get3A = arith.index_cast %mul3A_16 : i32 to index
      %get3A_17 = tpu.vector_load %arg7[%get3A] {strides = array<i32>} : memref<512xi32, #tpu.memory_space<vmem>>, vector<16xi32>,
      %slice3A = vector.extract_strided_slice %get3A_17 {offsets = [0], sizes = [1], strides = [1]} : vector<16xi32> to vector<1xi32>
      %squeeze3A = vector.extract %slice3A[0] : i32 from vector<1xi32>
      %jit3A = arith.constant 128 : i32
      %div3A = arith.divsi %squeeze3A, %jit3A : i32
      %sign3A = arith.constant 0 : i32
      %sign3A_18 = arith.cmpi sgt, %squeeze3A, %sign3A : i32
      %sign3A_19 = arith.extui %sign3A_18 : i1 to i32
      %sign3A_20 = arith.constant 0 : i32
      %sign3A_21 = arith.cmpi slt, %squeeze3A, %sign3A_20 : i32
      %sign3A_22 = arith.extui %sign3A_21 : i1 to i32
      %sign3A_23 = arith.subi %sign3A_19, %sign3A_22 : i32
      %sign3A_24 = arith.constant 0 : i32
      %sign3A_25 = arith.cmpi sgt, %jit3A, %sign3A_24 : i32
      %sign3A_26 = arith.extui %sign3A_25 : i1 to i32
      %sign3A_27 = arith.constant 0 : i32
      %sign3A_28 = arith.cmpi slt, %jit3A, %sign3A_27 : i32
      %sign3A_29 = arith.extui %sign3A_28 : i1 to i32
      %sign3A_30 = arith.subi %sign3A_26, %sign3A_29 : i32
      %ne3A = arith.cmpi ne, %sign3A_23, %sign3A_30 : i32
      %rem3A = arith.remsi %squeeze3A, %jit3A : i32
      %ne3A_31 = arith.constant 0 : i32
      %ne3A_32 = arith.cmpi ne, %rem3A, %ne3A_31 : i32
      %and3A = arith.andi %ne3A, %ne3A_32 : i1
      %sub3A = arith.constant 1 : i32
      %sub3A_33 = arith.subi %div3A, %sub3A : i32
      %select_n3A = arith.select %and3A, %sub3A_33, %div3A : i32
      %mul3A_34 = arith.constant 128 : i32
      %mul3A_35 = arith.muli %select_n3A, %mul3A_34 : i32
      %multiple_of3A = tpu.assume_multiple %mul3A_35, 128 : i32
      %dma_start3A = arith.constant 0 : i32
      %dma_start3A_36 = arith.constant 0 : i32
      %dma_start3A_37 = tpu.memref_slice %arg9[%dma_start3A, %dma_start3A_36] : memref<768x128xf32, #tpu.memory_space<vmem>> -> memref<32x128xf32, #tpu.memory_space<vmem>>
      %dma_start3A_38 = arith.constant 0 : i32
      %dma_start3A_39 = tpu.memref_slice %arg4[%dma_start3A_38, %multiple_of3A] : memref<32x1000000xf32, #tpu.memory_space<hbm>> -> memref<32x128xf32, #tpu.memory_space<hbm>>
      %dma_start3A_40 = arith.constant 0 : i32
      %dma_start3A_41 = arith.constant 0 : i32
      %dma_start3A_42 = tpu.memref_slice %arg9[%dma_start3A_40, %dma_start3A_41] : memref<768x128xf32, #tpu.memory_space<vmem>> -> memref<32x128xf32, #tpu.memory_space<vmem>>
      %dma_start3A_43 = arith.constant 0 : i32
      %dma_start3A_44 = tpu.memref_slice %arg4[%dma_start3A_43, %multiple_of3A] : memref<32x1000000xf32, #tpu.memory_space<hbm>> -> memref<32x128xf32, #tpu.memory_space<hbm>>
      tpu.enqueue_dma source(%dma_start3A_44 : memref<32x128xf32, #tpu.memory_space<hbm>>) target(%dma_start3A_42 : memref<32x128xf32, #tpu.memory_space<vmem>>) target_semaphore(%arg13 : memref<!tpu.dma_semaphore, #tpu.memory_space<semaphore_mem>>)
      %slice3A_45 = vector.extract_strided_slice %get3A_17 {offsets = [1], sizes = [1], strides = [1]} : vector<16xi32> to vector<1xi32>
      %squeeze3A_46 = vector.extract %slice3A_45[0] : i32 from vector<1xi32>
      %jit3A_47 = arith.constant 128 : i32
      %div3A_48 = arith.divsi %squeeze3A_46, %jit3A_47 : i32
      %sign3A_49 = arith.constant 0 : i32
      %sign3A_50 = arith.cmpi sgt, %squeeze3A_46, %sign3A_49 : i32
      %sign3A_51 = arith.extui %sign3A_50 : i1 to i32
      %sign3A_52 = arith.constant 0 : i32
      %sign3A_53 = arith.cmpi slt, %squeeze3A_46, %sign3A_52 : i32
      %sign3A_54 = arith.extui %sign3A_53 : i1 to i32
      %sign3A_55 = arith.subi %sign3A_51, %sign3A_54 : i32
      %sign3A_56 = arith.constant 0 : i32
      %sign3A_57 = arith.cmpi sgt, %jit3A_47, %sign3A_56 : i32
      %sign3A_58 = arith.extui %sign3A_57 : i1 to i32
      %sign3A_59 = arith.constant 0 : i32
      %sign3A_60 = arith.cmpi slt, %jit3A_47, %sign3A_59 : i32
      %sign3A_61 = arith.extui %sign3A_60 : i1 to i32
      %sign3A_62 = arith.subi %sign3A_58, %sign3A_61 : i32
      %ne3A_63 = arith.cmpi ne, %sign3A_55, %sign3A_62 : i32
      %rem3A_64 = arith.remsi %squeeze3A_46, %jit3A_47 : i32
      %ne3A_65 = arith.constant 0 : i32
      %ne3A_66 = arith.cmpi ne, %rem3A_64, %ne3A_65 : i32
      %and3A_67 = arith.andi %ne3A_63, %ne3A_66 : i1
      %sub3A_68 = arith.constant 1 : i32
      %sub3A_69 = arith.subi %div3A_48, %sub3A_68 : i32
      %select_n3A_70 = arith.select %and3A_67, %sub3A_69, %div3A_48 : i32
      %mul3A_71 = arith.constant 128 : i32
      %mul3A_72 = arith.muli %select_n3A_70, %mul3A_71 : i32
      %multiple_of3A_73 = tpu.assume_multiple %mul3A_72, 128 : i32
      %dma_start3A_74 = arith.constant 32 : i32
      %dma_start3A_75 = arith.constant 0 : i32
      %dma_start3A_76 = tpu.memref_slice %arg9[%dma_start3A_74, %dma_start3A_75] : memref<768x128xf32, #tpu.memory_space<vmem>> -> memref<32x128xf32, #tpu.memory_space<vmem>>
      %dma_start3A_77 = arith.constant 0 : i32
      %dma_start3A_78 = tpu.memref_slice %arg4[%dma_start3A_77, %multiple_of3A_73] : memref<32x1000000xf32, #tpu.memory_space<hbm>> -> memref<32x128xf32, #tpu.memory_space<hbm>>
      %dma_start3A_79 = arith.constant 32 : i32
      %dma_start3A_80 = arith.constant 0 : i32
      %dma_start3A_81 = tpu.memref_slice %arg9[%dma_start3A_79, %dma_start3A_80] : memref<768x128xf32, #tpu.memory_space<vmem>> -> memref<32x128xf32, #tpu.memory_space<vmem>>
      %dma_start3A_82 = arith.constant 0 : i32
      %dma_start3A_83 = tpu.memref_slice %arg4[%dma_start3A_82, %multiple_of3A_73] : memref<32x1000000xf32, #tpu.memory_space<hbm>> -> memref<32x128xf32, #tpu.memory_space<hbm>>
      tpu.enqueue_dma source(%dma_start3A_83 : memref<32x128xf32, #tpu.memory_space<hbm>>) target(%dma_start3A_81 : memref<32x128xf32, #tpu.memory_space<vmem>>) target_semaphore(%arg13 : memref<!tpu.dma_semaphore, #tpu.memory_space<semaphore_mem>>)
      %slice3A_84 = vector.extract_strided_slice %get3A_17 {offsets = [2], sizes = [1], strides = [1]} : vector<16xi32> to vector<1xi32>
      %squeeze3A_85 = vector.extract %slice3A_84[0] : i32 from vector<1xi32>
      %jit3A_86 = arith.constant 128 : i32
      %div3A_87 = arith.divsi %squeeze3A_85, %jit3A_86 : i32
      %sign3A_88 = arith.constant 0 : i32
      %sign3A_89 = arith.cmpi sgt, %squeeze3A_85, %sign3A_88 : i32
      %sign3A_90 = arith.extui %sign3A_89 : i1 to i32
      %sign3A_91 = arith.constant 0 : i32
      %sign3A_92 = arith.cmpi slt, %squeeze3A_85, %sign3A_91 : i32
      %sign3A_93 = arith.extui %sign3A_92 : i1 to i32
      %sign3A_94 = arith.subi %sign3A_90, %sign3A_93 : i32
      %sign3A_95 = arith.constant 0 : i32
      %sign3A_96 = arith.cmpi sgt, %jit3A_86, %sign3A_95 : i32
      %sign3A_97 = arith.extui %sign3A_96 : i1 to i32
      %sign3A_98 = arith.constant 0 : i32
      %sign3A_99 = arith.cmpi slt, %jit3A_86, %sign3A_98 : i32
      %sign3A_100 = arith.extui %sign3A_99 : i1 to i32
      %sign3A_101 = arith.subi %sign3A_97, %sign3A_100 : i32
      %ne3A_102 = arith.cmpi ne, %sign3A_94, %sign3A_101 : i32
      %rem3A_103 = arith.remsi %squeeze3A_85, %jit3A_86 : i32
      %ne3A_104 = arith.constant 0 : i32
      %ne3A_105 = arith.cmpi ne, %rem3A_103, %ne3A_104 : i32
      %and3A_106 = arith.andi %ne3A_102, %ne3A_105 : i1
      %sub3A_107 = arith.constant 1 : i32
      %sub3A_108 = arith.subi %div3A_87, %sub3A_107 : i32
      %select_n3A_109 = arith.select %and3A_106, %sub3A_108, %div3A_87 : i32
      %mul3A_110 = arith.constant 128 : i32
      %mul3A_111 = arith.muli %select_n3A_109, %mul3A_110 : i32
      %multiple_of3A_112 = tpu.assume_multiple %mul3A_111, 128 : i32
      %dma_start3A_113 = arith.constant 64 : i32
      %dma_start3A_114 = arith.constant 0 : i32
      %dma_start3A_115 = tpu.memref_slice %arg9[%dma_start3A_113, %dma_start3A_114] : memref<768x128xf32, #tpu.memory_space<vmem>> -> memref<32x128xf32, #tpu.memory_space<vmem>>
      %dma_start3A_116 = arith.constant 0 : i32
      %dma_start3A_117 = tpu.memref_slice %arg4[%dma_start3A_116, %multiple_of3A_112] : memref<32x1000000xf32, #tpu.memory_space<hbm>> -> memref<32x128xf32, #tpu.memory_space<hbm>>
      %dma_start3A_118 = arith.constant 64 : i32
      %dma_start3A_119 = arith.constant 0 : i32
      %dma_start3A_120 = tpu.memref_slice %arg9[%dma_start3A_118, %dma_start3A_119] : memref<768x128xf32, #tpu.memory_space<vmem>> -> memref<32x128xf32, #tpu.memory_space<vmem>>
      %dma_start3A_121 = arith.constant 0 : i32
      %dma_start3A_122 = tpu.memref_slice %arg4[%dma_start3A_121, %multiple_of3A_112] : memref<32x1000000xf32, #tpu.memory_space<hbm>> -> memref<32x128xf32, #tpu.memory_space<hbm>>
      tpu.enqueue_dma source(%dma_start3A_122 : memref<32x128xf32, #tpu.memory_space<hbm>>) target(%dma_start3A_120 : memref<32x128xf32, #tpu.memory_space<vmem>>) target_semaphore(%arg13 : memref<!tpu.dma_semaphore, #tpu.memory_space<semaphore_mem>>)
      %slice3A_123 = vector.extract_strided_slice %get3A_17 {offsets = [3], sizes = [1], strides = [1]} : vector<16xi32> to vector<1xi32>
      %squeeze3A_124 = vector.extract %slice3A_123[0] : i32 from vector<1xi32>
      %jit3A_125 = arith.constant 128 : i32
      %div3A_126 = arith.divsi %squeeze3A_124, %jit3A_125 : i32
      %sign3A_127 = arith.constant 0 : i32
      %sign3A_128 = arith.cmpi sgt, %squeeze3A_124, %sign3A_127 : i32
      %sign3A_129 = arith.extui %sign3A_128 : i1 to i32
      %sign3A_130 = arith.constant 0 : i32
      %sign3A_131 = arith.cmpi slt, %squeeze3A_124, %sign3A_130 : i32
      %sign3A_132 = arith.extui %sign3A_131 : i1 to i32
      %sign3A_133 = arith.subi %sign3A_129, %sign3A_132 : i32
      %sign3A_134 = arith.constant 0 : i32
      %sign3A_135 = arith.cmpi sgt, %jit3A_125, %sign3A_134 : i32
      %sign3A_136 = arith.extui %sign3A_135 : i1 to i32
      %sign3A_137 = arith.constant 0 : i32
      %sign3A_138 = arith.cmpi slt, %jit3A_125, %sign3A_137 : i32
      %sign3A_139 = arith.extui %sign3A_138 : i1 to i32
      %sign3A_140 = arith.subi %sign3A_136, %sign3A_139 : i32
      %ne3A_141 = arith.cmpi ne, %sign3A_133, %sign3A_140 : i32
      %rem3A_142 = arith.remsi %squeeze3A_124, %jit3A_125 : i32
      %ne3A_143 = arith.constant 0 : i32
      %ne3A_144 = arith.cmpi ne, %rem3A_142, %ne3A_143 : i32
      %and3A_145 = arith.andi %ne3A_141, %ne3A_144 : i1
      %sub3A_146 = arith.constant 1 : i32
      %sub3A_147 = arith.subi %div3A_126, %sub3A_146 : i32
      %select_n3A_148 = arith.select %and3A_145, %sub3A_147, %div3A_126 : i32
      %mul3A_149 = arith.constant 128 : i32
      %mul3A_150 = arith.muli %select_n3A_148, %mul3A_149 : i32
      %multiple_of3A_151 = tpu.assume_multiple %mul3A_150, 128 : i32
      %dma_start3A_152 = arith.constant 96 : i32
      %dma_start3A_153 = arith.constant 0 : i32
      %dma_start3A_154 = tpu.memref_slice %arg9[%dma_start3A_152, %dma_start3A_153] : memref<768x128xf32, #tpu.memory_space<vmem>> -> memref<32x128xf32, #tpu.memory_space<vmem>>
      %dma_start3A_155 = arith.constant 0 : i32
      %dma_start3A_156 = tpu.memref_slice %arg4[%dma_start3A_155, %multiple_of3A_151] : memref<32x1000000xf32, #tpu.memory_space<hbm>> -> memref<32x128xf32, #tpu.memory_space<hbm>>
      %dma_start3A_157 = arith.constant 96 : i32
      %dma_start3A_158 = arith.constant 0 : i32
      %dma_start3A_159 = tpu.memref_slice %arg9[%dma_start3A_157, %dma_start3A_158] : memref<768x128xf32, #tpu.memory_space<vmem>> -> memref<32x128xf32, #tpu.memory_space<vmem>>
      %dma_start3A_160 = arith.constant 0 : i32
      %dma_start3A_161 = tpu.memref_slice %arg4[%dma_start3A_160, %multiple_of3A_151] : memref<32x1000000xf32, #tpu.memory_space<hbm>> -> memref<32x128xf32, #tpu.memory_space<hbm>>
      tpu.enqueue_dma source(%dma_start3A_161 : memref<32x128xf32, #tpu.memory_space<hbm>>) target(%dma_start3A_159 : memref<32x128xf32, #tpu.memory_space<vmem>>) target_semaphore(%arg13 : memref<!tpu.dma_semaphore, #tpu.memory_space<semaphore_mem>>)
      %slice3A_162 = vector.extract_strided_slice %get3A_17 {offsets = [4], sizes = [1], strides = [1]} : vector<16xi32> to vector<1xi32>
      %squeeze3A_163 = vector.extract %slice3A_162[0] : i32 from vector<1xi32>
      %jit3A_164 = arith.constant 128 : i32
      %div3A_165 = arith.divsi %squeeze3A_163, %jit3A_164 : i32
      %sign3A_166 = arith.constant 0 : i32
      %sign3A_167 = arith.cmpi sgt, %squeeze3A_163, %sign3A_166 : i32
      %sign3A_168 = arith.extui %sign3A_167 : i1 to i32
      %sign3A_169 = arith.constant 0 : i32
      %sign3A_170 = arith.cmpi slt, %squeeze3A_163, %sign3A_169 : i32
      %sign3A_171 = arith.extui %sign3A_170 : i1 to i32
      %sign3A_172 = arith.subi %sign3A_168, %sign3A_171 : i32
      %sign3A_173 = arith.constant 0 : i32
      %sign3A_174 = arith.cmpi sgt, %jit3A_164, %sign3A_173 : i32
      %sign3A_175 = arith.extui %sign3A_174 : i1 to i32
      %sign3A_176 = arith.constant 0 : i32
      %sign3A_177 = arith.cmpi slt, %jit3A_164, %sign3A_176 : i32
      %sign3A_178 = arith.extui %sign3A_177 : i1 to i32
      %sign3A_179 = arith.subi %sign3A_175, %sign3A_178 : i32
      %ne3A_180 = arith.cmpi ne, %sign3A_172, %sign3A_179 : i32
      %rem3A_181 = arith.remsi %squeeze3A_163, %jit3A_164 : i32
      %ne3A_182 = arith.constant 0 : i32
      %ne3A_183 = arith.cmpi ne, %rem3A_181, %ne3A_182 : i32
      %and3A_184 = arith.andi %ne3A_180, %ne3A_183 : i1
      %sub3A_185 = arith.constant 1 : i32
      %sub3A_186 = arith.subi %div3A_165, %sub3A_185 : i32
      %select_n3A_187 = arith.select %and3A_184, %sub3A_186, %div3A_165 : i32
      %mul3A_188 = arith.constant 128 : i32
      %mul3A_189 = arith.muli %select_n3A_187, %mul3A_188 : i32
      %multiple_of3A_190 = tpu.assume_multiple %mul3A_189, 128 : i32
      %dma_start3A_191 = arith.constant 128 : i32
      %dma_start3A_192 = arith.constant 0 : i32
      %dma_start3A_193 = tpu.memref_slice %arg9[%dma_start3A_191, %dma_start3A_192] : memref<768x128xf32, #tpu.memory_space<vmem>> -> memref<32x128xf32, #tpu.memory_space<vmem>>
      %dma_start3A_194 = arith.constant 0 : i32
      %dma_start3A_195 = tpu.memref_slice %arg4[%dma_start3A_194, %multiple_of3A_190] : memref<32x1000000xf32, #tpu.memory_space<hbm>> -> memref<32x128xf32, #tpu.memory_space<hbm>>
      %dma_start3A_196 = arith.constant 128 : i32
      %dma_start3A_197 = arith.constant 0 : i32
      %dma_start3A_198 = tpu.memref_slice %arg9[%dma_start3A_196, %dma_start3A_197] : memref<768x128xf32, #tpu.memory_space<vmem>> -> memref<32x128xf32, #tpu.memory_space<vmem>>
      %dma_start3A_199 = arith.constant 0 : i32
      %dma_start3A_200 = tpu.memref_slice %arg4[%dma_start3A_199, %multiple_of3A_190] : memref<32x1000000xf32, #tpu.memory_space<hbm>> -> memref<32x128xf32, #tpu.memory_space<hbm>>
      tpu.enqueue_dma source(%dma_start3A_200 : memref<32x128xf32, #tpu.memory_space<hbm>>) target(%dma_start3A_198 : memref<32x128xf32, #tpu.memory_space<vmem>>) target_semaphore(%arg13 : memref<!tpu.dma_semaphore, #tpu.memory_space<semaphore_mem>>)
      %slice3A_201 = vector.extract_strided_slice %get3A_17 {offsets = [5], sizes = [1], strides = [1]} : vector<16xi32> to vector<1xi32>
      %squeeze3A_202 = vector.extract %slice3A_201[0] : i32 from vector<1xi32>
      %jit3A_203 = arith.constant 128 : i32
      %div3A_204 = arith.divsi %squeeze3A_202, %jit3A_203 : i32
      %sign3A_205 = arith.constant 0 : i32
      %sign3A_206 = arith.cmpi sgt, %squeeze3A_202, %sign3A_205 : i32
      %sign3A_207 = arith.extui %sign3A_206 : i1 to i32
      %sign3A_208 = arith.constant 0 : i32
      %sign3A_209 = arith.cmpi slt, %squeeze3A_202, %sign3A_208 : i32
      %sign3A_210 = arith.extui %sign3A_209 : i1 to i32
      %sign3A_211 = arith.subi %sign3A_207, %sign3A_210 : i32
      %sign3A_212 = arith.constant 0 : i32
      %sign3A_213 = arith.cmpi sgt, %jit3A_203, %sign3A_212 : i32
      %sign3A_214 = arith.extui %sign3A_213 : i1 to i32
      %sign3A_215 = arith.constant 0 : i32
      %sign3A_216 = arith.cmpi slt, %jit3A_203, %sign3A_215 : i32
      %sign3A_217 = arith.extui %sign3A_216 : i1 to i32
      %sign3A_218 = arith.subi %sign3A_214, %sign3A_217 : i32
      %ne3A_219 = arith.cmpi ne, %sign3A_211, %sign3A_218 : i32
      %rem3A_220 = arith.remsi %squeeze3A_202, %jit3A_203 : i32
      %ne3A_221 = arith.constant 0 : i32
      %ne3A_222 = arith.cmpi ne, %rem3A_220, %ne3A_221 : i32
      %and3A_223 = arith.andi %ne3A_219, %ne3A_222 : i1
      %sub3A_224 = arith.constant 1 : i32
      %sub3A_225 = arith.subi %div3A_204, %sub3A_224 : i32
      %select_n3A_226 = arith.select %and3A_223, %sub3A_225, %div3A_204 : i32
      %mul3A_227 = arith.constant 128 : i32
      %mul3A_228 = arith.muli %select_n3A_226, %mul3A_227 : i32
      %multiple_of3A_229 = tpu.assume_multiple %mul3A_228, 128 : i32
      %dma_start3A_230 = arith.constant 160 : i32
      %dma_start3A_231 = arith.constant 0 : i32
      %dma_start3A_232 = tpu.memref_slice %arg9[%dma_start3A_230, %dma_start3A_231] : memref<768x128xf32, #tpu.memory_space<vmem>> -> memref<32x128xf32, #tpu.memory_space<vmem>>
      %dma_start3A_233 = arith.constant 0 : i32
      %dma_start3A_234 = tpu.memref_slice %arg4[%dma_start3A_233, %multiple_of3A_229] : memref<32x1000000xf32, #tpu.memory_space<hbm>> -> memref<32x128xf32, #tpu.memory_space<hbm>>
      %dma_start3A_235 = arith.constant 160 : i32
      %dma_start3A_236 = arith.constant 0 : i32
      %dma_start3A_237 = tpu.memref_slice %arg9[%dma_start3A_235, %dma_start3A_236] : memref<768x128xf32, #tpu.memory_space<vmem>> -> memref<32x128xf32, #tpu.memory_space<vmem>>
      %dma_start3A_238 = arith.constant 0 : i32
      %dma_start3A_239 = tpu.memref_slice %arg4[%dma_start3A_238, %multiple_of3A_229] : memref<32x1000000xf32, #tpu.memory_space<hbm>> -> memref<32x128xf32, #tpu.memory_space<hbm>>
      tpu.enqueue_dma source(%dma_start3A_239 : memref<32x128xf32, #tpu.memory_space<hbm>>) target(%dma_start3A_237 : memref<32x128xf32, #tpu.memory_space<vmem>>) target_semaphore(%arg13 : memref<!tpu.dma_semaphore, #tpu.memory_space<semaphore_mem>>)
      %slice3A_240 = vector.extract_strided_slice %get3A_17 {offsets = [6], sizes = [1], strides = [1]} : vector<16xi32> to vector<1xi32>
      %squeeze3A_241 = vector.extract %slice3A_240[0] : i32 from vector<1xi32>
      %jit3A_242 = arith.constant 128 : i32
      %div3A_243 = arith.divsi %squeeze3A_241, %jit3A_242 : i32
      %sign3A_244 = arith.constant 0 : i32
      %sign3A_245 = arith.cmpi sgt, %squeeze3A_241, %sign3A_244 : i32
      %sign3A_246 = arith.extui %sign3A_245 : i1 to i32
      %sign3A_247 = arith.constant 0 : i32
      %sign3A_248 = arith.cmpi slt, %squeeze3A_241, %sign3A_247 : i32
      %sign3A_249 = arith.extui %sign3A_248 : i1 to i32
      %sign3A_250 = arith.subi %sign3A_246, %sign3A_249 : i32
      %sign3A_251 = arith.constant 0 : i32
      %sign3A_252 = arith.cmpi sgt, %jit3A_242, %sign3A_251 : i32
      %sign3A_253 = arith.extui %sign3A_252 : i1 to i32
      %sign3A_254 = arith.constant 0 : i32
      %sign3A_255 = arith.cmpi slt, %jit3A_242, %sign3A_254 : i32
      %sign3A_256 = arith.extui %sign3A_255 : i1 to i32
      %sign3A_257 = arith.subi %sign3A_253, %sign3A_256 : i32
      %ne3A_258 = arith.cmpi ne, %sign3A_250, %sign3A_257 : i32
      %rem3A_259 = arith.remsi %squeeze3A_241, %jit3A_242 : i32
      %ne3A_260 = arith.constant 0 : i32
      %ne3A_261 = arith.cmpi ne, %rem3A_259, %ne3A_260 : i32
      %and3A_262 = arith.andi %ne3A_258, %ne3A_261 : i1
      %sub3A_263 = arith.constant 1 : i32
      %sub3A_264 = arith.subi %div3A_243, %sub3A_263 : i32
      %select_n3A_265 = arith.select %and3A_262, %sub3A_264, %div3A_243 : i32
      %mul3A_266 = arith.constant 128 : i32
      %mul3A_267 = arith.muli %select_n3A_265, %mul3A_266 : i32
      %multiple_of3A_268 = tpu.assume_multiple %mul3A_267, 128 : i32
      %dma_start3A_269 = arith.constant 192 : i32
      %dma_start3A_270 = arith.constant 0 : i32
      %dma_start3A_271 = tpu.memref_slice %arg9[%dma_start3A_269, %dma_start3A_270] : memref<768x128xf32, #tpu.memory_space<vmem>> -> memref<32x128xf32, #tpu.memory_space<vmem>>
      %dma_start3A_272 = arith.constant 0 : i32
      %dma_start3A_273 = tpu.memref_slice %arg4[%dma_start3A_272, %multiple_of3A_268] : memref<32x1000000xf32, #tpu.memory_space<hbm>> -> memref<32x128xf32, #tpu.memory_space<hbm>>
      %dma_start3A_274 = arith.constant 192 : i32
      %dma_start3A_275 = arith.constant 0 : i32
      %dma_start3A_276 = tpu.memref_slice %arg9[%dma_start3A_274, %dma_start3A_275] : memref<768x128xf32, #tpu.memory_space<vmem>> -> memref<32x128xf32, #tpu.memory_space<vmem>>
      %dma_start3A_277 = arith.constant 0 : i32
      %dma_start3A_278 = tpu.memref_slice %arg4[%dma_start3A_277, %multiple_of3A_268] : memref<32x1000000xf32, #tpu.memory_space<hbm>> -> memref<32x128xf32, #tpu.memory_space<hbm>>
      tpu.enqueue_dma source(%dma_start3A_278 : memref<32x128xf32, #tpu.memory_space<hbm>>) target(%dma_start3A_276 : memref<32x128xf32, #tpu.memory_space<vmem>>) target_semaphore(%arg13 : memref<!tpu.dma_semaphore, #tpu.memory_space<semaphore_mem>>)
      %slice3A_279 = vector.extract_strided_slice %get3A_17 {offsets = [7], sizes = [1], strides = [1]} : vector<16xi32> to vector<1xi32>
      %squeeze3A_280 = vector.extract %slice3A_279[0] : i32 from vector<1xi32>
      %jit3A_281 = arith.constant 128 : i32
      %div3A_282 = arith.divsi %squeeze3A_280, %jit3A_281 : i32
      %sign3A_283 = arith.constant 0 : i32
      %sign3A_284 = arith.cmpi sgt, %squeeze3A_280, %sign3A_283 : i32
      %sign3A_285 = arith.extui %sign3A_284 : i1 to i32
      %sign3A_286 = arith.constant 0 : i32
      %sign3A_287 = arith.cmpi slt, %squeeze3A_280, %sign3A_286 : i32
      %sign3A_288 = arith.extui %sign3A_287 : i1 to i32
      %sign3A_289 = arith.subi %sign3A_285, %sign3A_288 : i32
      %sign3A_290 = arith.constant 0 : i32
      %sign3A_291 = arith.cmpi sgt, %jit3A_281, %sign3A_290 : i32
      %sign3A_292 = arith.extui %sign3A_291 : i1 to i32
      %sign3A_293 = arith.constant 0 : i32
      %sign3A_294 = arith.cmpi slt, %jit3A_281, %sign3A_293 : i32
      %sign3A_295 = arith.extui %sign3A_294 : i1 to i32
      %sign3A_296 = arith.subi %sign3A_292, %sign3A_295 : i32
      %ne3A_297 = arith.cmpi ne, %sign3A_289, %sign3A_296 : i32
      %rem3A_298 = arith.remsi %squeeze3A_280, %jit3A_281 : i32
      %ne3A_299 = arith.constant 0 : i32
      %ne3A_300 = arith.cmpi ne, %rem3A_298, %ne3A_299 : i32
      %and3A_301 = arith.andi %ne3A_297, %ne3A_300 : i1
      %sub3A_302 = arith.constant 1 : i32
      %sub3A_303 = arith.subi %div3A_282, %sub3A_302 : i32
      %select_n3A_304 = arith.select %and3A_301, %sub3A_303, %div3A_282 : i32
      %mul3A_305 = arith.constant 128 : i32
      %mul3A_306 = arith.muli %select_n3A_304, %mul3A_305 : i32
      %multiple_of3A_307 = tpu.assume_multiple %mul3A_306, 128 : i32
      %dma_start3A_308 = arith.constant 224 : i32
      %dma_start3A_309 = arith.constant 0 : i32
      %dma_start3A_310 = tpu.memref_slice %arg9[%dma_start3A_308, %dma_start3A_309] : memref<768x128xf32, #tpu.memory_space<vmem>> -> memref<32x128xf32, #tpu.memory_space<vmem>>
      %dma_start3A_311 = arith.constant 0 : i32
      %dma_start3A_312 = tpu.memref_slice %arg4[%dma_start3A_311, %multiple_of3A_307] : memref<32x1000000xf32, #tpu.memory_space<hbm>> -> memref<32x128xf32, #tpu.memory_space<hbm>>
      %dma_start3A_313 = arith.constant 224 : i32
      %dma_start3A_314 = arith.constant 0 : i32
      %dma_start3A_315 = tpu.memref_slice %arg9[%dma_start3A_313, %dma_start3A_314] : memref<768x128xf32, #tpu.memory_space<vmem>> -> memref<32x128xf32, #tpu.memory_space<vmem>>
      %dma_start3A_316 = arith.constant 0 : i32
      %dma_start3A_317 = tpu.memref_slice %arg4[%dma_start3A_316, %multiple_of3A_307] : memref<32x1000000xf32, #tpu.memory_space<hbm>> -> memref<32x128xf32, #tpu.memory_space<hbm>>
      tpu.enqueue_dma source(%dma_start3A_317 : memref<32x128xf32, #tpu.memory_space<hbm>>) target(%dma_start3A_315 : memref<32x128xf32, #tpu.memory_space<vmem>>) target_semaphore(%arg13 : memref<!tpu.dma_semaphore, #tpu.memory_space<semaphore_mem>>)
      %slice3A_318 = vector.extract_strided_slice %get3A_17 {offsets = [8], sizes = [1], strides = [1]} : vector<16xi32> to vector<1xi32>
      %squeeze3A_319 = vector.extract %slice3A_318[0] : i32 from vector<1xi32>
      %jit3A_320 = arith.constant 128 : i32
      %div3A_321 = arith.divsi %squeeze3A_319, %jit3A_320 : i32
      %sign3A_322 = arith.constant 0 : i32
      %sign3A_323 = arith.cmpi sgt, %squeeze3A_319, %sign3A_322 : i32
      %sign3A_324 = arith.extui %sign3A_323 : i1 to i32
      %sign3A_325 = arith.constant 0 : i32
      %sign3A_326 = arith.cmpi slt, %squeeze3A_319, %sign3A_325 : i32
      %sign3A_327 = arith.extui %sign3A_326 : i1 to i32
      %sign3A_328 = arith.subi %sign3A_324, %sign3A_327 : i32
      %sign3A_329 = arith.constant 0 : i32
      %sign3A_330 = arith.cmpi sgt, %jit3A_320, %sign3A_329 : i32
      %sign3A_331 = arith.extui %sign3A_330 : i1 to i32
      %sign3A_332 = arith.constant 0 : i32
      %sign3A_333 = arith.cmpi slt, %jit3A_320, %sign3A_332 : i32
      %sign3A_334 = arith.extui %sign3A_333 : i1 to i32
      %sign3A_335 = arith.subi %sign3A_331, %sign3A_334 : i32
      %ne3A_336 = arith.cmpi ne, %sign3A_328, %sign3A_335 : i32
      %rem3A_337 = arith.remsi %squeeze3A_319, %jit3A_320 : i32
      %ne3A_338 = arith.constant 0 : i32
      %ne3A_339 = arith.cmpi ne, %rem3A_337, %ne3A_338 : i32
      %and3A_340 = arith.andi %ne3A_336, %ne3A_339 : i1
      %sub3A_341 = arith.constant 1 : i32
      %sub3A_342 = arith.subi %div3A_321, %sub3A_341 : i32
      %select_n3A_343 = arith.select %and3A_340, %sub3A_342, %div3A_321 : i32
      %mul3A_344 = arith.constant 128 : i32
      %mul3A_345 = arith.muli %select_n3A_343, %mul3A_344 : i32
      %multiple_of3A_346 = tpu.assume_multiple %mul3A_345, 128 : i32
      %dma_start3A_347 = arith.constant 256 : i32
      %dma_start3A_348 = arith.constant 0 : i32
      %dma_start3A_349 = tpu.memref_slice %arg9[%dma_start3A_347, %dma_start3A_348] : memref<768x128xf32, #tpu.memory_space<vmem>> -> memref<32x128xf32, #tpu.memory_space<vmem>>
      %dma_start3A_350 = arith.constant 0 : i32
      %dma_start3A_351 = tpu.memref_slice %arg4[%dma_start3A_350, %multiple_of3A_346] : memref<32x1000000xf32, #tpu.memory_space<hbm>> -> memref<32x128xf32, #tpu.memory_space<hbm>>
      %dma_start3A_352 = arith.constant 256 : i32
      %dma_start3A_353 = arith.constant 0 : i32
      %dma_start3A_354 = tpu.memref_slice %arg9[%dma_start3A_352, %dma_start3A_353] : memref<768x128xf32, #tpu.memory_space<vmem>> -> memref<32x128xf32, #tpu.memory_space<vmem>>
      %dma_start3A_355 = arith.constant 0 : i32
      %dma_start3A_356 = tpu.memref_slice %arg4[%dma_start3A_355, %multiple_of3A_346] : memref<32x1000000xf32, #tpu.memory_space<hbm>> -> memref<32x128xf32, #tpu.memory_space<hbm>>
      tpu.enqueue_dma source(%dma_start3A_356 : memref<32x128xf32, #tpu.memory_space<hbm>>) target(%dma_start3A_354 : memref<32x128xf32, #tpu.memory_space<vmem>>) target_semaphore(%arg13 : memref<!tpu.dma_semaphore, #tpu.memory_space<semaphore_mem>>)
      %slice3A_357 = vector.extract_strided_slice %get3A_17 {offsets = [9], sizes = [1], strides = [1]} : vector<16xi32> to vector<1xi32>
      %squeeze3A_358 = vector.extract %slice3A_357[0] : i32 from vector<1xi32>
      %jit3A_359 = arith.constant 128 : i32
      %div3A_360 = arith.divsi %squeeze3A_358, %jit3A_359 : i32
      %sign3A_361 = arith.constant 0 : i32
      %sign3A_362 = arith.cmpi sgt, %squeeze3A_358, %sign3A_361 : i32
      %sign3A_363 = arith.extui %sign3A_362 : i1 to i32
      %sign3A_364 = arith.constant 0 : i32
      %sign3A_365 = arith.cmpi slt, %squeeze3A_358, %sign3A_364 : i32
      %sign3A_366 = arith.extui %sign3A_365 : i1 to i32
      %sign3A_367 = arith.subi %sign3A_363, %sign3A_366 : i32
      %sign3A_368 = arith.constant 0 : i32
      %sign3A_369 = arith.cmpi sgt, %jit3A_359, %sign3A_368 : i32
      %sign3A_370 = arith.extui %sign3A_369 : i1 to i32
      %sign3A_371 = arith.constant 0 : i32
      %sign3A_372 = arith.cmpi slt, %jit3A_359, %sign3A_371 : i32
      %sign3A_373 = arith.extui %sign3A_372 : i1 to i32
      %sign3A_374 = arith.subi %sign3A_370, %sign3A_373 : i32
      %ne3A_375 = arith.cmpi ne, %sign3A_367, %sign3A_374 : i32
      %rem3A_376 = arith.remsi %squeeze3A_358, %jit3A_359 : i32
      %ne3A_377 = arith.constant 0 : i32
      %ne3A_378 = arith.cmpi ne, %rem3A_376, %ne3A_377 : i32
      %and3A_379 = arith.andi %ne3A_375, %ne3A_378 : i1
      %sub3A_380 = arith.constant 1 : i32
      %sub3A_381 = arith.subi %div3A_360, %sub3A_380 : i32
      %select_n3A_382 = arith.select %and3A_379, %sub3A_381, %div3A_360 : i32
      %mul3A_383 = arith.constant 128 : i32
      %mul3A_384 = arith.muli %select_n3A_382, %mul3A_383 : i32
      %multiple_of3A_385 = tpu.assume_multiple %mul3A_384, 128 : i32
      %dma_start3A_386 = arith.constant 288 : i32
      %dma_start3A_387 = arith.constant 0 : i32
      %dma_start3A_388 = tpu.memref_slice %arg9[%dma_start3A_386, %dma_start3A_387] : memref<768x128xf32, #tpu.memory_space<vmem>> -> memref<32x128xf32, #tpu.memory_space<vmem>>
      %dma_start3A_389 = arith.constant 0 : i32
      %dma_start3A_390 = tpu.memref_slice %arg4[%dma_start3A_389, %multiple_of3A_385] : memref<32x1000000xf32, #tpu.memory_space<hbm>> -> memref<32x128xf32, #tpu.memory_space<hbm>>
      %dma_start3A_391 = arith.constant 288 : i32
      %dma_start3A_392 = arith.constant 0 : i32
      %dma_start3A_393 = tpu.memref_slice %arg9[%dma_start3A_391, %dma_start3A_392] : memref<768x128xf32, #tpu.memory_space<vmem>> -> memref<32x128xf32, #tpu.memory_space<vmem>>
      %dma_start3A_394 = arith.constant 0 : i32
      %dma_start3A_395 = tpu.memref_slice %arg4[%dma_start3A_394, %multiple_of3A_385] : memref<32x1000000xf32, #tpu.memory_space<hbm>> -> memref<32x128xf32, #tpu.memory_space<hbm>>
      tpu.enqueue_dma source(%dma_start3A_395 : memref<32x128xf32, #tpu.memory_space<hbm>>) target(%dma_start3A_393 : memref<32x128xf32, #tpu.memory_space<vmem>>) target_semaphore(%arg13 : memref<!tpu.dma_semaphore, #tpu.memory_space<semaphore_mem>>)
      %slice3A_396 = vector.extract_strided_slice %get3A_17 {offsets = [10], sizes = [1], strides = [1]} : vector<16xi32> to vector<1xi32>
      %squeeze3A_397 = vector.extract %slice3A_396[0] : i32 from vector<1xi32>
      %jit3A_398 = arith.constant 128 : i32
      %div3A_399 = arith.divsi %squeeze3A_397, %jit3A_398 : i32
      %sign3A_400 = arith.constant 0 : i32
      %sign3A_401 = arith.cmpi sgt, %squeeze3A_397, %sign3A_400 : i32
      %sign3A_402 = arith.extui %sign3A_401 : i1 to i32
      %sign3A_403 = arith.constant 0 : i32
      %sign3A_404 = arith.cmpi slt, %squeeze3A_397, %sign3A_403 : i32
      %sign3A_405 = arith.extui %sign3A_404 : i1 to i32
      %sign3A_406 = arith.subi %sign3A_402, %sign3A_405 : i32
      %sign3A_407 = arith.constant 0 : i32
      %sign3A_408 = arith.cmpi sgt, %jit3A_398, %sign3A_407 : i32
      %sign3A_409 = arith.extui %sign3A_408 : i1 to i32
      %sign3A_410 = arith.constant 0 : i32
      %sign3A_411 = arith.cmpi slt, %jit3A_398, %sign3A_410 : i32
      %sign3A_412 = arith.extui %sign3A_411 : i1 to i32
      %sign3A_413 = arith.subi %sign3A_409, %sign3A_412 : i32
      %ne3A_414 = arith.cmpi ne, %sign3A_406, %sign3A_413 : i32
      %rem3A_415 = arith.remsi %squeeze3A_397, %jit3A_398 : i32
      %ne3A_416 = arith.constant 0 : i32
      %ne3A_417 = arith.cmpi ne, %rem3A_415, %ne3A_416 : i32
      %and3A_418 = arith.andi %ne3A_414, %ne3A_417 : i1
      %sub3A_419 = arith.constant 1 : i32
      %sub3A_420 = arith.subi %div3A_399, %sub3A_419 : i32
      %select_n3A_421 = arith.select %and3A_418, %sub3A_420, %div3A_399 : i32
      %mul3A_422 = arith.constant 128 : i32
      %mul3A_423 = arith.muli %select_n3A_421, %mul3A_422 : i32
      %multiple_of3A_424 = tpu.assume_multiple %mul3A_423, 128 : i32
      %dma_start3A_425 = arith.constant 320 : i32
      %dma_start3A_426 = arith.constant 0 : i32
      %dma_start3A_427 = tpu.memref_slice %arg9[%dma_start3A_425, %dma_start3A_426] : memref<768x128xf32, #tpu.memory_space<vmem>> -> memref<32x128xf32, #tpu.memory_space<vmem>>
      %dma_start3A_428 = arith.constant 0 : i32
      %dma_start3A_429 = tpu.memref_slice %arg4[%dma_start3A_428, %multiple_of3A_424] : memref<32x1000000xf32, #tpu.memory_space<hbm>> -> memref<32x128xf32, #tpu.memory_space<hbm>>
      %dma_start3A_430 = arith.constant 320 : i32
      %dma_start3A_431 = arith.constant 0 : i32
      %dma_start3A_432 = tpu.memref_slice %arg9[%dma_start3A_430, %dma_start3A_431] : memref<768x128xf32, #tpu.memory_space<vmem>> -> memref<32x128xf32, #tpu.memory_space<vmem>>
      %dma_start3A_433 = arith.constant 0 : i32
      %dma_start3A_434 = tpu.memref_slice %arg4[%dma_start3A_433, %multiple_of3A_424] : memref<32x1000000xf32, #tpu.memory_space<hbm>> -> memref<32x128xf32, #tpu.memory_space<hbm>>
      tpu.enqueue_dma source(%dma_start3A_434 : memref<32x128xf32, #tpu.memory_space<hbm>>) target(%dma_start3A_432 : memref<32x128xf32, #tpu.memory_space<vmem>>) target_semaphore(%arg13 : memref<!tpu.dma_semaphore, #tpu.memory_space<semaphore_mem>>)
      %slice3A_435 = vector.extract_strided_slice %get3A_17 {offsets = [11], sizes = [1], strides = [1]} : vector<16xi32> to vector<1xi32>
      %squeeze3A_436 = vector.extract %slice3A_435[0] : i32 from vector<1xi32>
      %jit3A_437 = arith.constant 128 : i32
      %div3A_438 = arith.divsi %squeeze3A_436, %jit3A_437 : i32
      %sign3A_439 = arith.constant 0 : i32
      %sign3A_440 = arith.cmpi sgt, %squeeze3A_436, %sign3A_439 : i32
      %sign3A_441 = arith.extui %sign3A_440 : i1 to i32
      %sign3A_442 = arith.constant 0 : i32
      %sign3A_443 = arith.cmpi slt, %squeeze3A_436, %sign3A_442 : i32
      %sign3A_444 = arith.extui %sign3A_443 : i1 to i32
      %sign3A_445 = arith.subi %sign3A_441, %sign3A_444 : i32
      %sign3A_446 = arith.constant 0 : i32
      %sign3A_447 = arith.cmpi sgt, %jit3A_437, %sign3A_446 : i32
      %sign3A_448 = arith.extui %sign3A_447 : i1 to i32
      %sign3A_449 = arith.constant 0 : i32
      %sign3A_450 = arith.cmpi slt, %jit3A_437, %sign3A_449 : i32
      %sign3A_451 = arith.extui %sign3A_450 : i1 to i32
      %sign3A_452 = arith.subi %sign3A_448, %sign3A_451 : i32
      %ne3A_453 = arith.cmpi ne, %sign3A_445, %sign3A_452 : i32
      %rem3A_454 = arith.remsi %squeeze3A_436, %jit3A_437 : i32
      %ne3A_455 = arith.constant 0 : i32
      %ne3A_456 = arith.cmpi ne, %rem3A_454, %ne3A_455 : i32
      %and3A_457 = arith.andi %ne3A_453, %ne3A_456 : i1
      %sub3A_458 = arith.constant 1 : i32
      %sub3A_459 = arith.subi %div3A_438, %sub3A_458 : i32
      %select_n3A_460 = arith.select %and3A_457, %sub3A_459, %div3A_438 : i32
      %mul3A_461 = arith.constant 128 : i32
      %mul3A_462 = arith.muli %select_n3A_460, %mul3A_461 : i32
      %multiple_of3A_463 = tpu.assume_multiple %mul3A_462, 128 : i32
      %dma_start3A_464 = arith.constant 352 : i32
      %dma_start3A_465 = arith.constant 0 : i32
      %dma_start3A_466 = tpu.memref_slice %arg9[%dma_start3A_464, %dma_start3A_465] : memref<768x128xf32, #tpu.memory_space<vmem>> -> memref<32x128xf32, #tpu.memory_space<vmem>>
      %dma_start3A_467 = arith.constant 0 : i32
      %dma_start3A_468 = tpu.memref_slice %arg4[%dma_start3A_467, %multiple_of3A_463] : memref<32x1000000xf32, #tpu.memory_space<hbm>> -> memref<32x128xf32, #tpu.memory_space<hbm>>
      %dma_start3A_469 = arith.constant 352 : i32
      %dma_start3A_470 = arith.constant 0 : i32
      %dma_start3A_471 = tpu.memref_slice %arg9[%dma_start3A_469, %dma_start3A_470] : memref<768x128xf32, #tpu.memory_space<vmem>> -> memref<32x128xf32, #tpu.memory_space<vmem>>
      %dma_start3A_472 = arith.constant 0 : i32
      %dma_start3A_473 = tpu.memref_slice %arg4[%dma_start3A_472, %multiple_of3A_463] : memref<32x1000000xf32, #tpu.memory_space<hbm>> -> memref<32x128xf32, #tpu.memory_space<hbm>>
      tpu.enqueue_dma source(%dma_start3A_473 : memref<32x128xf32, #tpu.memory_space<hbm>>) target(%dma_start3A_471 : memref<32x128xf32, #tpu.memory_space<vmem>>) target_semaphore(%arg13 : memref<!tpu.dma_semaphore, #tpu.memory_space<semaphore_mem>>)
      %slice3A_474 = vector.extract_strided_slice %get3A_17 {offsets = [12], sizes = [1], strides = [1]} : vector<16xi32> to vector<1xi32>
      %squeeze3A_475 = vector.extract %slice3A_474[0] : i32 from vector<1xi32>
      %jit3A_476 = arith.constant 128 : i32
      %div3A_477 = arith.divsi %squeeze3A_475, %jit3A_476 : i32
      %sign3A_478 = arith.constant 0 : i32
      %sign3A_479 = arith.cmpi sgt, %squeeze3A_475, %sign3A_478 : i32
      %sign3A_480 = arith.extui %sign3A_479 : i1 to i32
      %sign3A_481 = arith.constant 0 : i32
      %sign3A_482 = arith.cmpi slt, %squeeze3A_475, %sign3A_481 : i32
      %sign3A_483 = arith.extui %sign3A_482 : i1 to i32
      %sign3A_484 = arith.subi %sign3A_480, %sign3A_483 : i32
      %sign3A_485 = arith.constant 0 : i32
      %sign3A_486 = arith.cmpi sgt, %jit3A_476, %sign3A_485 : i32
      %sign3A_487 = arith.extui %sign3A_486 : i1 to i32
      %sign3A_488 = arith.constant 0 : i32
      %sign3A_489 = arith.cmpi slt, %jit3A_476, %sign3A_488 : i32
      %sign3A_490 = arith.extui %sign3A_489 : i1 to i32
      %sign3A_491 = arith.subi %sign3A_487, %sign3A_490 : i32
      %ne3A_492 = arith.cmpi ne, %sign3A_484, %sign3A_491 : i32
      %rem3A_493 = arith.remsi %squeeze3A_475, %jit3A_476 : i32
      %ne3A_494 = arith.constant 0 : i32
      %ne3A_495 = arith.cmpi ne, %rem3A_493, %ne3A_494 : i32
      %and3A_496 = arith.andi %ne3A_492, %ne3A_495 : i1
      %sub3A_497 = arith.constant 1 : i32
      %sub3A_498 = arith.subi %div3A_477, %sub3A_497 : i32
      %select_n3A_499 = arith.select %and3A_496, %sub3A_498, %div3A_477 : i32
      %mul3A_500 = arith.constant 128 : i32
      %mul3A_501 = arith.muli %select_n3A_499, %mul3A_500 : i32
      %multiple_of3A_502 = tpu.assume_multiple %mul3A_501, 128 : i32
      %dma_start3A_503 = arith.constant 384 : i32
      %dma_start3A_504 = arith.constant 0 : i32
      %dma_start3A_505 = tpu.memref_slice %arg9[%dma_start3A_503, %dma_start3A_504] : memref<768x128xf32, #tpu.memory_space<vmem>> -> memref<32x128xf32, #tpu.memory_space<vmem>>
      %dma_start3A_506 = arith.constant 0 : i32
      %dma_start3A_507 = tpu.memref_slice %arg4[%dma_start3A_506, %multiple_of3A_502] : memref<32x1000000xf32, #tpu.memory_space<hbm>> -> memref<32x128xf32, #tpu.memory_space<hbm>>
      %dma_start3A_508 = arith.constant 384 : i32
      %dma_start3A_509 = arith.constant 0 : i32
      %dma_start3A_510 = tpu.memref_slice %arg9[%dma_start3A_508, %dma_start3A_509] : memref<768x128xf32, #tpu.memory_space<vmem>> -> memref<32x128xf32, #tpu.memory_space<vmem>>
      %dma_start3A_511 = arith.constant 0 : i32
      %dma_start3A_512 = tpu.memref_slice %arg4[%dma_start3A_511, %multiple_of3A_502] : memref<32x1000000xf32, #tpu.memory_space<hbm>> -> memref<32x128xf32, #tpu.memory_space<hbm>>
      tpu.enqueue_dma source(%dma_start3A_512 : memref<32x128xf32, #tpu.memory_space<hbm>>) target(%dma_start3A_510 : memref<32x128xf32, #tpu.memory_space<vmem>>) target_semaphore(%arg13 : memref<!tpu.dma_semaphore, #tpu.memory_space<semaphore_mem>>)
      %slice3A_513 = vector.extract_strided_slice %get3A_17 {offsets = [13], sizes = [1], strides = [1]} : vector<16xi32> to vector<1xi32>
      %squeeze3A_514 = vector.extract %slice3A_513[0] : i32 from vector<1xi32>
      %jit3A_515 = arith.constant 128 : i32
      %div3A_516 = arith.divsi %squeeze3A_514, %jit3A_515 : i32
      %sign3A_517 = arith.constant 0 : i32
      %sign3A_518 = arith.cmpi sgt, %squeeze3A_514, %sign3A_517 : i32
      %sign3A_519 = arith.extui %sign3A_518 : i1 to i32
      %sign3A_520 = arith.constant 0 : i32
      %sign3A_521 = arith.cmpi slt, %squeeze3A_514, %sign3A_520 : i32
      %sign3A_522 = arith.extui %sign3A_521 : i1 to i32
      %sign3A_523 = arith.subi %sign3A_519, %sign3A_522 : i32
      %sign3A_524 = arith.constant 0 : i32
      %sign3A_525 = arith.cmpi sgt, %jit3A_515, %sign3A_524 : i32
      %sign3A_526 = arith.extui %sign3A_525 : i1 to i32
      %sign3A_527 = arith.constant 0 : i32
      %sign3A_528 = arith.cmpi slt, %jit3A_515, %sign3A_527 : i32
      %sign3A_529 = arith.extui %sign3A_528 : i1 to i32
      %sign3A_530 = arith.subi %sign3A_526, %sign3A_529 : i32
      %ne3A_531 = arith.cmpi ne, %sign3A_523, %sign3A_530 : i32
      %rem3A_532 = arith.remsi %squeeze3A_514, %jit3A_515 : i32
      %ne3A_533 = arith.constant 0 : i32
      %ne3A_534 = arith.cmpi ne, %rem3A_532, %ne3A_533 : i32
      %and3A_535 = arith.andi %ne3A_531, %ne3A_534 : i1
      %sub3A_536 = arith.constant 1 : i32
      %sub3A_537 = arith.subi %div3A_516, %sub3A_536 : i32
      %select_n3A_538 = arith.select %and3A_535, %sub3A_537, %div3A_516 : i32
      %mul3A_539 = arith.constant 128 : i32
      %mul3A_540 = arith.muli %select_n3A_538, %mul3A_539 : i32
      %multiple_of3A_541 = tpu.assume_multiple %mul3A_540, 128 : i32
      %dma_start3A_542 = arith.constant 416 : i32
      %dma_start3A_543 = arith.constant 0 : i32
      %dma_start3A_544 = tpu.memref_slice %arg9[%dma_start3A_542, %dma_start3A_543] : memref<768x128xf32, #tpu.memory_space<vmem>> -> memref<32x128xf32, #tpu.memory_space<vmem>>
      %dma_start3A_545 = arith.constant 0 : i32
      %dma_start3A_546 = tpu.memref_slice %arg4[%dma_start3A_545, %multiple_of3A_541] : memref<32x1000000xf32, #tpu.memory_space<hbm>> -> memref<32x128xf32, #tpu.memory_space<hbm>>
      %dma_start3A_547 = arith.constant 416 : i32
      %dma_start3A_548 = arith.constant 0 : i32
      %dma_start3A_549 = tpu.memref_slice %arg9[%dma_start3A_547, %dma_start3A_548] : memref<768x128xf32, #tpu.memory_space<vmem>> -> memref<32x128xf32, #tpu.memory_space<vmem>>
      %dma_start3A_550 = arith.constant 0 : i32
      %dma_start3A_551 = tpu.memref_slice %arg4[%dma_start3A_550, %multiple_of3A_541] : memref<32x1000000xf32, #tpu.memory_space<hbm>> -> memref<32x128xf32, #tpu.memory_space<hbm>>
      tpu.enqueue_dma source(%dma_start3A_551 : memref<32x128xf32, #tpu.memory_space<hbm>>) target(%dma_start3A_549 : memref<32x128xf32, #tpu.memory_space<vmem>>) target_semaphore(%arg13 : memref<!tpu.dma_semaphore, #tpu.memory_space<semaphore_mem>>)
      %slice3A_552 = vector.extract_strided_slice %get3A_17 {offsets = [14], sizes = [1], strides = [1]} : vector<16xi32> to vector<1xi32>
      %squeeze3A_553 = vector.extract %slice3A_552[0] : i32 from vector<1xi32>
      %jit3A_554 = arith.constant 128 : i32
      %div3A_555 = arith.divsi %squeeze3A_553, %jit3A_554 : i32
      %sign3A_556 = arith.constant 0 : i32
      %sign3A_557 = arith.cmpi sgt, %squeeze3A_553, %sign3A_556 : i32
      %sign3A_558 = arith.extui %sign3A_557 : i1 to i32
      %sign3A_559 = arith.constant 0 : i32
      %sign3A_560 = arith.cmpi slt, %squeeze3A_553, %sign3A_559 : i32
      %sign3A_561 = arith.extui %sign3A_560 : i1 to i32
      %sign3A_562 = arith.subi %sign3A_558, %sign3A_561 : i32
      %sign3A_563 = arith.constant 0 : i32
      %sign3A_564 = arith.cmpi sgt, %jit3A_554, %sign3A_563 : i32
      %sign3A_565 = arith.extui %sign3A_564 : i1 to i32
      %sign3A_566 = arith.constant 0 : i32
      %sign3A_567 = arith.cmpi slt, %jit3A_554, %sign3A_566 : i32
      %sign3A_568 = arith.extui %sign3A_567 : i1 to i32
      %sign3A_569 = arith.subi %sign3A_565, %sign3A_568 : i32
      %ne3A_570 = arith.cmpi ne, %sign3A_562, %sign3A_569 : i32
      %rem3A_571 = arith.remsi %squeeze3A_553, %jit3A_554 : i32
      %ne3A_572 = arith.constant 0 : i32
      %ne3A_573 = arith.cmpi ne, %rem3A_571, %ne3A_572 : i32
      %and3A_574 = arith.andi %ne3A_570, %ne3A_573 : i1
      %sub3A_575 = arith.constant 1 : i32
      %sub3A_576 = arith.subi %div3A_555, %sub3A_575 : i32
      %select_n3A_577 = arith.select %and3A_574, %sub3A_576, %div3A_555 : i32
      %mul3A_578 = arith.constant 128 : i32
      %mul3A_579 = arith.muli %select_n3A_577, %mul3A_578 : i32
      %multiple_of3A_580 = tpu.assume_multiple %mul3A_579, 128 : i32
      %dma_start3A_581 = arith.constant 448 : i32
      %dma_start3A_582 = arith.constant 0 : i32
      %dma_start3A_583 = tpu.memref_slice %arg9[%dma_start3A_581, %dma_start3A_582] : memref<768x128xf32, #tpu.memory_space<vmem>> -> memref<32x128xf32, #tpu.memory_space<vmem>>
      %dma_start3A_584 = arith.constant 0 : i32
      %dma_start3A_585 = tpu.memref_slice %arg4[%dma_start3A_584, %multiple_of3A_580] : memref<32x1000000xf32, #tpu.memory_space<hbm>> -> memref<32x128xf32, #tpu.memory_space<hbm>>
      %dma_start3A_586 = arith.constant 448 : i32
      %dma_start3A_587 = arith.constant 0 : i32
      %dma_start3A_588 = tpu.memref_slice %arg9[%dma_start3A_586, %dma_start3A_587] : memref<768x128xf32, #tpu.memory_space<vmem>> -> memref<32x128xf32, #tpu.memory_space<vmem>>
      %dma_start3A_589 = arith.constant 0 : i32
      %dma_start3A_590 = tpu.memref_slice %arg4[%dma_start3A_589, %multiple_of3A_580] : memref<32x1000000xf32, #tpu.memory_space<hbm>> -> memref<32x128xf32, #tpu.memory_space<hbm>>
      tpu.enqueue_dma source(%dma_start3A_590 : memref<32x128xf32, #tpu.memory_space<hbm>>) target(%dma_start3A_588 : memref<32x128xf32, #tpu.memory_space<vmem>>) target_semaphore(%arg13 : memref<!tpu.dma_semaphore, #tpu.memory_space<semaphore_mem>>)
      %slice3A_591 = vector.extract_strided_slice %get3A_17 {offsets = [15], sizes = [1], strides = [1]} : vector<16xi32> to vector<1xi32>
      %squeeze3A_592 = vector.extract %slice3A_591[0] : i32 from vector<1xi32>
      %jit3A_593 = arith.constant 128 : i32
      %div3A_594 = arith.divsi %squeeze3A_592, %jit3A_593 : i32
      %sign3A_595 = arith.constant 0 : i32
      %sign3A_596 = arith.cmpi sgt, %squeeze3A_592, %sign3A_595 : i32
      %sign3A_597 = arith.extui %sign3A_596 : i1 to i32
      %sign3A_598 = arith.constant 0 : i32
      %sign3A_599 = arith.cmpi slt, %squeeze3A_592, %sign3A_598 : i32
      %sign3A_600 = arith.extui %sign3A_599 : i1 to i32
      %sign3A_601 = arith.subi %sign3A_597, %sign3A_600 : i32
      %sign3A_602 = arith.constant 0 : i32
      %sign3A_603 = arith.cmpi sgt, %jit3A_593, %sign3A_602 : i32
      %sign3A_604 = arith.extui %sign3A_603 : i1 to i32
      %sign3A_605 = arith.constant 0 : i32
      %sign3A_606 = arith.cmpi slt, %jit3A_593, %sign3A_605 : i32
      %sign3A_607 = arith.extui %sign3A_606 : i1 to i32
      %sign3A_608 = arith.subi %sign3A_604, %sign3A_607 : i32
      %ne3A_609 = arith.cmpi ne, %sign3A_601, %sign3A_608 : i32
      %rem3A_610 = arith.remsi %squeeze3A_592, %jit3A_593 : i32
      %ne3A_611 = arith.constant 0 : i32
      %ne3A_612 = arith.cmpi ne, %rem3A_610, %ne3A_611 : i32
      %and3A_613 = arith.andi %ne3A_609, %ne3A_612 : i1
      %sub3A_614 = arith.constant 1 : i32
      %sub3A_615 = arith.subi %div3A_594, %sub3A_614 : i32
      %select_n3A_616 = arith.select %and3A_613, %sub3A_615, %div3A_594 : i32
      %mul3A_617 = arith.constant 128 : i32
      %mul3A_618 = arith.muli %select_n3A_616, %mul3A_617 : i32
      %multiple_of3A_619 = tpu.assume_multiple %mul3A_618, 128 : i32
      %dma_start3A_620 = arith.constant 480 : i32
      %dma_start3A_621 = arith.constant 0 : i32
      %dma_start3A_622 = tpu.memref_slice %arg9[%dma_start3A_620, %dma_start3A_621] : memref<768x128xf32, #tpu.memory_space<vmem>> -> memref<32x128xf32, #tpu.memory_space<vmem>>
      %dma_start3A_623 = arith.constant 0 : i32
      %dma_start3A_624 = tpu.memref_slice %arg4[%dma_start3A_623, %multiple_of3A_619] : memref<32x1000000xf32, #tpu.memory_space<hbm>> -> memref<32x128xf32, #tpu.memory_space<hbm>>
      %dma_start3A_625 = arith.constant 480 : i32
      %dma_start3A_626 = arith.constant 0 : i32
      %dma_start3A_627 = tpu.memref_slice %arg9[%dma_start3A_625, %dma_start3A_626] : memref<768x128xf32, #tpu.memory_space<vmem>> -> memref<32x128xf32, #tpu.memory_space<vmem>>
      %dma_start3A_628 = arith.constant 0 : i32
      %dma_start3A_629 = tpu.memref_slice %arg4[%dma_start3A_628, %multiple_of3A_619] : memref<32x1000000xf32, #tpu.memory_space<hbm>> -> memref<32x128xf32, #tpu.memory_space<hbm>>
      tpu.enqueue_dma source(%dma_start3A_629 : memref<32x128xf32, #tpu.memory_space<hbm>>) target(%dma_start3A_627 : memref<32x128xf32, #tpu.memory_space<vmem>>) target_semaphore(%arg13 : memref<!tpu.dma_semaphore, #tpu.memory_space<semaphore_mem>>)
      %dma_wait3A = arith.constant 0 : i32
      %dma_wait3A_630 = arith.constant 0 : i32
      %dma_wait3A_631 = tpu.memref_slice %arg9[%dma_wait3A, %dma_wait3A_630] : memref<768x128xf32, #tpu.memory_space<vmem>> -> memref<32x128xf32, #tpu.memory_space<vmem>>
      %dma_wait3A_632 = arith.constant 0 : i32
      %dma_wait3A_633 = tpu.memref_slice %arg4[%dma_wait3A_632, %multiple_of3A] : memref<32x1000000xf32, #tpu.memory_space<hbm>> -> memref<32x128xf32, #tpu.memory_space<hbm>>
      %dma_wait3A_634 = arith.constant 0 : i32
      %dma_wait3A_635 = arith.constant 0 : i32
      %dma_wait3A_636 = tpu.memref_slice %arg9[%dma_wait3A_634, %dma_wait3A_635] : memref<768x128xf32, #tpu.memory_space<vmem>> -> memref<32x128xf32, #tpu.memory_space<vmem>>
      %dma_wait3A_637 = arith.constant 0 : i32
      %dma_wait3A_638 = tpu.memref_slice %arg4[%dma_wait3A_637, %multiple_of3A] : memref<32x1000000xf32, #tpu.memory_space<hbm>> -> memref<32x128xf32, #tpu.memory_space<hbm>>
      tpu.wait_dma2 semaphore(%arg13 : memref<!tpu.dma_semaphore, #tpu.memory_space<semaphore_mem>>) src(%dma_wait3A_638 : memref<32x128xf32, #tpu.memory_space<hbm>>) dst(%dma_wait3A_636 : memref<32x128xf32, #tpu.memory_space<vmem>>)
      %dma_wait3A_639 = arith.constant 32 : i32
      %dma_wait3A_640 = arith.constant 0 : i32
      %dma_wait3A_641 = tpu.memref_slice %arg9[%dma_wait3A_639, %dma_wait3A_640] : memref<768x128xf32, #tpu.memory_space<vmem>> -> memref<32x128xf32, #tpu.memory_space<vmem>>
      %dma_wait3A_642 = arith.constant 0 : i32
      %dma_wait3A_643 = tpu.memref_slice %arg4[%dma_wait3A_642, %multiple_of3A_73] : memref<32x1000000xf32, #tpu.memory_space<hbm>> -> memref<32x128xf32, #tpu.memory_space<hbm>>
      %dma_wait3A_644 = arith.constant 32 : i32
      %dma_wait3A_645 = arith.constant 0 : i32
      %dma_wait3A_646 = tpu.memref_slice %arg9[%dma_wait3A_644, %dma_wait3A_645] : memref<768x128xf32, #tpu.memory_space<vmem>> -> memref<32x128xf32, #tpu.memory_space<vmem>>
      %dma_wait3A_647 = arith.constant 0 : i32
      %dma_wait3A_648 = tpu.memref_slice %arg4[%dma_wait3A_647, %multiple_of3A_73] : memref<32x1000000xf32, #tpu.memory_space<hbm>> -> memref<32x128xf32, #tpu.memory_space<hbm>>
      tpu.wait_dma2 semaphore(%arg13 : memref<!tpu.dma_semaphore, #tpu.memory_space<semaphore_mem>>) src(%dma_wait3A_648 : memref<32x128xf32, #tpu.memory_space<hbm>>) dst(%dma_wait3A_646 : memref<32x128xf32, #tpu.memory_space<vmem>>)
      %dma_wait3A_649 = arith.constant 64 : i32
      %dma_wait3A_650 = arith.constant 0 : i32
      %dma_wait3A_651 = tpu.memref_slice %arg9[%dma_wait3A_649, %dma_wait3A_650] : memref<768x128xf32, #tpu.memory_space<vmem>> -> memref<32x128xf32, #tpu.memory_space<vmem>>
      %dma_wait3A_652 = arith.constant 0 : i32
      %dma_wait3A_653 = tpu.memref_slice %arg4[%dma_wait3A_652, %multiple_of3A_112] : memref<32x1000000xf32, #tpu.memory_space<hbm>> -> memref<32x128xf32, #tpu.memory_space<hbm>>
      %dma_wait3A_654 = arith.constant 64 : i32
      %dma_wait3A_655 = arith.constant 0 : i32
      %dma_wait3A_656 = tpu.memref_slice %arg9[%dma_wait3A_654, %dma_wait3A_655] : memref<768x128xf32, #tpu.memory_space<vmem>> -> memref<32x128xf32, #tpu.memory_space<vmem>>
      %dma_wait3A_657 = arith.constant 0 : i32
      %dma_wait3A_658 = tpu.memref_slice %arg4[%dma_wait3A_657, %multiple_of3A_112] : memref<32x1000000xf32, #tpu.memory_space<hbm>> -> memref<32x128xf32, #tpu.memory_space<hbm>>
      tpu.wait_dma2 semaphore(%arg13 : memref<!tpu.dma_semaphore, #tpu.memory_space<semaphore_mem>>) src(%dma_wait3A_658 : memref<32x128xf32, #tpu.memory_space<hbm>>) dst(%dma_wait3A_656 : memref<32x128xf32, #tpu.memory_space<vmem>>)
      %dma_wait3A_659 = arith.constant 96 : i32
      %dma_wait3A_660 = arith.constant 0 : i32
      %dma_wait3A_661 = tpu.memref_slice %arg9[%dma_wait3A_659, %dma_wait3A_660] : memref<768x128xf32, #tpu.memory_space<vmem>> -> memref<32x128xf32, #tpu.memory_space<vmem>>
      %dma_wait3A_662 = arith.constant 0 : i32
      %dma_wait3A_663 = tpu.memref_slice %arg4[%dma_wait3A_662, %multiple_of3A_151] : memref<32x1000000xf32, #tpu.memory_space<hbm>> -> memref<32x128xf32, #tpu.memory_space<hbm>>
      %dma_wait3A_664 = arith.constant 96 : i32
      %dma_wait3A_665 = arith.constant 0 : i32
      %dma_wait3A_666 = tpu.memref_slice %arg9[%dma_wait3A_664, %dma_wait3A_665] : memref<768x128xf32, #tpu.memory_space<vmem>> -> memref<32x128xf32, #tpu.memory_space<vmem>>
      %dma_wait3A_667 = arith.constant 0 : i32
      %dma_wait3A_668 = tpu.memref_slice %arg4[%dma_wait3A_667, %multiple_of3A_151] : memref<32x1000000xf32, #tpu.memory_space<hbm>> -> memref<32x128xf32, #tpu.memory_space<hbm>>
      tpu.wait_dma2 semaphore(%arg13 : memref<!tpu.dma_semaphore, #tpu.memory_space<semaphore_mem>>) src(%dma_wait3A_668 : memref<32x128xf32, #tpu.memory_space<hbm>>) dst(%dma_wait3A_666 : memref<32x128xf32, #tpu.memory_space<vmem>>)
      %dma_wait3A_669 = arith.constant 128 : i32
      %dma_wait3A_670 = arith.constant 0 : i32
      %dma_wait3A_671 = tpu.memref_slice %arg9[%dma_wait3A_669, %dma_wait3A_670] : memref<768x128xf32, #tpu.memory_space<vmem>> -> memref<32x128xf32, #tpu.memory_space<vmem>>
      %dma_wait3A_672 = arith.constant 0 : i32
      %dma_wait3A_673 = tpu.memref_slice %arg4[%dma_wait3A_672, %multiple_of3A_190] : memref<32x1000000xf32, #tpu.memory_space<hbm>> -> memref<32x128xf32, #tpu.memory_space<hbm>>
      %dma_wait3A_674 = arith.constant 128 : i32
      %dma_wait3A_675 = arith.constant 0 : i32
      %dma_wait3A_676 = tpu.memref_slice %arg9[%dma_wait3A_674, %dma_wait3A_675] : memref<768x128xf32, #tpu.memory_space<vmem>> -> memref<32x128xf32, #tpu.memory_space<vmem>>
      %dma_wait3A_677 = arith.constant 0 : i32
      %dma_wait3A_678 = tpu.memref_slice %arg4[%dma_wait3A_677, %multiple_of3A_190] : memref<32x1000000xf32, #tpu.memory_space<hbm>> -> memref<32x128xf32, #tpu.memory_space<hbm>>
      tpu.wait_dma2 semaphore(%arg13 : memref<!tpu.dma_semaphore, #tpu.memory_space<semaphore_mem>>) src(%dma_wait3A_678 : memref<32x128xf32, #tpu.memory_space<hbm>>) dst(%dma_wait3A_676 : memref<32x128xf32, #tpu.memory_space<vmem>>)
      %dma_wait3A_679 = arith.constant 160 : i32
      %dma_wait3A_680 = arith.constant 0 : i32
      %dma_wait3A_681 = tpu.memref_slice %arg9[%dma_wait3A_679, %dma_wait3A_680] : memref<768x128xf32, #tpu.memory_space<vmem>> -> memref<32x128xf32, #tpu.memory_space<vmem>>
      %dma_wait3A_682 = arith.constant 0 : i32
      %dma_wait3A_683 = tpu.memref_slice %arg4[%dma_wait3A_682, %multiple_of3A_229] : memref<32x1000000xf32, #tpu.memory_space<hbm>> -> memref<32x128xf32, #tpu.memory_space<hbm>>
      %dma_wait3A_684 = arith.constant 160 : i32
      %dma_wait3A_685 = arith.constant 0 : i32
      %dma_wait3A_686 = tpu.memref_slice %arg9[%dma_wait3A_684, %dma_wait3A_685] : memref<768x128xf32, #tpu.memory_space<vmem>> -> memref<32x128xf32, #tpu.memory_space<vmem>>
      %dma_wait3A_687 = arith.constant 0 : i32
      %dma_wait3A_688 = tpu.memref_slice %arg4[%dma_wait3A_687, %multiple_of3A_229] : memref<32x1000000xf32, #tpu.memory_space<hbm>> -> memref<32x128xf32, #tpu.memory_space<hbm>>
      tpu.wait_dma2 semaphore(%arg13 : memref<!tpu.dma_semaphore, #tpu.memory_space<semaphore_mem>>) src(%dma_wait3A_688 : memref<32x128xf32, #tpu.memory_space<hbm>>) dst(%dma_wait3A_686 : memref<32x128xf32, #tpu.memory_space<vmem>>)
      %dma_wait3A_689 = arith.constant 192 : i32
      %dma_wait3A_690 = arith.constant 0 : i32
      %dma_wait3A_691 = tpu.memref_slice %arg9[%dma_wait3A_689, %dma_wait3A_690] : memref<768x128xf32, #tpu.memory_space<vmem>> -> memref<32x128xf32, #tpu.memory_space<vmem>>
      %dma_wait3A_692 = arith.constant 0 : i32
      %dma_wait3A_693 = tpu.memref_slice %arg4[%dma_wait3A_692, %multiple_of3A_268] : memref<32x1000000xf32, #tpu.memory_space<hbm>> -> memref<32x128xf32, #tpu.memory_space<hbm>>
      %dma_wait3A_694 = arith.constant 192 : i32
      %dma_wait3A_695 = arith.constant 0 : i32
      %dma_wait3A_696 = tpu.memref_slice %arg9[%dma_wait3A_694, %dma_wait3A_695] : memref<768x128xf32, #tpu.memory_space<vmem>> -> memref<32x128xf32, #tpu.memory_space<vmem>>
      %dma_wait3A_697 = arith.constant 0 : i32
      %dma_wait3A_698 = tpu.memref_slice %arg4[%dma_wait3A_697, %multiple_of3A_268] : memref<32x1000000xf32, #tpu.memory_space<hbm>> -> memref<32x128xf32, #tpu.memory_space<hbm>>
      tpu.wait_dma2 semaphore(%arg13 : memref<!tpu.dma_semaphore, #tpu.memory_space<semaphore_mem>>) src(%dma_wait3A_698 : memref<32x128xf32, #tpu.memory_space<hbm>>) dst(%dma_wait3A_696 : memref<32x128xf32, #tpu.memory_space<vmem>>)
      %dma_wait3A_699 = arith.constant 224 : i32
      %dma_wait3A_700 = arith.constant 0 : i32
      %dma_wait3A_701 = tpu.memref_slice %arg9[%dma_wait3A_699, %dma_wait3A_700] : memref<768x128xf32, #tpu.memory_space<vmem>> -> memref<32x128xf32, #tpu.memory_space<vmem>>
      %dma_wait3A_702 = arith.constant 0 : i32
      %dma_wait3A_703 = tpu.memref_slice %arg4[%dma_wait3A_702, %multiple_of3A_307] : memref<32x1000000xf32, #tpu.memory_space<hbm>> -> memref<32x128xf32, #tpu.memory_space<hbm>>
      %dma_wait3A_704 = arith.constant 224 : i32
      %dma_wait3A_705 = arith.constant 0 : i32
      %dma_wait3A_706 = tpu.memref_slice %arg9[%dma_wait3A_704, %dma_wait3A_705] : memref<768x128xf32, #tpu.memory_space<vmem>> -> memref<32x128xf32, #tpu.memory_space<vmem>>
      %dma_wait3A_707 = arith.constant 0 : i32
      %dma_wait3A_708 = tpu.memref_slice %arg4[%dma_wait3A_707, %multiple_of3A_307] : memref<32x1000000xf32, #tpu.memory_space<hbm>> -> memref<32x128xf32, #tpu.memory_space<hbm>>
      tpu.wait_dma2 semaphore(%arg13 : memref<!tpu.dma_semaphore, #tpu.memory_space<semaphore_mem>>) src(%dma_wait3A_708 : memref<32x128xf32, #tpu.memory_space<hbm>>) dst(%dma_wait3A_706 : memref<32x128xf32, #tpu.memory_space<vmem>>)
      %dma_wait3A_709 = arith.constant 256 : i32
      %dma_wait3A_710 = arith.constant 0 : i32
      %dma_wait3A_711 = tpu.memref_slice %arg9[%dma_wait3A_709, %dma_wait3A_710] : memref<768x128xf32, #tpu.memory_space<vmem>> -> memref<32x128xf32, #tpu.memory_space<vmem>>
      %dma_wait3A_712 = arith.constant 0 : i32
      %dma_wait3A_713 = tpu.memref_slice %arg4[%dma_wait3A_712, %multiple_of3A_346] : memref<32x1000000xf32, #tpu.memory_space<hbm>> -> memref<32x128xf32, #tpu.memory_space<hbm>>
      %dma_wait3A_714 = arith.constant 256 : i32
      %dma_wait3A_715 = arith.constant 0 : i32
      %dma_wait3A_716 = tpu.memref_slice %arg9[%dma_wait3A_714, %dma_wait3A_715] : memref<768x128xf32, #tpu.memory_space<vmem>> -> memref<32x128xf32, #tpu.memory_space<vmem>>
      %dma_wait3A_717 = arith.constant 0 : i32
      %dma_wait3A_718 = tpu.memref_slice %arg4[%dma_wait3A_717, %multiple_of3A_346] : memref<32x1000000xf32, #tpu.memory_space<hbm>> -> memref<32x128xf32, #tpu.memory_space<hbm>>
      tpu.wait_dma2 semaphore(%arg13 : memref<!tpu.dma_semaphore, #tpu.memory_space<semaphore_mem>>) src(%dma_wait3A_718 : memref<32x128xf32, #tpu.memory_space<hbm>>) dst(%dma_wait3A_716 : memref<32x128xf32, #tpu.memory_space<vmem>>)
      %dma_wait3A_719 = arith.constant 288 : i32
      %dma_wait3A_720 = arith.constant 0 : i32
      %dma_wait3A_721 = tpu.memref_slice %arg9[%dma_wait3A_719, %dma_wait3A_720] : memref<768x128xf32, #tpu.memory_space<vmem>> -> memref<32x128xf32, #tpu.memory_space<vmem>>
      %dma_wait3A_722 = arith.constant 0 : i32
      %dma_wait3A_723 = tpu.memref_slice %arg4[%dma_wait3A_722, %multiple_of3A_385] : memref<32x1000000xf32, #tpu.memory_space<hbm>> -> memref<32x128xf32, #tpu.memory_space<hbm>>
      %dma_wait3A_724 = arith.constant 288 : i32
      %dma_wait3A_725 = arith.constant 0 : i32
      %dma_wait3A_726 = tpu.memref_slice %arg9[%dma_wait3A_724, %dma_wait3A_725] : memref<768x128xf32, #tpu.memory_space<vmem>> -> memref<32x128xf32, #tpu.memory_space<vmem>>
      %dma_wait3A_727 = arith.constant 0 : i32
      %dma_wait3A_728 = tpu.memref_slice %arg4[%dma_wait3A_727, %multiple_of3A_385] : memref<32x1000000xf32, #tpu.memory_space<hbm>> -> memref<32x128xf32, #tpu.memory_space<hbm>>
      tpu.wait_dma2 semaphore(%arg13 : memref<!tpu.dma_semaphore, #tpu.memory_space<semaphore_mem>>) src(%dma_wait3A_728 : memref<32x128xf32, #tpu.memory_space<hbm>>) dst(%dma_wait3A_726 : memref<32x128xf32, #tpu.memory_space<vmem>>)
      %dma_wait3A_729 = arith.constant 320 : i32
      %dma_wait3A_730 = arith.constant 0 : i32
      %dma_wait3A_731 = tpu.memref_slice %arg9[%dma_wait3A_729, %dma_wait3A_730] : memref<768x128xf32, #tpu.memory_space<vmem>> -> memref<32x128xf32, #tpu.memory_space<vmem>>
      %dma_wait3A_732 = arith.constant 0 : i32
      %dma_wait3A_733 = tpu.memref_slice %arg4[%dma_wait3A_732, %multiple_of3A_424] : memref<32x1000000xf32, #tpu.memory_space<hbm>> -> memref<32x128xf32, #tpu.memory_space<hbm>>
      %dma_wait3A_734 = arith.constant 320 : i32
      %dma_wait3A_735 = arith.constant 0 : i32
      %dma_wait3A_736 = tpu.memref_slice %arg9[%dma_wait3A_734, %dma_wait3A_735] : memref<768x128xf32, #tpu.memory_space<vmem>> -> memref<32x128xf32, #tpu.memory_space<vmem>>
      %dma_wait3A_737 = arith.constant 0 : i32
      %dma_wait3A_738 = tpu.memref_slice %arg4[%dma_wait3A_737, %multiple_of3A_424] : memref<32x1000000xf32, #tpu.memory_space<hbm>> -> memref<32x128xf32, #tpu.memory_space<hbm>>
      tpu.wait_dma2 semaphore(%arg13 : memref<!tpu.dma_semaphore, #tpu.memory_space<semaphore_mem>>) src(%dma_wait3A_738 : memref<32x128xf32, #tpu.memory_space<hbm>>) dst(%dma_wait3A_736 : memref<32x128xf32, #tpu.memory_space<vmem>>)
      %dma_wait3A_739 = arith.constant 352 : i32
      %dma_wait3A_740 = arith.constant 0 : i32
      %dma_wait3A_741 = tpu.memref_slice %arg9[%dma_wait3A_739, %dma_wait3A_740] : memref<768x128xf32, #tpu.memory_space<vmem>> -> memref<32x128xf32, #tpu.memory_space<vmem>>
      %dma_wait3A_742 = arith.constant 0 : i32
      %dma_wait3A_743 = tpu.memref_slice %arg4[%dma_wait3A_742, %multiple_of3A_463] : memref<32x1000000xf32, #tpu.memory_space<hbm>> -> memref<32x128xf32, #tpu.memory_space<hbm>>
      %dma_wait3A_744 = arith.constant 352 : i32
      %dma_wait3A_745 = arith.constant 0 : i32
      %dma_wait3A_746 = tpu.memref_slice %arg9[%dma_wait3A_744, %dma_wait3A_745] : memref<768x128xf32, #tpu.memory_space<vmem>> -> memref<32x128xf32, #tpu.memory_space<vmem>>
      %dma_wait3A_747 = arith.constant 0 : i32
      %dma_wait3A_748 = tpu.memref_slice %arg4[%dma_wait3A_747, %multiple_of3A_463] : memref<32x1000000xf32, #tpu.memory_space<hbm>> -> memref<32x128xf32, #tpu.memory_space<hbm>>
      tpu.wait_dma2 semaphore(%arg13 : memref<!tpu.dma_semaphore, #tpu.memory_space<semaphore_mem>>) src(%dma_wait3A_748 : memref<32x128xf32, #tpu.memory_space<hbm>>) dst(%dma_wait3A_746 : memref<32x128xf32, #tpu.memory_space<vmem>>)
      %dma_wait3A_749 = arith.constant 384 : i32
      %dma_wait3A_750 = arith.constant 0 : i32
      %dma_wait3A_751 = tpu.memref_slice %arg9[%dma_wait3A_749, %dma_wait3A_750] : memref<768x128xf32, #tpu.memory_space<vmem>> -> memref<32x128xf32, #tpu.memory_space<vmem>>
      %dma_wait3A_752 = arith.constant 0 : i32
      %dma_wait3A_753 = tpu.memref_slice %arg4[%dma_wait3A_752, %multiple_of3A_502] : memref<32x1000000xf32, #tpu.memory_space<hbm>> -> memref<32x128xf32, #tpu.memory_space<hbm>>
      %dma_wait3A_754 = arith.constant 384 : i32
      %dma_wait3A_755 = arith.constant 0 : i32
      %dma_wait3A_756 = tpu.memref_slice %arg9[%dma_wait3A_754, %dma_wait3A_755] : memref<768x128xf32, #tpu.memory_space<vmem>> -> memref<32x128xf32, #tpu.memory_space<vmem>>
      %dma_wait3A_757 = arith.constant 0 : i32
      %dma_wait3A_758 = tpu.memref_slice %arg4[%dma_wait3A_757, %multiple_of3A_502] : memref<32x1000000xf32, #tpu.memory_space<hbm>> -> memref<32x128xf32, #tpu.memory_space<hbm>>
      tpu.wait_dma2 semaphore(%arg13 : memref<!tpu.dma_semaphore, #tpu.memory_space<semaphore_mem>>) src(%dma_wait3A_758 : memref<32x128xf32, #tpu.memory_space<hbm>>) dst(%dma_wait3A_756 : memref<32x128xf32, #tpu.memory_space<vmem>>)
      %dma_wait3A_759 = arith.constant 416 : i32
      %dma_wait3A_760 = arith.constant 0 : i32
      %dma_wait3A_761 = tpu.memref_slice %arg9[%dma_wait3A_759, %dma_wait3A_760] : memref<768x128xf32, #tpu.memory_space<vmem>> -> memref<32x128xf32, #tpu.memory_space<vmem>>
      %dma_wait3A_762 = arith.constant 0 : i32
      %dma_wait3A_763 = tpu.memref_slice %arg4[%dma_wait3A_762, %multiple_of3A_541] : memref<32x1000000xf32, #tpu.memory_space<hbm>> -> memref<32x128xf32, #tpu.memory_space<hbm>>
      %dma_wait3A_764 = arith.constant 416 : i32
      %dma_wait3A_765 = arith.constant 0 : i32
      %dma_wait3A_766 = tpu.memref_slice %arg9[%dma_wait3A_764, %dma_wait3A_765] : memref<768x128xf32, #tpu.memory_space<vmem>> -> memref<32x128xf32, #tpu.memory_space<vmem>>
      %dma_wait3A_767 = arith.constant 0 : i32
      %dma_wait3A_768 = tpu.memref_slice %arg4[%dma_wait3A_767, %multiple_of3A_541] : memref<32x1000000xf32, #tpu.memory_space<hbm>> -> memref<32x128xf32, #tpu.memory_space<hbm>>
      tpu.wait_dma2 semaphore(%arg13 : memref<!tpu.dma_semaphore, #tpu.memory_space<semaphore_mem>>) src(%dma_wait3A_768 : memref<32x128xf32, #tpu.memory_space<hbm>>) dst(%dma_wait3A_766 : memref<32x128xf32, #tpu.memory_space<vmem>>)
      %dma_wait3A_769 = arith.constant 448 : i32
      %dma_wait3A_770 = arith.constant 0 : i32
      %dma_wait3A_771 = tpu.memref_slice %arg9[%dma_wait3A_769, %dma_wait3A_770] : memref<768x128xf32, #tpu.memory_space<vmem>> -> memref<32x128xf32, #tpu.memory_space<vmem>>
      %dma_wait3A_772 = arith.constant 0 : i32
      %dma_wait3A_773 = tpu.memref_slice %arg4[%dma_wait3A_772, %multiple_of3A_580] : memref<32x1000000xf32, #tpu.memory_space<hbm>> -> memref<32x128xf32, #tpu.memory_space<hbm>>
      %dma_wait3A_774 = arith.constant 448 : i32
      %dma_wait3A_775 = arith.constant 0 : i32
      %dma_wait3A_776 = tpu.memref_slice %arg9[%dma_wait3A_774, %dma_wait3A_775] : memref<768x128xf32, #tpu.memory_space<vmem>> -> memref<32x128xf32, #tpu.memory_space<vmem>>
      %dma_wait3A_777 = arith.constant 0 : i32
      %dma_wait3A_778 = tpu.memref_slice %arg4[%dma_wait3A_777, %multiple_of3A_580] : memref<32x1000000xf32, #tpu.memory_space<hbm>> -> memref<32x128xf32, #tpu.memory_space<hbm>>
      tpu.wait_dma2 semaphore(%arg13 : memref<!tpu.dma_semaphore, #tpu.memory_space<semaphore_mem>>) src(%dma_wait3A_778 : memref<32x128xf32, #tpu.memory_space<hbm>>) dst(%dma_wait3A_776 : memref<32x128xf32, #tpu.memory_space<vmem>>)
      %dma_wait3A_779 = arith.constant 480 : i32
      %dma_wait3A_780 = arith.constant 0 : i32
      %dma_wait3A_781 = tpu.memref_slice %arg9[%dma_wait3A_779, %dma_wait3A_780] : memref<768x128xf32, #tpu.memory_space<vmem>> -> memref<32x128xf32, #tpu.memory_space<vmem>>
      %dma_wait3A_782 = arith.constant 0 : i32
      %dma_wait3A_783 = tpu.memref_slice %arg4[%dma_wait3A_782, %multiple_of3A_619] : memref<32x1000000xf32, #tpu.memory_space<hbm>> -> memref<32x128xf32, #tpu.memory_space<hbm>>
      %dma_wait3A_784 = arith.constant 480 : i32
      %dma_wait3A_785 = arith.constant 0 : i32
      %dma_wait3A_786 = tpu.memref_slice %arg9[%dma_wait3A_784, %dma_wait3A_785] : memref<768x128xf32, #tpu.memory_space<vmem>> -> memref<32x128xf32, #tpu.memory_space<vmem>>
      %dma_wait3A_787 = arith.constant 0 : i32
      %dma_wait3A_788 = tpu.memref_slice %arg4[%dma_wait3A_787, %multiple_of3A_619] : memref<32x1000000xf32, #tpu.memory_space<hbm>> -> memref<32x128xf32, #tpu.memory_space<hbm>>
      tpu.wait_dma2 semaphore(%arg13 : memref<!tpu.dma_semaphore, #tpu.memory_space<semaphore_mem>>) src(%dma_wait3A_788 : memref<32x128xf32, #tpu.memory_space<hbm>>) dst(%dma_wait3A_786 : memref<32x128xf32, #tpu.memory_space<vmem>>)
      %rem3A_789 = arith.remsi %get3A_17, %broadcast_in_dim3A_6 : vector<16xi32>
      %add3A_790 = arith.constant 0 : i32
      %add3A_791 = vector.broadcast %add3A_790 : i32 to vector<16xi32>
      %add3A_792 = arith.addi %mul3A_5, %add3A_791 : vector<16xi32>
      %gather3A = tpu.vector_load_idx %arg9[%add3A_792, %rem3A_789] : memref<768x128xf32, #tpu.memory_space<vmem>>[vector<16xi32>, vector<16xi32>], vector<16xf32>,
      %swap3A = arith.constant 0 : index
      %swap3A_793 = tpu.vector_load %arg10[%swap3A] {strides = array<i32>} : memref<512xf32, #tpu.memory_space<vmem>>, vector<16xf32>,
      tpu.vector_store %arg10[%swap3A], %gather3A {strides = array<i32>} : memref<512xf32, #tpu.memory_space<vmem>>, vector<16xf32>,
      %add3A_794 = arith.constant 1 : i32
      %add3A_795 = vector.broadcast %add3A_794 : i32 to vector<16xi32>
      %add3A_796 = arith.addi %mul3A_5, %add3A_795 : vector<16xi32>
      %gather3A_797 = tpu.vector_load_idx %arg9[%add3A_796, %rem3A_789] : memref<768x128xf32, #tpu.memory_space<vmem>>[vector<16xi32>, vector<16xi32>], vector<16xf32>,
      %swap3A_798 = arith.constant 16 : index
      %swap3A_799 = tpu.vector_load %arg10[%swap3A_798] {strides = array<i32>} : memref<512xf32, #tpu.memory_space<vmem>>, vector<16xf32>,
      tpu.vector_store %arg10[%swap3A_798], %gather3A_797 {strides = array<i32>} : memref<512xf32, #tpu.memory_space<vmem>>, vector<16xf32>,
      %add3A_800 = arith.constant 2 : i32
      %add3A_801 = vector.broadcast %add3A_800 : i32 to vector<16xi32>
      %add3A_802 = arith.addi %mul3A_5, %add3A_801 : vector<16xi32>
      %gather3A_803 = tpu.vector_load_idx %arg9[%add3A_802, %rem3A_789] : memref<768x128xf32, #tpu.memory_space<vmem>>[vector<16xi32>, vector<16xi32>], vector<16xf32>,
      %swap3A_804 = arith.constant 32 : index
      %swap3A_805 = tpu.vector_load %arg10[%swap3A_804] {strides = array<i32>} : memref<512xf32, #tpu.memory_space<vmem>>, vector<16xf32>,
      tpu.vector_store %arg10[%swap3A_804], %gather3A_803 {strides = array<i32>} : memref<512xf32, #tpu.memory_space<vmem>>, vector<16xf32>,
      %add3A_806 = arith.constant 3 : i32
      %add3A_807 = vector.broadcast %add3A_806 : i32 to vector<16xi32>
      %add3A_808 = arith.addi %mul3A_5, %add3A_807 : vector<16xi32>
      %gather3A_809 = tpu.vector_load_idx %arg9[%add3A_808, %rem3A_789] : memref<768x128xf32, #tpu.memory_space<vmem>>[vector<16xi32>, vector<16xi32>], vector<16xf32>,
      %swap3A_810 = arith.constant 48 : index
      %swap3A_811 = tpu.vector_load %arg10[%swap3A_810] {strides = array<i32>} : memref<512xf32, #tpu.memory_space<vmem>>, vector<16xf32>,
      tpu.vector_store %arg10[%swap3A_810], %gather3A_809 {strides = array<i32>} : memref<512xf32, #tpu.memory_space<vmem>>, vector<16xf32>,
      %add3A_812 = arith.constant 4 : i32
      %add3A_813 = vector.broadcast %add3A_812 : i32 to vector<16xi32>
      %add3A_814 = arith.addi %mul3A_5, %add3A_813 : vector<16xi32>
      %gather3A_815 = tpu.vector_load_idx %arg9[%add3A_814, %rem3A_789] : memref<768x128xf32, #tpu.memory_space<vmem>>[vector<16xi32>, vector<16xi32>], vector<16xf32>,
      %swap3A_816 = arith.constant 64 : index
      %swap3A_817 = tpu.vector_load %arg10[%swap3A_816] {strides = array<i32>} : memref<512xf32, #tpu.memory_space<vmem>>, vector<16xf32>,
      tpu.vector_store %arg10[%swap3A_816], %gather3A_815 {strides = array<i32>} : memref<512xf32, #tpu.memory_space<vmem>>, vector<16xf32>,
      %add3A_818 = arith.constant 5 : i32
      %add3A_819 = vector.broadcast %add3A_818 : i32 to vector<16xi32>
      %add3A_820 = arith.addi %mul3A_5, %add3A_819 : vector<16xi32>
      %gather3A_821 = tpu.vector_load_idx %arg9[%add3A_820, %rem3A_789] : memref<768x128xf32, #tpu.memory_space<vmem>>[vector<16xi32>, vector<16xi32>], vector<16xf32>,
      %swap3A_822 = arith.constant 80 : index
      %swap3A_823 = tpu.vector_load %arg10[%swap3A_822] {strides = array<i32>} : memref<512xf32, #tpu.memory_space<vmem>>, vector<16xf32>,
      tpu.vector_store %arg10[%swap3A_822], %gather3A_821 {strides = array<i32>} : memref<512xf32, #tpu.memory_space<vmem>>, vector<16xf32>,
      %add3A_824 = arith.constant 6 : i32
      %add3A_825 = vector.broadcast %add3A_824 : i32 to vector<16xi32>
      %add3A_826 = arith.addi %mul3A_5, %add3A_825 : vector<16xi32>
      %gather3A_827 = tpu.vector_load_idx %arg9[%add3A_826, %rem3A_789] : memref<768x128xf32, #tpu.memory_space<vmem>>[vector<16xi32>, vector<16xi32>], vector<16xf32>,
      %swap3A_828 = arith.constant 96 : index
      %swap3A_829 = tpu.vector_load %arg10[%swap3A_828] {strides = array<i32>} : memref<512xf32, #tpu.memory_space<vmem>>, vector<16xf32>,
      tpu.vector_store %arg10[%swap3A_828], %gather3A_827 {strides = array<i32>} : memref<512xf32, #tpu.memory_space<vmem>>, vector<16xf32>,
      %add3A_830 = arith.constant 7 : i32
      %add3A_831 = vector.broadcast %add3A_830 : i32 to vector<16xi32>
      %add3A_832 = arith.addi %mul3A_5, %add3A_831 : vector<16xi32>
      %gather3A_833 = tpu.vector_load_idx %arg9[%add3A_832, %rem3A_789] : memref<768x128xf32, #tpu.memory_space<vmem>>[vector<16xi32>, vector<16xi32>], vector<16xf32>,
      %swap3A_834 = arith.constant 112 : index
      %swap3A_835 = tpu.vector_load %arg10[%swap3A_834] {strides = array<i32>} : memref<512xf32, #tpu.memory_space<vmem>>, vector<16xf32>,
      tpu.vector_store %arg10[%swap3A_834], %gather3A_833 {strides = array<i32>} : memref<512xf32, #tpu.memory_space<vmem>>, vector<16xf32>,
      %add3A_836 = arith.constant 8 : i32
      %add3A_837 = vector.broadcast %add3A_836 : i32 to vector<16xi32>
      %add3A_838 = arith.addi %mul3A_5, %add3A_837 : vector<16xi32>
      %gather3A_839 = tpu.vector_load_idx %arg9[%add3A_838, %rem3A_789] : memref<768x128xf32, #tpu.memory_space<vmem>>[vector<16xi32>, vector<16xi32>], vector<16xf32>,
      %swap3A_840 = arith.constant 128 : index
      %swap3A_841 = tpu.vector_load %arg10[%swap3A_840] {strides = array<i32>} : memref<512xf32, #tpu.memory_space<vmem>>, vector<16xf32>,
      tpu.vector_store %arg10[%swap3A_840], %gather3A_839 {strides = array<i32>} : memref<512xf32, #tpu.memory_space<vmem>>, vector<16xf32>,
      %add3A_842 = arith.constant 9 : i32
      %add3A_843 = vector.broadcast %add3A_842 : i32 to vector<16xi32>
      %add3A_844 = arith.addi %mul3A_5, %add3A_843 : vector<16xi32>
      %gather3A_845 = tpu.vector_load_idx %arg9[%add3A_844, %rem3A_789] : memref<768x128xf32, #tpu.memory_space<vmem>>[vector<16xi32>, vector<16xi32>], vector<16xf32>,
      %swap3A_846 = arith.constant 144 : index
      %swap3A_847 = tpu.vector_load %arg10[%swap3A_846] {strides = array<i32>} : memref<512xf32, #tpu.memory_space<vmem>>, vector<16xf32>,
      tpu.vector_store %arg10[%swap3A_846], %gather3A_845 {strides = array<i32>} : memref<512xf32, #tpu.memory_space<vmem>>, vector<16xf32>,
      %add3A_848 = arith.constant 10 : i32
      %add3A_849 = vector.broadcast %add3A_848 : i32 to vector<16xi32>
      %add3A_850 = arith.addi %mul3A_5, %add3A_849 : vector<16xi32>
      %gather3A_851 = tpu.vector_load_idx %arg9[%add3A_850, %rem3A_789] : memref<768x128xf32, #tpu.memory_space<vmem>>[vector<16xi32>, vector<16xi32>], vector<16xf32>,
      %swap3A_852 = arith.constant 160 : index
      %swap3A_853 = tpu.vector_load %arg10[%swap3A_852] {strides = array<i32>} : memref<512xf32, #tpu.memory_space<vmem>>, vector<16xf32>,
      tpu.vector_store %arg10[%swap3A_852], %gather3A_851 {strides = array<i32>} : memref<512xf32, #tpu.memory_space<vmem>>, vector<16xf32>,
      %add3A_854 = arith.constant 11 : i32
      %add3A_855 = vector.broadcast %add3A_854 : i32 to vector<16xi32>
      %add3A_856 = arith.addi %mul3A_5, %add3A_855 : vector<16xi32>
      %gather3A_857 = tpu.vector_load_idx %arg9[%add3A_856, %rem3A_789] : memref<768x128xf32, #tpu.memory_space<vmem>>[vector<16xi32>, vector<16xi32>], vector<16xf32>,
      %swap3A_858 = arith.constant 176 : index
      %swap3A_859 = tpu.vector_load %arg10[%swap3A_858] {strides = array<i32>} : memref<512xf32, #tpu.memory_space<vmem>>, vector<16xf32>,
      tpu.vector_store %arg10[%swap3A_858], %gather3A_857 {strides = array<i32>} : memref<512xf32, #tpu.memory_space<vmem>>, vector<16xf32>,
      %add3A_860 = arith.constant 12 : i32
      %add3A_861 = vector.broadcast %add3A_860 : i32 to vector<16xi32>
      %add3A_862 = arith.addi %mul3A_5, %add3A_861 : vector<16xi32>
      %gather3A_863 = tpu.vector_load_idx %arg9[%add3A_862, %rem3A_789] : memref<768x128xf32, #tpu.memory_space<vmem>>[vector<16xi32>, vector<16xi32>], vector<16xf32>,
      %swap3A_864 = arith.constant 192 : index
      %swap3A_865 = tpu.vector_load %arg10[%swap3A_864] {strides = array<i32>} : memref<512xf32, #tpu.memory_space<vmem>>, vector<16xf32>,
      tpu.vector_store %arg10[%swap3A_864], %gather3A_863 {strides = array<i32>} : memref<512xf32, #tpu.memory_space<vmem>>, vector<16xf32>,
      %add3A_866 = arith.constant 13 : i32
      %add3A_867 = vector.broadcast %add3A_866 : i32 to vector<16xi32>
      %add3A_868 = arith.addi %mul3A_5, %add3A_867 : vector<16xi32>
      %gather3A_869 = tpu.vector_load_idx %arg9[%add3A_868, %rem3A_789] : memref<768x128xf32, #tpu.memory_space<vmem>>[vector<16xi32>, vector<16xi32>], vector<16xf32>,
      %swap3A_870 = arith.constant 208 : index
      %swap3A_871 = tpu.vector_load %arg10[%swap3A_870] {strides = array<i32>} : memref<512xf32, #tpu.memory_space<vmem>>, vector<16xf32>,
      tpu.vector_store %arg10[%swap3A_870], %gather3A_869 {strides = array<i32>} : memref<512xf32, #tpu.memory_space<vmem>>, vector<16xf32>,
      %add3A_872 = arith.constant 14 : i32
      %add3A_873 = vector.broadcast %add3A_872 : i32 to vector<16xi32>
      %add3A_874 = arith.addi %mul3A_5, %add3A_873 : vector<16xi32>
      %gather3A_875 = tpu.vector_load_idx %arg9[%add3A_874, %rem3A_789] : memref<768x128xf32, #tpu.memory_space<vmem>>[vector<16xi32>, vector<16xi32>], vector<16xf32>,
      %swap3A_876 = arith.constant 224 : index
      %swap3A_877 = tpu.vector_load %arg10[%swap3A_876] {strides = array<i32>} : memref<512xf32, #tpu.memory_space<vmem>>, vector<16xf32>,
      tpu.vector_store %arg10[%swap3A_876], %gather3A_875 {strides = array<i32>} : memref<512xf32, #tpu.memory_space<vmem>>, vector<16xf32>,
      %add3A_878 = arith.constant 15 : i32
      %add3A_879 = vector.broadcast %add3A_878 : i32 to vector<16xi32>
      %add3A_880 = arith.addi %mul3A_5, %add3A_879 : vector<16xi32>
      %gather3A_881 = tpu.vector_load_idx %arg9[%add3A_880, %rem3A_789] : memref<768x128xf32, #tpu.memory_space<vmem>>[vector<16xi32>, vector<16xi32>], vector<16xf32>,
      %swap3A_882 = arith.constant 240 : index
      %swap3A_883 = tpu.vector_load %arg10[%swap3A_882] {strides = array<i32>} : memref<512xf32, #tpu.memory_space<vmem>>, vector<16xf32>,
      tpu.vector_store %arg10[%swap3A_882], %gather3A_881 {strides = array<i32>} : memref<512xf32, #tpu.memory_space<vmem>>, vector<16xf32>,
      %add3A_884 = arith.constant 16 : i32
      %add3A_885 = vector.broadcast %add3A_884 : i32 to vector<16xi32>
      %add3A_886 = arith.addi %mul3A_5, %add3A_885 : vector<16xi32>
      %gather3A_887 = tpu.vector_load_idx %arg9[%add3A_886, %rem3A_789] : memref<768x128xf32, #tpu.memory_space<vmem>>[vector<16xi32>, vector<16xi32>], vector<16xf32>,
      %swap3A_888 = arith.constant 256 : index
      %swap3A_889 = tpu.vector_load %arg10[%swap3A_888] {strides = array<i32>} : memref<512xf32, #tpu.memory_space<vmem>>, vector<16xf32>,
      tpu.vector_store %arg10[%swap3A_888], %gather3A_887 {strides = array<i32>} : memref<512xf32, #tpu.memory_space<vmem>>, vector<16xf32>,
      %add3A_890 = arith.constant 17 : i32
      %add3A_891 = vector.broadcast %add3A_890 : i32 to vector<16xi32>
      %add3A_892 = arith.addi %mul3A_5, %add3A_891 : vector<16xi32>
      %gather3A_893 = tpu.vector_load_idx %arg9[%add3A_892, %rem3A_789] : memref<768x128xf32, #tpu.memory_space<vmem>>[vector<16xi32>, vector<16xi32>], vector<16xf32>,
      %swap3A_894 = arith.constant 272 : index
      %swap3A_895 = tpu.vector_load %arg10[%swap3A_894] {strides = array<i32>} : memref<512xf32, #tpu.memory_space<vmem>>, vector<16xf32>,
      tpu.vector_store %arg10[%swap3A_894], %gather3A_893 {strides = array<i32>} : memref<512xf32, #tpu.memory_space<vmem>>, vector<16xf32>,
      %add3A_896 = arith.constant 18 : i32
      %add3A_897 = vector.broadcast %add3A_896 : i32 to vector<16xi32>
      %add3A_898 = arith.addi %mul3A_5, %add3A_897 : vector<16xi32>
      %gather3A_899 = tpu.vector_load_idx %arg9[%add3A_898, %rem3A_789] : memref<768x128xf32, #tpu.memory_space<vmem>>[vector<16xi32>, vector<16xi32>], vector<16xf32>,
      %swap3A_900 = arith.constant 288 : index
      %swap3A_901 = tpu.vector_load %arg10[%swap3A_900] {strides = array<i32>} : memref<512xf32, #tpu.memory_space<vmem>>, vector<16xf32>,
      tpu.vector_store %arg10[%swap3A_900], %gather3A_899 {strides = array<i32>} : memref<512xf32, #tpu.memory_space<vmem>>, vector<16xf32>,
      %add3A_902 = arith.constant 19 : i32
      %add3A_903 = vector.broadcast %add3A_902 : i32 to vector<16xi32>
      %add3A_904 = arith.addi %mul3A_5, %add3A_903 : vector<16xi32>
      %gather3A_905 = tpu.vector_load_idx %arg9[%add3A_904, %rem3A_789] : memref<768x128xf32, #tpu.memory_space<vmem>>[vector<16xi32>, vector<16xi32>], vector<16xf32>,
      %swap3A_906 = arith.constant 304 : index
      %swap3A_907 = tpu.vector_load %arg10[%swap3A_906] {strides = array<i32>} : memref<512xf32, #tpu.memory_space<vmem>>, vector<16xf32>,
      tpu.vector_store %arg10[%swap3A_906], %gather3A_905 {strides = array<i32>} : memref<512xf32, #tpu.memory_space<vmem>>, vector<16xf32>,
      %add3A_908 = arith.constant 20 : i32
      %add3A_909 = vector.broadcast %add3A_908 : i32 to vector<16xi32>
      %add3A_910 = arith.addi %mul3A_5, %add3A_909 : vector<16xi32>
      %gather3A_911 = tpu.vector_load_idx %arg9[%add3A_910, %rem3A_789] : memref<768x128xf32, #tpu.memory_space<vmem>>[vector<16xi32>, vector<16xi32>], vector<16xf32>,
      %swap3A_912 = arith.constant 320 : index
      %swap3A_913 = tpu.vector_load %arg10[%swap3A_912] {strides = array<i32>} : memref<512xf32, #tpu.memory_space<vmem>>, vector<16xf32>,
      tpu.vector_store %arg10[%swap3A_912], %gather3A_911 {strides = array<i32>} : memref<512xf32, #tpu.memory_space<vmem>>, vector<16xf32>,
      %add3A_914 = arith.constant 21 : i32
      %add3A_915 = vector.broadcast %add3A_914 : i32 to vector<16xi32>
      %add3A_916 = arith.addi %mul3A_5, %add3A_915 : vector<16xi32>
      %gather3A_917 = tpu.vector_load_idx %arg9[%add3A_916, %rem3A_789] : memref<768x128xf32, #tpu.memory_space<vmem>>[vector<16xi32>, vector<16xi32>], vector<16xf32>,
      %swap3A_918 = arith.constant 336 : index
      %swap3A_919 = tpu.vector_load %arg10[%swap3A_918] {strides = array<i32>} : memref<512xf32, #tpu.memory_space<vmem>>, vector<16xf32>,
      tpu.vector_store %arg10[%swap3A_918], %gather3A_917 {strides = array<i32>} : memref<512xf32, #tpu.memory_space<vmem>>, vector<16xf32>,
      %add3A_920 = arith.constant 22 : i32
      %add3A_921 = vector.broadcast %add3A_920 : i32 to vector<16xi32>
      %add3A_922 = arith.addi %mul3A_5, %add3A_921 : vector<16xi32>
      %gather3A_923 = tpu.vector_load_idx %arg9[%add3A_922, %rem3A_789] : memref<768x128xf32, #tpu.memory_space<vmem>>[vector<16xi32>, vector<16xi32>], vector<16xf32>,
      %swap3A_924 = arith.constant 352 : index
      %swap3A_925 = tpu.vector_load %arg10[%swap3A_924] {strides = array<i32>} : memref<512xf32, #tpu.memory_space<vmem>>, vector<16xf32>,
      tpu.vector_store %arg10[%swap3A_924], %gather3A_923 {strides = array<i32>} : memref<512xf32, #tpu.memory_space<vmem>>, vector<16xf32>,
      %add3A_926 = arith.constant 23 : i32
      %add3A_927 = vector.broadcast %add3A_926 : i32 to vector<16xi32>
      %add3A_928 = arith.addi %mul3A_5, %add3A_927 : vector<16xi32>
      %gather3A_929 = tpu.vector_load_idx %arg9[%add3A_928, %rem3A_789] : memref<768x128xf32, #tpu.memory_space<vmem>>[vector<16xi32>, vector<16xi32>], vector<16xf32>,
      %swap3A_930 = arith.constant 368 : index
      %swap3A_931 = tpu.vector_load %arg10[%swap3A_930] {strides = array<i32>} : memref<512xf32, #tpu.memory_space<vmem>>, vector<16xf32>,
      tpu.vector_store %arg10[%swap3A_930], %gather3A_929 {strides = array<i32>} : memref<512xf32, #tpu.memory_space<vmem>>, vector<16xf32>,
      %add3A_932 = arith.constant 24 : i32
      %add3A_933 = vector.broadcast %add3A_932 : i32 to vector<16xi32>
      %add3A_934 = arith.addi %mul3A_5, %add3A_933 : vector<16xi32>
      %gather3A_935 = tpu.vector_load_idx %arg9[%add3A_934, %rem3A_789] : memref<768x128xf32, #tpu.memory_space<vmem>>[vector<16xi32>, vector<16xi32>], vector<16xf32>,
      %swap3A_936 = arith.constant 384 : index
      %swap3A_937 = tpu.vector_load %arg10[%swap3A_936] {strides = array<i32>} : memref<512xf32, #tpu.memory_space<vmem>>, vector<16xf32>,
      tpu.vector_store %arg10[%swap3A_936], %gather3A_935 {strides = array<i32>} : memref<512xf32, #tpu.memory_space<vmem>>, vector<16xf32>,
      %add3A_938 = arith.constant 25 : i32
      %add3A_939 = vector.broadcast %add3A_938 : i32 to vector<16xi32>
      %add3A_940 = arith.addi %mul3A_5, %add3A_939 : vector<16xi32>
      %gather3A_941 = tpu.vector_load_idx %arg9[%add3A_940, %rem3A_789] : memref<768x128xf32, #tpu.memory_space<vmem>>[vector<16xi32>, vector<16xi32>], vector<16xf32>,
      %swap3A_942 = arith.constant 400 : index
      %swap3A_943 = tpu.vector_load %arg10[%swap3A_942] {strides = array<i32>} : memref<512xf32, #tpu.memory_space<vmem>>, vector<16xf32>,
      tpu.vector_store %arg10[%swap3A_942], %gather3A_941 {strides = array<i32>} : memref<512xf32, #tpu.memory_space<vmem>>, vector<16xf32>,
      %add3A_944 = arith.constant 26 : i32
      %add3A_945 = vector.broadcast %add3A_944 : i32 to vector<16xi32>
      %add3A_946 = arith.addi %mul3A_5, %add3A_945 : vector<16xi32>
      %gather3A_947 = tpu.vector_load_idx %arg9[%add3A_946, %rem3A_789] : memref<768x128xf32, #tpu.memory_space<vmem>>[vector<16xi32>, vector<16xi32>], vector<16xf32>,
      %swap3A_948 = arith.constant 416 : index
      %swap3A_949 = tpu.vector_load %arg10[%swap3A_948] {strides = array<i32>} : memref<512xf32, #tpu.memory_space<vmem>>, vector<16xf32>,
      tpu.vector_store %arg10[%swap3A_948], %gather3A_947 {strides = array<i32>} : memref<512xf32, #tpu.memory_space<vmem>>, vector<16xf32>,
      %add3A_950 = arith.constant 27 : i32
      %add3A_951 = vector.broadcast %add3A_950 : i32 to vector<16xi32>
      %add3A_952 = arith.addi %mul3A_5, %add3A_951 : vector<16xi32>
      %gather3A_953 = tpu.vector_load_idx %arg9[%add3A_952, %rem3A_789] : memref<768x128xf32, #tpu.memory_space<vmem>>[vector<16xi32>, vector<16xi32>], vector<16xf32>,
      %swap3A_954 = arith.constant 432 : index
      %swap3A_955 = tpu.vector_load %arg10[%swap3A_954] {strides = array<i32>} : memref<512xf32, #tpu.memory_space<vmem>>, vector<16xf32>,
      tpu.vector_store %arg10[%swap3A_954], %gather3A_953 {strides = array<i32>} : memref<512xf32, #tpu.memory_space<vmem>>, vector<16xf32>,
      %add3A_956 = arith.constant 28 : i32
      %add3A_957 = vector.broadcast %add3A_956 : i32 to vector<16xi32>
      %add3A_958 = arith.addi %mul3A_5, %add3A_957 : vector<16xi32>
      %gather3A_959 = tpu.vector_load_idx %arg9[%add3A_958, %rem3A_789] : memref<768x128xf32, #tpu.memory_space<vmem>>[vector<16xi32>, vector<16xi32>], vector<16xf32>,
      %swap3A_960 = arith.constant 448 : index
      %swap3A_961 = tpu.vector_load %arg10[%swap3A_960] {strides = array<i32>} : memref<512xf32, #tpu.memory_space<vmem>>, vector<16xf32>,
      tpu.vector_store %arg10[%swap3A_960], %gather3A_959 {strides = array<i32>} : memref<512xf32, #tpu.memory_space<vmem>>, vector<16xf32>,
      %add3A_962 = arith.constant 29 : i32
      %add3A_963 = vector.broadcast %add3A_962 : i32 to vector<16xi32>
      %add3A_964 = arith.addi %mul3A_5, %add3A_963 : vector<16xi32>
      %gather3A_965 = tpu.vector_load_idx %arg9[%add3A_964, %rem3A_789] : memref<768x128xf32, #tpu.memory_space<vmem>>[vector<16xi32>, vector<16xi32>], vector<16xf32>,
      %swap3A_966 = arith.constant 464 : index
      %swap3A_967 = tpu.vector_load %arg10[%swap3A_966] {strides = array<i32>} : memref<512xf32, #tpu.memory_space<vmem>>, vector<16xf32>,
      tpu.vector_store %arg10[%swap3A_966], %gather3A_965 {strides = array<i32>} : memref<512xf32, #tpu.memory_space<vmem>>, vector<16xf32>,
      %add3A_968 = arith.constant 30 : i32
      %add3A_969 = vector.broadcast %add3A_968 : i32 to vector<16xi32>
      %add3A_970 = arith.addi %mul3A_5, %add3A_969 : vector<16xi32>
      %gather3A_971 = tpu.vector_load_idx %arg9[%add3A_970, %rem3A_789] : memref<768x128xf32, #tpu.memory_space<vmem>>[vector<16xi32>, vector<16xi32>], vector<16xf32>,
      %swap3A_972 = arith.constant 480 : index
      %swap3A_973 = tpu.vector_load %arg10[%swap3A_972] {strides = array<i32>} : memref<512xf32, #tpu.memory_space<vmem>>, vector<16xf32>,
      tpu.vector_store %arg10[%swap3A_972], %gather3A_971 {strides = array<i32>} : memref<512xf32, #tpu.memory_space<vmem>>, vector<16xf32>,
      %add3A_974 = arith.constant 31 : i32
      %add3A_975 = vector.broadcast %add3A_974 : i32 to vector<16xi32>
      %add3A_976 = arith.addi %mul3A_5, %add3A_975 : vector<16xi32>
      %gather3A_977 = tpu.vector_load_idx %arg9[%add3A_976, %rem3A_789] : memref<768x128xf32, #tpu.memory_space<vmem>>[vector<16xi32>, vector<16xi32>], vector<16xf32>,
      %swap3A_978 = arith.constant 496 : index
      %swap3A_979 = tpu.vector_load %arg10[%swap3A_978] {strides = array<i32>} : memref<512xf32, #tpu.memory_space<vmem>>, vector<16xf32>,
      tpu.vector_store %arg10[%swap3A_978], %gather3A_977 {strides = array<i32>} : memref<512xf32, #tpu.memory_space<vmem>>, vector<16xf32>,
      %mul3A_980 = arith.constant 16 : i32
      %mul3A_981 = arith.muli %scan3A_13, %mul3A_980 : i32
      %get3A_982 = arith.index_cast %mul3A_981 : i32 to index
      %get3A_983 = tpu.vector_load %arg8[%get3A_982] {strides = array<i32>} : memref<512xi32, #tpu.memory_space<vmem>>, vector<16xi32>,
      %slice3A_984 = vector.extract_strided_slice %get3A_983 {offsets = [0], sizes = [1], strides = [1]} : vector<16xi32> to vector<1xi32>
      %squeeze3A_985 = vector.extract %slice3A_984[0] : i32 from vector<1xi32>
      %jit3A_986 = arith.constant 128 : i32
      %div3A_987 = arith.divsi %squeeze3A_985, %jit3A_986 : i32
      %sign3A_988 = arith.constant 0 : i32
      %sign3A_989 = arith.cmpi sgt, %squeeze3A_985, %sign3A_988 : i32
      %sign3A_990 = arith.extui %sign3A_989 : i1 to i32
      %sign3A_991 = arith.constant 0 : i32
      %sign3A_992 = arith.cmpi slt, %squeeze3A_985, %sign3A_991 : i32
      %sign3A_993 = arith.extui %sign3A_992 : i1 to i32
      %sign3A_994 = arith.subi %sign3A_990, %sign3A_993 : i32
      %sign3A_995 = arith.constant 0 : i32
      %sign3A_996 = arith.cmpi sgt, %jit3A_986, %sign3A_995 : i32
      %sign3A_997 = arith.extui %sign3A_996 : i1 to i32
      %sign3A_998 = arith.constant 0 : i32
      %sign3A_999 = arith.cmpi slt, %jit3A_986, %sign3A_998 : i32
      %sign3A_1000 = arith.extui %sign3A_999 : i1 to i32
      %sign3A_1001 = arith.subi %sign3A_997, %sign3A_1000 : i32
      %ne3A_1002 = arith.cmpi ne, %sign3A_994, %sign3A_1001 : i32
      %rem3A_1003 = arith.remsi %squeeze3A_985, %jit3A_986 : i32
      %ne3A_1004 = arith.constant 0 : i32
      %ne3A_1005 = arith.cmpi ne, %rem3A_1003, %ne3A_1004 : i32
      %and3A_1006 = arith.andi %ne3A_1002, %ne3A_1005 : i1
      %sub3A_1007 = arith.constant 1 : i32
      %sub3A_1008 = arith.subi %div3A_987, %sub3A_1007 : i32
      %select_n3A_1009 = arith.select %and3A_1006, %sub3A_1008, %div3A_987 : i32
      %mul3A_1010 = arith.constant 128 : i32
      %mul3A_1011 = arith.muli %select_n3A_1009, %mul3A_1010 : i32
      %multiple_of3A_1012 = tpu.assume_multiple %mul3A_1011, 128 : i32
      %dma_start3A_1013 = arith.constant 0 : i32
      %dma_start3A_1014 = arith.constant 0 : i32
      %dma_start3A_1015 = tpu.memref_slice %arg9[%dma_start3A_1013, %dma_start3A_1014] : memref<768x128xf32, #tpu.memory_space<vmem>> -> memref<32x128xf32, #tpu.memory_space<vmem>>
      %dma_start3A_1016 = arith.constant 0 : i32
      %dma_start3A_1017 = tpu.memref_slice %arg5[%dma_start3A_1016, %multiple_of3A_1012] : memref<32x1000000xf32, #tpu.memory_space<hbm>> -> memref<32x128xf32, #tpu.memory_space<hbm>>
      %dma_start3A_1018 = arith.constant 0 : i32
      %dma_start3A_1019 = arith.constant 0 : i32
      %dma_start3A_1020 = tpu.memref_slice %arg9[%dma_start3A_1018, %dma_start3A_1019] : memref<768x128xf32, #tpu.memory_space<vmem>> -> memref<32x128xf32, #tpu.memory_space<vmem>>
      %dma_start3A_1021 = arith.constant 0 : i32
      %dma_start3A_1022 = tpu.memref_slice %arg5[%dma_start3A_1021, %multiple_of3A_1012] : memref<32x1000000xf32, #tpu.memory_space<hbm>> -> memref<32x128xf32, #tpu.memory_space<hbm>>
      tpu.enqueue_dma source(%dma_start3A_1022 : memref<32x128xf32, #tpu.memory_space<hbm>>) target(%dma_start3A_1020 : memref<32x128xf32, #tpu.memory_space<vmem>>) target_semaphore(%arg14 : memref<!tpu.dma_semaphore, #tpu.memory_space<semaphore_mem>>)
      %slice3A_1023 = vector.extract_strided_slice %get3A_983 {offsets = [1], sizes = [1], strides = [1]} : vector<16xi32> to vector<1xi32>
      %squeeze3A_1024 = vector.extract %slice3A_1023[0] : i32 from vector<1xi32>
      %jit3A_1025 = arith.constant 128 : i32
      %div3A_1026 = arith.divsi %squeeze3A_1024, %jit3A_1025 : i32
      %sign3A_1027 = arith.constant 0 : i32
      %sign3A_1028 = arith.cmpi sgt, %squeeze3A_1024, %sign3A_1027 : i32
      %sign3A_1029 = arith.extui %sign3A_1028 : i1 to i32
      %sign3A_1030 = arith.constant 0 : i32
      %sign3A_1031 = arith.cmpi slt, %squeeze3A_1024, %sign3A_1030 : i32
      %sign3A_1032 = arith.extui %sign3A_1031 : i1 to i32
      %sign3A_1033 = arith.subi %sign3A_1029, %sign3A_1032 : i32
      %sign3A_1034 = arith.constant 0 : i32
      %sign3A_1035 = arith.cmpi sgt, %jit3A_1025, %sign3A_1034 : i32
      %sign3A_1036 = arith.extui %sign3A_1035 : i1 to i32
      %sign3A_1037 = arith.constant 0 : i32
      %sign3A_1038 = arith.cmpi slt, %jit3A_1025, %sign3A_1037 : i32
      %sign3A_1039 = arith.extui %sign3A_1038 : i1 to i32
      %sign3A_1040 = arith.subi %sign3A_1036, %sign3A_1039 : i32
      %ne3A_1041 = arith.cmpi ne, %sign3A_1033, %sign3A_1040 : i32
      %rem3A_1042 = arith.remsi %squeeze3A_1024, %jit3A_1025 : i32
      %ne3A_1043 = arith.constant 0 : i32
      %ne3A_1044 = arith.cmpi ne, %rem3A_1042, %ne3A_1043 : i32
      %and3A_1045 = arith.andi %ne3A_1041, %ne3A_1044 : i1
      %sub3A_1046 = arith.constant 1 : i32
      %sub3A_1047 = arith.subi %div3A_1026, %sub3A_1046 : i32
      %select_n3A_1048 = arith.select %and3A_1045, %sub3A_1047, %div3A_1026 : i32
      %mul3A_1049 = arith.constant 128 : i32
      %mul3A_1050 = arith.muli %select_n3A_1048, %mul3A_1049 : i32
      %multiple_of3A_1051 = tpu.assume_multiple %mul3A_1050, 128 : i32
      %dma_start3A_1052 = arith.constant 32 : i32
      %dma_start3A_1053 = arith.constant 0 : i32
      %dma_start3A_1054 = tpu.memref_slice %arg9[%dma_start3A_1052, %dma_start3A_1053] : memref<768x128xf32, #tpu.memory_space<vmem>> -> memref<32x128xf32, #tpu.memory_space<vmem>>
      %dma_start3A_1055 = arith.constant 0 : i32
      %dma_start3A_1056 = tpu.memref_slice %arg5[%dma_start3A_1055, %multiple_of3A_1051] : memref<32x1000000xf32, #tpu.memory_space<hbm>> -> memref<32x128xf32, #tpu.memory_space<hbm>>
      %dma_start3A_1057 = arith.constant 32 : i32
      %dma_start3A_1058 = arith.constant 0 : i32
      %dma_start3A_1059 = tpu.memref_slice %arg9[%dma_start3A_1057, %dma_start3A_1058] : memref<768x128xf32, #tpu.memory_space<vmem>> -> memref<32x128xf32, #tpu.memory_space<vmem>>
      %dma_start3A_1060 = arith.constant 0 : i32
      %dma_start3A_1061 = tpu.memref_slice %arg5[%dma_start3A_1060, %multiple_of3A_1051] : memref<32x1000000xf32, #tpu.memory_space<hbm>> -> memref<32x128xf32, #tpu.memory_space<hbm>>
      tpu.enqueue_dma source(%dma_start3A_1061 : memref<32x128xf32, #tpu.memory_space<hbm>>) target(%dma_start3A_1059 : memref<32x128xf32, #tpu.memory_space<vmem>>) target_semaphore(%arg14 : memref<!tpu.dma_semaphore, #tpu.memory_space<semaphore_mem>>)
      %slice3A_1062 = vector.extract_strided_slice %get3A_983 {offsets = [2], sizes = [1], strides = [1]} : vector<16xi32> to vector<1xi32>
      %squeeze3A_1063 = vector.extract %slice3A_1062[0] : i32 from vector<1xi32>
      %jit3A_1064 = arith.constant 128 : i32
      %div3A_1065 = arith.divsi %squeeze3A_1063, %jit3A_1064 : i32
      %sign3A_1066 = arith.constant 0 : i32
      %sign3A_1067 = arith.cmpi sgt, %squeeze3A_1063, %sign3A_1066 : i32
      %sign3A_1068 = arith.extui %sign3A_1067 : i1 to i32
      %sign3A_1069 = arith.constant 0 : i32
      %sign3A_1070 = arith.cmpi slt, %squeeze3A_1063, %sign3A_1069 : i32
      %sign3A_1071 = arith.extui %sign3A_1070 : i1 to i32
      %sign3A_1072 = arith.subi %sign3A_1068, %sign3A_1071 : i32
      %sign3A_1073 = arith.constant 0 : i32
      %sign3A_1074 = arith.cmpi sgt, %jit3A_1064, %sign3A_1073 : i32
      %sign3A_1075 = arith.extui %sign3A_1074 : i1 to i32
      %sign3A_1076 = arith.constant 0 : i32
      %sign3A_1077 = arith.cmpi slt, %jit3A_1064, %sign3A_1076 : i32
      %sign3A_1078 = arith.extui %sign3A_1077 : i1 to i32
      %sign3A_1079 = arith.subi %sign3A_1075, %sign3A_1078 : i32
      %ne3A_1080 = arith.cmpi ne, %sign3A_1072, %sign3A_1079 : i32
      %rem3A_1081 = arith.remsi %squeeze3A_1063, %jit3A_1064 : i32
      %ne3A_1082 = arith.constant 0 : i32
      %ne3A_1083 = arith.cmpi ne, %rem3A_1081, %ne3A_1082 : i32
      %and3A_1084 = arith.andi %ne3A_1080, %ne3A_1083 : i1
      %sub3A_1085 = arith.constant 1 : i32
      %sub3A_1086 = arith.subi %div3A_1065, %sub3A_1085 : i32
      %select_n3A_1087 = arith.select %and3A_1084, %sub3A_1086, %div3A_1065 : i32
      %mul3A_1088 = arith.constant 128 : i32
      %mul3A_1089 = arith.muli %select_n3A_1087, %mul3A_1088 : i32
      %multiple_of3A_1090 = tpu.assume_multiple %mul3A_1089, 128 : i32
      %dma_start3A_1091 = arith.constant 64 : i32
      %dma_start3A_1092 = arith.constant 0 : i32
      %dma_start3A_1093 = tpu.memref_slice %arg9[%dma_start3A_1091, %dma_start3A_1092] : memref<768x128xf32, #tpu.memory_space<vmem>> -> memref<32x128xf32, #tpu.memory_space<vmem>>
      %dma_start3A_1094 = arith.constant 0 : i32
      %dma_start3A_1095 = tpu.memref_slice %arg5[%dma_start3A_1094, %multiple_of3A_1090] : memref<32x1000000xf32, #tpu.memory_space<hbm>> -> memref<32x128xf32, #tpu.memory_space<hbm>>
      %dma_start3A_1096 = arith.constant 64 : i32
      %dma_start3A_1097 = arith.constant 0 : i32
      %dma_start3A_1098 = tpu.memref_slice %arg9[%dma_start3A_1096, %dma_start3A_1097] : memref<768x128xf32, #tpu.memory_space<vmem>> -> memref<32x128xf32, #tpu.memory_space<vmem>>
      %dma_start3A_1099 = arith.constant 0 : i32
      %dma_start3A_1100 = tpu.memref_slice %arg5[%dma_start3A_1099, %multiple_of3A_1090] : memref<32x1000000xf32, #tpu.memory_space<hbm>> -> memref<32x128xf32, #tpu.memory_space<hbm>>
      tpu.enqueue_dma source(%dma_start3A_1100 : memref<32x128xf32, #tpu.memory_space<hbm>>) target(%dma_start3A_1098 : memref<32x128xf32, #tpu.memory_space<vmem>>) target_semaphore(%arg14 : memref<!tpu.dma_semaphore, #tpu.memory_space<semaphore_mem>>)
      %slice3A_1101 = vector.extract_strided_slice %get3A_983 {offsets = [3], sizes = [1], strides = [1]} : vector<16xi32> to vector<1xi32>
      %squeeze3A_1102 = vector.extract %slice3A_1101[0] : i32 from vector<1xi32>
      %jit3A_1103 = arith.constant 128 : i32
      %div3A_1104 = arith.divsi %squeeze3A_1102, %jit3A_1103 : i32
      %sign3A_1105 = arith.constant 0 : i32
      %sign3A_1106 = arith.cmpi sgt, %squeeze3A_1102, %sign3A_1105 : i32
      %sign3A_1107 = arith.extui %sign3A_1106 : i1 to i32
      %sign3A_1108 = arith.constant 0 : i32
      %sign3A_1109 = arith.cmpi slt, %squeeze3A_1102, %sign3A_1108 : i32
      %sign3A_1110 = arith.extui %sign3A_1109 : i1 to i32
      %sign3A_1111 = arith.subi %sign3A_1107, %sign3A_1110 : i32
      %sign3A_1112 = arith.constant 0 : i32
      %sign3A_1113 = arith.cmpi sgt, %jit3A_1103, %sign3A_1112 : i32
      %sign3A_1114 = arith.extui %sign3A_1113 : i1 to i32
      %sign3A_1115 = arith.constant 0 : i32
      %sign3A_1116 = arith.cmpi slt, %jit3A_1103, %sign3A_1115 : i32
      %sign3A_1117 = arith.extui %sign3A_1116 : i1 to i32
      %sign3A_1118 = arith.subi %sign3A_1114, %sign3A_1117 : i32
      %ne3A_1119 = arith.cmpi ne, %sign3A_1111, %sign3A_1118 : i32
      %rem3A_1120 = arith.remsi %squeeze3A_1102, %jit3A_1103 : i32
      %ne3A_1121 = arith.constant 0 : i32
      %ne3A_1122 = arith.cmpi ne, %rem3A_1120, %ne3A_1121 : i32
      %and3A_1123 = arith.andi %ne3A_1119, %ne3A_1122 : i1
      %sub3A_1124 = arith.constant 1 : i32
      %sub3A_1125 = arith.subi %div3A_1104, %sub3A_1124 : i32
      %select_n3A_1126 = arith.select %and3A_1123, %sub3A_1125, %div3A_1104 : i32
      %mul3A_1127 = arith.constant 128 : i32
      %mul3A_1128 = arith.muli %select_n3A_1126, %mul3A_1127 : i32
      %multiple_of3A_1129 = tpu.assume_multiple %mul3A_1128, 128 : i32
      %dma_start3A_1130 = arith.constant 96 : i32
      %dma_start3A_1131 = arith.constant 0 : i32
      %dma_start3A_1132 = tpu.memref_slice %arg9[%dma_start3A_1130, %dma_start3A_1131] : memref<768x128xf32, #tpu.memory_space<vmem>> -> memref<32x128xf32, #tpu.memory_space<vmem>>
      %dma_start3A_1133 = arith.constant 0 : i32
      %dma_start3A_1134 = tpu.memref_slice %arg5[%dma_start3A_1133, %multiple_of3A_1129] : memref<32x1000000xf32, #tpu.memory_space<hbm>> -> memref<32x128xf32, #tpu.memory_space<hbm>>
      %dma_start3A_1135 = arith.constant 96 : i32
      %dma_start3A_1136 = arith.constant 0 : i32
      %dma_start3A_1137 = tpu.memref_slice %arg9[%dma_start3A_1135, %dma_start3A_1136] : memref<768x128xf32, #tpu.memory_space<vmem>> -> memref<32x128xf32, #tpu.memory_space<vmem>>
      %dma_start3A_1138 = arith.constant 0 : i32
      %dma_start3A_1139 = tpu.memref_slice %arg5[%dma_start3A_1138, %multiple_of3A_1129] : memref<32x1000000xf32, #tpu.memory_space<hbm>> -> memref<32x128xf32, #tpu.memory_space<hbm>>
      tpu.enqueue_dma source(%dma_start3A_1139 : memref<32x128xf32, #tpu.memory_space<hbm>>) target(%dma_start3A_1137 : memref<32x128xf32, #tpu.memory_space<vmem>>) target_semaphore(%arg14 : memref<!tpu.dma_semaphore, #tpu.memory_space<semaphore_mem>>)
      %slice3A_1140 = vector.extract_strided_slice %get3A_983 {offsets = [4], sizes = [1], strides = [1]} : vector<16xi32> to vector<1xi32>
      %squeeze3A_1141 = vector.extract %slice3A_1140[0] : i32 from vector<1xi32>
      %jit3A_1142 = arith.constant 128 : i32
      %div3A_1143 = arith.divsi %squeeze3A_1141, %jit3A_1142 : i32
      %sign3A_1144 = arith.constant 0 : i32
      %sign3A_1145 = arith.cmpi sgt, %squeeze3A_1141, %sign3A_1144 : i32
      %sign3A_1146 = arith.extui %sign3A_1145 : i1 to i32
      %sign3A_1147 = arith.constant 0 : i32
      %sign3A_1148 = arith.cmpi slt, %squeeze3A_1141, %sign3A_1147 : i32
      %sign3A_1149 = arith.extui %sign3A_1148 : i1 to i32
      %sign3A_1150 = arith.subi %sign3A_1146, %sign3A_1149 : i32
      %sign3A_1151 = arith.constant 0 : i32
      %sign3A_1152 = arith.cmpi sgt, %jit3A_1142, %sign3A_1151 : i32
      %sign3A_1153 = arith.extui %sign3A_1152 : i1 to i32
      %sign3A_1154 = arith.constant 0 : i32
      %sign3A_1155 = arith.cmpi slt, %jit3A_1142, %sign3A_1154 : i32
      %sign3A_1156 = arith.extui %sign3A_1155 : i1 to i32
      %sign3A_1157 = arith.subi %sign3A_1153, %sign3A_1156 : i32
      %ne3A_1158 = arith.cmpi ne, %sign3A_1150, %sign3A_1157 : i32
      %rem3A_1159 = arith.remsi %squeeze3A_1141, %jit3A_1142 : i32
      %ne3A_1160 = arith.constant 0 : i32
      %ne3A_1161 = arith.cmpi ne, %rem3A_1159, %ne3A_1160 : i32
      %and3A_1162 = arith.andi %ne3A_1158, %ne3A_1161 : i1
      %sub3A_1163 = arith.constant 1 : i32
      %sub3A_1164 = arith.subi %div3A_1143, %sub3A_1163 : i32
      %select_n3A_1165 = arith.select %and3A_1162, %sub3A_1164, %div3A_1143 : i32
      %mul3A_1166 = arith.constant 128 : i32
      %mul3A_1167 = arith.muli %select_n3A_1165, %mul3A_1166 : i32
      %multiple_of3A_1168 = tpu.assume_multiple %mul3A_1167, 128 : i32
      %dma_start3A_1169 = arith.constant 128 : i32
      %dma_start3A_1170 = arith.constant 0 : i32
      %dma_start3A_1171 = tpu.memref_slice %arg9[%dma_start3A_1169, %dma_start3A_1170] : memref<768x128xf32, #tpu.memory_space<vmem>> -> memref<32x128xf32, #tpu.memory_space<vmem>>
      %dma_start3A_1172 = arith.constant 0 : i32
      %dma_start3A_1173 = tpu.memref_slice %arg5[%dma_start3A_1172, %multiple_of3A_1168] : memref<32x1000000xf32, #tpu.memory_space<hbm>> -> memref<32x128xf32, #tpu.memory_space<hbm>>
      %dma_start3A_1174 = arith.constant 128 : i32
      %dma_start3A_1175 = arith.constant 0 : i32
      %dma_start3A_1176 = tpu.memref_slice %arg9[%dma_start3A_1174, %dma_start3A_1175] : memref<768x128xf32, #tpu.memory_space<vmem>> -> memref<32x128xf32, #tpu.memory_space<vmem>>
      %dma_start3A_1177 = arith.constant 0 : i32
      %dma_start3A_1178 = tpu.memref_slice %arg5[%dma_start3A_1177, %multiple_of3A_1168] : memref<32x1000000xf32, #tpu.memory_space<hbm>> -> memref<32x128xf32, #tpu.memory_space<hbm>>
      tpu.enqueue_dma source(%dma_start3A_1178 : memref<32x128xf32, #tpu.memory_space<hbm>>) target(%dma_start3A_1176 : memref<32x128xf32, #tpu.memory_space<vmem>>) target_semaphore(%arg14 : memref<!tpu.dma_semaphore, #tpu.memory_space<semaphore_mem>>)
      %slice3A_1179 = vector.extract_strided_slice %get3A_983 {offsets = [5], sizes = [1], strides = [1]} : vector<16xi32> to vector<1xi32>
      %squeeze3A_1180 = vector.extract %slice3A_1179[0] : i32 from vector<1xi32>
      %jit3A_1181 = arith.constant 128 : i32
      %div3A_1182 = arith.divsi %squeeze3A_1180, %jit3A_1181 : i32
      %sign3A_1183 = arith.constant 0 : i32
      %sign3A_1184 = arith.cmpi sgt, %squeeze3A_1180, %sign3A_1183 : i32
      %sign3A_1185 = arith.extui %sign3A_1184 : i1 to i32
      %sign3A_1186 = arith.constant 0 : i32
      %sign3A_1187 = arith.cmpi slt, %squeeze3A_1180, %sign3A_1186 : i32
      %sign3A_1188 = arith.extui %sign3A_1187 : i1 to i32
      %sign3A_1189 = arith.subi %sign3A_1185, %sign3A_1188 : i32
      %sign3A_1190 = arith.constant 0 : i32
      %sign3A_1191 = arith.cmpi sgt, %jit3A_1181, %sign3A_1190 : i32
      %sign3A_1192 = arith.extui %sign3A_1191 : i1 to i32
      %sign3A_1193 = arith.constant 0 : i32
      %sign3A_1194 = arith.cmpi slt, %jit3A_1181, %sign3A_1193 : i32
      %sign3A_1195 = arith.extui %sign3A_1194 : i1 to i32
      %sign3A_1196 = arith.subi %sign3A_1192, %sign3A_1195 : i32
      %ne3A_1197 = arith.cmpi ne, %sign3A_1189, %sign3A_1196 : i32
      %rem3A_1198 = arith.remsi %squeeze3A_1180, %jit3A_1181 : i32
      %ne3A_1199 = arith.constant 0 : i32
      %ne3A_1200 = arith.cmpi ne, %rem3A_1198, %ne3A_1199 : i32
      %and3A_1201 = arith.andi %ne3A_1197, %ne3A_1200 : i1
      %sub3A_1202 = arith.constant 1 : i32
      %sub3A_1203 = arith.subi %div3A_1182, %sub3A_1202 : i32
      %select_n3A_1204 = arith.select %and3A_1201, %sub3A_1203, %div3A_1182 : i32
      %mul3A_1205 = arith.constant 128 : i32
      %mul3A_1206 = arith.muli %select_n3A_1204, %mul3A_1205 : i32
      %multiple_of3A_1207 = tpu.assume_multiple %mul3A_1206, 128 : i32
      %dma_start3A_1208 = arith.constant 160 : i32
      %dma_start3A_1209 = arith.constant 0 : i32
      %dma_start3A_1210 = tpu.memref_slice %arg9[%dma_start3A_1208, %dma_start3A_1209] : memref<768x128xf32, #tpu.memory_space<vmem>> -> memref<32x128xf32, #tpu.memory_space<vmem>>
      %dma_start3A_1211 = arith.constant 0 : i32
      %dma_start3A_1212 = tpu.memref_slice %arg5[%dma_start3A_1211, %multiple_of3A_1207] : memref<32x1000000xf32, #tpu.memory_space<hbm>> -> memref<32x128xf32, #tpu.memory_space<hbm>>
      %dma_start3A_1213 = arith.constant 160 : i32
      %dma_start3A_1214 = arith.constant 0 : i32
      %dma_start3A_1215 = tpu.memref_slice %arg9[%dma_start3A_1213, %dma_start3A_1214] : memref<768x128xf32, #tpu.memory_space<vmem>> -> memref<32x128xf32, #tpu.memory_space<vmem>>
      %dma_start3A_1216 = arith.constant 0 : i32
      %dma_start3A_1217 = tpu.memref_slice %arg5[%dma_start3A_1216, %multiple_of3A_1207] : memref<32x1000000xf32, #tpu.memory_space<hbm>> -> memref<32x128xf32, #tpu.memory_space<hbm>>
      tpu.enqueue_dma source(%dma_start3A_1217 : memref<32x128xf32, #tpu.memory_space<hbm>>) target(%dma_start3A_1215 : memref<32x128xf32, #tpu.memory_space<vmem>>) target_semaphore(%arg14 : memref<!tpu.dma_semaphore, #tpu.memory_space<semaphore_mem>>)
      %slice3A_1218 = vector.extract_strided_slice %get3A_983 {offsets = [6], sizes = [1], strides = [1]} : vector<16xi32> to vector<1xi32>
      %squeeze3A_1219 = vector.extract %slice3A_1218[0] : i32 from vector<1xi32>
      %jit3A_1220 = arith.constant 128 : i32
      %div3A_1221 = arith.divsi %squeeze3A_1219, %jit3A_1220 : i32
      %sign3A_1222 = arith.constant 0 : i32
      %sign3A_1223 = arith.cmpi sgt, %squeeze3A_1219, %sign3A_1222 : i32
      %sign3A_1224 = arith.extui %sign3A_1223 : i1 to i32
      %sign3A_1225 = arith.constant 0 : i32
      %sign3A_1226 = arith.cmpi slt, %squeeze3A_1219, %sign3A_1225 : i32
      %sign3A_1227 = arith.extui %sign3A_1226 : i1 to i32
      %sign3A_1228 = arith.subi %sign3A_1224, %sign3A_1227 : i32
      %sign3A_1229 = arith.constant 0 : i32
      %sign3A_1230 = arith.cmpi sgt, %jit3A_1220, %sign3A_1229 : i32
      %sign3A_1231 = arith.extui %sign3A_1230 : i1 to i32
      %sign3A_1232 = arith.constant 0 : i32
      %sign3A_1233 = arith.cmpi slt, %jit3A_1220, %sign3A_1232 : i32
      %sign3A_1234 = arith.extui %sign3A_1233 : i1 to i32
      %sign3A_1235 = arith.subi %sign3A_1231, %sign3A_1234 : i32
      %ne3A_1236 = arith.cmpi ne, %sign3A_1228, %sign3A_1235 : i32
      %rem3A_1237 = arith.remsi %squeeze3A_1219, %jit3A_1220 : i32
      %ne3A_1238 = arith.constant 0 : i32
      %ne3A_1239 = arith.cmpi ne, %rem3A_1237, %ne3A_1238 : i32
      %and3A_1240 = arith.andi %ne3A_1236, %ne3A_1239 : i1
      %sub3A_1241 = arith.constant 1 : i32
      %sub3A_1242 = arith.subi %div3A_1221, %sub3A_1241 : i32
      %select_n3A_1243 = arith.select %and3A_1240, %sub3A_1242, %div3A_1221 : i32
      %mul3A_1244 = arith.constant 128 : i32
      %mul3A_1245 = arith.muli %select_n3A_1243, %mul3A_1244 : i32
      %multiple_of3A_1246 = tpu.assume_multiple %mul3A_1245, 128 : i32
      %dma_start3A_1247 = arith.constant 192 : i32
      %dma_start3A_1248 = arith.constant 0 : i32
      %dma_start3A_1249 = tpu.memref_slice %arg9[%dma_start3A_1247, %dma_start3A_1248] : memref<768x128xf32, #tpu.memory_space<vmem>> -> memref<32x128xf32, #tpu.memory_space<vmem>>
      %dma_start3A_1250 = arith.constant 0 : i32
      %dma_start3A_1251 = tpu.memref_slice %arg5[%dma_start3A_1250, %multiple_of3A_1246] : memref<32x1000000xf32, #tpu.memory_space<hbm>> -> memref<32x128xf32, #tpu.memory_space<hbm>>
      %dma_start3A_1252 = arith.constant 192 : i32
      %dma_start3A_1253 = arith.constant 0 : i32
      %dma_start3A_1254 = tpu.memref_slice %arg9[%dma_start3A_1252, %dma_start3A_1253] : memref<768x128xf32, #tpu.memory_space<vmem>> -> memref<32x128xf32, #tpu.memory_space<vmem>>
      %dma_start3A_1255 = arith.constant 0 : i32
      %dma_start3A_1256 = tpu.memref_slice %arg5[%dma_start3A_1255, %multiple_of3A_1246] : memref<32x1000000xf32, #tpu.memory_space<hbm>> -> memref<32x128xf32, #tpu.memory_space<hbm>>
      tpu.enqueue_dma source(%dma_start3A_1256 : memref<32x128xf32, #tpu.memory_space<hbm>>) target(%dma_start3A_1254 : memref<32x128xf32, #tpu.memory_space<vmem>>) target_semaphore(%arg14 : memref<!tpu.dma_semaphore, #tpu.memory_space<semaphore_mem>>)
      %slice3A_1257 = vector.extract_strided_slice %get3A_983 {offsets = [7], sizes = [1], strides = [1]} : vector<16xi32> to vector<1xi32>
      %squeeze3A_1258 = vector.extract %slice3A_1257[0] : i32 from vector<1xi32>
      %jit3A_1259 = arith.constant 128 : i32
      %div3A_1260 = arith.divsi %squeeze3A_1258, %jit3A_1259 : i32
      %sign3A_1261 = arith.constant 0 : i32
      %sign3A_1262 = arith.cmpi sgt, %squeeze3A_1258, %sign3A_1261 : i32
      %sign3A_1263 = arith.extui %sign3A_1262 : i1 to i32
      %sign3A_1264 = arith.constant 0 : i32
      %sign3A_1265 = arith.cmpi slt, %squeeze3A_1258, %sign3A_1264 : i32
      %sign3A_1266 = arith.extui %sign3A_1265 : i1 to i32
      %sign3A_1267 = arith.subi %sign3A_1263, %sign3A_1266 : i32
      %sign3A_1268 = arith.constant 0 : i32
      %sign3A_1269 = arith.cmpi sgt, %jit3A_1259, %sign3A_1268 : i32
      %sign3A_1270 = arith.extui %sign3A_1269 : i1 to i32
      %sign3A_1271 = arith.constant 0 : i32
      %sign3A_1272 = arith.cmpi slt, %jit3A_1259, %sign3A_1271 : i32
      %sign3A_1273 = arith.extui %sign3A_1272 : i1 to i32
      %sign3A_1274 = arith.subi %sign3A_1270, %sign3A_1273 : i32
      %ne3A_1275 = arith.cmpi ne, %sign3A_1267, %sign3A_1274 : i32
      %rem3A_1276 = arith.remsi %squeeze3A_1258, %jit3A_1259 : i32
      %ne3A_1277 = arith.constant 0 : i32
      %ne3A_1278 = arith.cmpi ne, %rem3A_1276, %ne3A_1277 : i32
      %and3A_1279 = arith.andi %ne3A_1275, %ne3A_1278 : i1
      %sub3A_1280 = arith.constant 1 : i32
      %sub3A_1281 = arith.subi %div3A_1260, %sub3A_1280 : i32
      %select_n3A_1282 = arith.select %and3A_1279, %sub3A_1281, %div3A_1260 : i32
      %mul3A_1283 = arith.constant 128 : i32
      %mul3A_1284 = arith.muli %select_n3A_1282, %mul3A_1283 : i32
      %multiple_of3A_1285 = tpu.assume_multiple %mul3A_1284, 128 : i32
      %dma_start3A_1286 = arith.constant 224 : i32
      %dma_start3A_1287 = arith.constant 0 : i32
      %dma_start3A_1288 = tpu.memref_slice %arg9[%dma_start3A_1286, %dma_start3A_1287] : memref<768x128xf32, #tpu.memory_space<vmem>> -> memref<32x128xf32, #tpu.memory_space<vmem>>
      %dma_start3A_1289 = arith.constant 0 : i32
      %dma_start3A_1290 = tpu.memref_slice %arg5[%dma_start3A_1289, %multiple_of3A_1285] : memref<32x1000000xf32, #tpu.memory_space<hbm>> -> memref<32x128xf32, #tpu.memory_space<hbm>>
      %dma_start3A_1291 = arith.constant 224 : i32
      %dma_start3A_1292 = arith.constant 0 : i32
      %dma_start3A_1293 = tpu.memref_slice %arg9[%dma_start3A_1291, %dma_start3A_1292] : memref<768x128xf32, #tpu.memory_space<vmem>> -> memref<32x128xf32, #tpu.memory_space<vmem>>
      %dma_start3A_1294 = arith.constant 0 : i32
      %dma_start3A_1295 = tpu.memref_slice %arg5[%dma_start3A_1294, %multiple_of3A_1285] : memref<32x1000000xf32, #tpu.memory_space<hbm>> -> memref<32x128xf32, #tpu.memory_space<hbm>>
      tpu.enqueue_dma source(%dma_start3A_1295 : memref<32x128xf32, #tpu.memory_space<hbm>>) target(%dma_start3A_1293 : memref<32x128xf32, #tpu.memory_space<vmem>>) target_semaphore(%arg14 : memref<!tpu.dma_semaphore, #tpu.memory_space<semaphore_mem>>)
      %slice3A_1296 = vector.extract_strided_slice %get3A_983 {offsets = [8], sizes = [1], strides = [1]} : vector<16xi32> to vector<1xi32>
      %squeeze3A_1297 = vector.extract %slice3A_1296[0] : i32 from vector<1xi32>
      %jit3A_1298 = arith.constant 128 : i32
      %div3A_1299 = arith.divsi %squeeze3A_1297, %jit3A_1298 : i32
      %sign3A_1300 = arith.constant 0 : i32
      %sign3A_1301 = arith.cmpi sgt, %squeeze3A_1297, %sign3A_1300 : i32
      %sign3A_1302 = arith.extui %sign3A_1301 : i1 to i32
      %sign3A_1303 = arith.constant 0 : i32
      %sign3A_1304 = arith.cmpi slt, %squeeze3A_1297, %sign3A_1303 : i32
      %sign3A_1305 = arith.extui %sign3A_1304 : i1 to i32
      %sign3A_1306 = arith.subi %sign3A_1302, %sign3A_1305 : i32
      %sign3A_1307 = arith.constant 0 : i32
      %sign3A_1308 = arith.cmpi sgt, %jit3A_1298, %sign3A_1307 : i32
      %sign3A_1309 = arith.extui %sign3A_1308 : i1 to i32
      %sign3A_1310 = arith.constant 0 : i32
      %sign3A_1311 = arith.cmpi slt, %jit3A_1298, %sign3A_1310 : i32
      %sign3A_1312 = arith.extui %sign3A_1311 : i1 to i32
      %sign3A_1313 = arith.subi %sign3A_1309, %sign3A_1312 : i32
      %ne3A_1314 = arith.cmpi ne, %sign3A_1306, %sign3A_1313 : i32
      %rem3A_1315 = arith.remsi %squeeze3A_1297, %jit3A_1298 : i32
      %ne3A_1316 = arith.constant 0 : i32
      %ne3A_1317 = arith.cmpi ne, %rem3A_1315, %ne3A_1316 : i32
      %and3A_1318 = arith.andi %ne3A_1314, %ne3A_1317 : i1
      %sub3A_1319 = arith.constant 1 : i32
      %sub3A_1320 = arith.subi %div3A_1299, %sub3A_1319 : i32
      %select_n3A_1321 = arith.select %and3A_1318, %sub3A_1320, %div3A_1299 : i32
      %mul3A_1322 = arith.constant 128 : i32
      %mul3A_1323 = arith.muli %select_n3A_1321, %mul3A_1322 : i32
      %multiple_of3A_1324 = tpu.assume_multiple %mul3A_1323, 128 : i32
      %dma_start3A_1325 = arith.constant 256 : i32
      %dma_start3A_1326 = arith.constant 0 : i32
      %dma_start3A_1327 = tpu.memref_slice %arg9[%dma_start3A_1325, %dma_start3A_1326] : memref<768x128xf32, #tpu.memory_space<vmem>> -> memref<32x128xf32, #tpu.memory_space<vmem>>
      %dma_start3A_1328 = arith.constant 0 : i32
      %dma_start3A_1329 = tpu.memref_slice %arg5[%dma_start3A_1328, %multiple_of3A_1324] : memref<32x1000000xf32, #tpu.memory_space<hbm>> -> memref<32x128xf32, #tpu.memory_space<hbm>>
      %dma_start3A_1330 = arith.constant 256 : i32
      %dma_start3A_1331 = arith.constant 0 : i32
      %dma_start3A_1332 = tpu.memref_slice %arg9[%dma_start3A_1330, %dma_start3A_1331] : memref<768x128xf32, #tpu.memory_space<vmem>> -> memref<32x128xf32, #tpu.memory_space<vmem>>
      %dma_start3A_1333 = arith.constant 0 : i32
      %dma_start3A_1334 = tpu.memref_slice %arg5[%dma_start3A_1333, %multiple_of3A_1324] : memref<32x1000000xf32, #tpu.memory_space<hbm>> -> memref<32x128xf32, #tpu.memory_space<hbm>>
      tpu.enqueue_dma source(%dma_start3A_1334 : memref<32x128xf32, #tpu.memory_space<hbm>>) target(%dma_start3A_1332 : memref<32x128xf32, #tpu.memory_space<vmem>>) target_semaphore(%arg14 : memref<!tpu.dma_semaphore, #tpu.memory_space<semaphore_mem>>)
      %slice3A_1335 = vector.extract_strided_slice %get3A_983 {offsets = [9], sizes = [1], strides = [1]} : vector<16xi32> to vector<1xi32>
      %squeeze3A_1336 = vector.extract %slice3A_1335[0] : i32 from vector<1xi32>
      %jit3A_1337 = arith.constant 128 : i32
      %div3A_1338 = arith.divsi %squeeze3A_1336, %jit3A_1337 : i32
      %sign3A_1339 = arith.constant 0 : i32
      %sign3A_1340 = arith.cmpi sgt, %squeeze3A_1336, %sign3A_1339 : i32
      %sign3A_1341 = arith.extui %sign3A_1340 : i1 to i32
      %sign3A_1342 = arith.constant 0 : i32
      %sign3A_1343 = arith.cmpi slt, %squeeze3A_1336, %sign3A_1342 : i32
      %sign3A_1344 = arith.extui %sign3A_1343 : i1 to i32
      %sign3A_1345 = arith.subi %sign3A_1341, %sign3A_1344 : i32
      %sign3A_1346 = arith.constant 0 : i32
      %sign3A_1347 = arith.cmpi sgt, %jit3A_1337, %sign3A_1346 : i32
      %sign3A_1348 = arith.extui %sign3A_1347 : i1 to i32
      %sign3A_1349 = arith.constant 0 : i32
      %sign3A_1350 = arith.cmpi slt, %jit3A_1337, %sign3A_1349 : i32
      %sign3A_1351 = arith.extui %sign3A_1350 : i1 to i32
      %sign3A_1352 = arith.subi %sign3A_1348, %sign3A_1351 : i32
      %ne3A_1353 = arith.cmpi ne, %sign3A_1345, %sign3A_1352 : i32
      %rem3A_1354 = arith.remsi %squeeze3A_1336, %jit3A_1337 : i32
      %ne3A_1355 = arith.constant 0 : i32
      %ne3A_1356 = arith.cmpi ne, %rem3A_1354, %ne3A_1355 : i32
      %and3A_1357 = arith.andi %ne3A_1353, %ne3A_1356 : i1
      %sub3A_1358 = arith.constant 1 : i32
      %sub3A_1359 = arith.subi %div3A_1338, %sub3A_1358 : i32
      %select_n3A_1360 = arith.select %and3A_1357, %sub3A_1359, %div3A_1338 : i32
      %mul3A_1361 = arith.constant 128 : i32
      %mul3A_1362 = arith.muli %select_n3A_1360, %mul3A_1361 : i32
      %multiple_of3A_1363 = tpu.assume_multiple %mul3A_1362, 128 : i32
      %dma_start3A_1364 = arith.constant 288 : i32
      %dma_start3A_1365 = arith.constant 0 : i32
      %dma_start3A_1366 = tpu.memref_slice %arg9[%dma_start3A_1364, %dma_start3A_1365] : memref<768x128xf32, #tpu.memory_space<vmem>> -> memref<32x128xf32, #tpu.memory_space<vmem>>
      %dma_start3A_1367 = arith.constant 0 : i32
      %dma_start3A_1368 = tpu.memref_slice %arg5[%dma_start3A_1367, %multiple_of3A_1363] : memref<32x1000000xf32, #tpu.memory_space<hbm>> -> memref<32x128xf32, #tpu.memory_space<hbm>>
      %dma_start3A_1369 = arith.constant 288 : i32
      %dma_start3A_1370 = arith.constant 0 : i32
      %dma_start3A_1371 = tpu.memref_slice %arg9[%dma_start3A_1369, %dma_start3A_1370] : memref<768x128xf32, #tpu.memory_space<vmem>> -> memref<32x128xf32, #tpu.memory_space<vmem>>
      %dma_start3A_1372 = arith.constant 0 : i32
      %dma_start3A_1373 = tpu.memref_slice %arg5[%dma_start3A_1372, %multiple_of3A_1363] : memref<32x1000000xf32, #tpu.memory_space<hbm>> -> memref<32x128xf32, #tpu.memory_space<hbm>>
      tpu.enqueue_dma source(%dma_start3A_1373 : memref<32x128xf32, #tpu.memory_space<hbm>>) target(%dma_start3A_1371 : memref<32x128xf32, #tpu.memory_space<vmem>>) target_semaphore(%arg14 : memref<!tpu.dma_semaphore, #tpu.memory_space<semaphore_mem>>)
      %slice3A_1374 = vector.extract_strided_slice %get3A_983 {offsets = [10], sizes = [1], strides = [1]} : vector<16xi32> to vector<1xi32>
      %squeeze3A_1375 = vector.extract %slice3A_1374[0] : i32 from vector<1xi32>
      %jit3A_1376 = arith.constant 128 : i32
      %div3A_1377 = arith.divsi %squeeze3A_1375, %jit3A_1376 : i32
      %sign3A_1378 = arith.constant 0 : i32
      %sign3A_1379 = arith.cmpi sgt, %squeeze3A_1375, %sign3A_1378 : i32
      %sign3A_1380 = arith.extui %sign3A_1379 : i1 to i32
      %sign3A_1381 = arith.constant 0 : i32
      %sign3A_1382 = arith.cmpi slt, %squeeze3A_1375, %sign3A_1381 : i32
      %sign3A_1383 = arith.extui %sign3A_1382 : i1 to i32
      %sign3A_1384 = arith.subi %sign3A_1380, %sign3A_1383 : i32
      %sign3A_1385 = arith.constant 0 : i32
      %sign3A_1386 = arith.cmpi sgt, %jit3A_1376, %sign3A_1385 : i32
      %sign3A_1387 = arith.extui %sign3A_1386 : i1 to i32
      %sign3A_1388 = arith.constant 0 : i32
      %sign3A_1389 = arith.cmpi slt, %jit3A_1376, %sign3A_1388 : i32
      %sign3A_1390 = arith.extui %sign3A_1389 : i1 to i32
      %sign3A_1391 = arith.subi %sign3A_1387, %sign3A_1390 : i32
      %ne3A_1392 = arith.cmpi ne, %sign3A_1384, %sign3A_1391 : i32
      %rem3A_1393 = arith.remsi %squeeze3A_1375, %jit3A_1376 : i32
      %ne3A_1394 = arith.constant 0 : i32
      %ne3A_1395 = arith.cmpi ne, %rem3A_1393, %ne3A_1394 : i32
      %and3A_1396 = arith.andi %ne3A_1392, %ne3A_1395 : i1
      %sub3A_1397 = arith.constant 1 : i32
      %sub3A_1398 = arith.subi %div3A_1377, %sub3A_1397 : i32
      %select_n3A_1399 = arith.select %and3A_1396, %sub3A_1398, %div3A_1377 : i32
      %mul3A_1400 = arith.constant 128 : i32
      %mul3A_1401 = arith.muli %select_n3A_1399, %mul3A_1400 : i32
      %multiple_of3A_1402 = tpu.assume_multiple %mul3A_1401, 128 : i32
      %dma_start3A_1403 = arith.constant 320 : i32
      %dma_start3A_1404 = arith.constant 0 : i32
      %dma_start3A_1405 = tpu.memref_slice %arg9[%dma_start3A_1403, %dma_start3A_1404] : memref<768x128xf32, #tpu.memory_space<vmem>> -> memref<32x128xf32, #tpu.memory_space<vmem>>
      %dma_start3A_1406 = arith.constant 0 : i32
      %dma_start3A_1407 = tpu.memref_slice %arg5[%dma_start3A_1406, %multiple_of3A_1402] : memref<32x1000000xf32, #tpu.memory_space<hbm>> -> memref<32x128xf32, #tpu.memory_space<hbm>>
      %dma_start3A_1408 = arith.constant 320 : i32
      %dma_start3A_1409 = arith.constant 0 : i32
      %dma_start3A_1410 = tpu.memref_slice %arg9[%dma_start3A_1408, %dma_start3A_1409] : memref<768x128xf32, #tpu.memory_space<vmem>> -> memref<32x128xf32, #tpu.memory_space<vmem>>
      %dma_start3A_1411 = arith.constant 0 : i32
      %dma_start3A_1412 = tpu.memref_slice %arg5[%dma_start3A_1411, %multiple_of3A_1402] : memref<32x1000000xf32, #tpu.memory_space<hbm>> -> memref<32x128xf32, #tpu.memory_space<hbm>>
      tpu.enqueue_dma source(%dma_start3A_1412 : memref<32x128xf32, #tpu.memory_space<hbm>>) target(%dma_start3A_1410 : memref<32x128xf32, #tpu.memory_space<vmem>>) target_semaphore(%arg14 : memref<!tpu.dma_semaphore, #tpu.memory_space<semaphore_mem>>)
      %slice3A_1413 = vector.extract_strided_slice %get3A_983 {offsets = [11], sizes = [1], strides = [1]} : vector<16xi32> to vector<1xi32>
      %squeeze3A_1414 = vector.extract %slice3A_1413[0] : i32 from vector<1xi32>
      %jit3A_1415 = arith.constant 128 : i32
      %div3A_1416 = arith.divsi %squeeze3A_1414, %jit3A_1415 : i32
      %sign3A_1417 = arith.constant 0 : i32
      %sign3A_1418 = arith.cmpi sgt, %squeeze3A_1414, %sign3A_1417 : i32
      %sign3A_1419 = arith.extui %sign3A_1418 : i1 to i32
      %sign3A_1420 = arith.constant 0 : i32
      %sign3A_1421 = arith.cmpi slt, %squeeze3A_1414, %sign3A_1420 : i32
      %sign3A_1422 = arith.extui %sign3A_1421 : i1 to i32
      %sign3A_1423 = arith.subi %sign3A_1419, %sign3A_1422 : i32
      %sign3A_1424 = arith.constant 0 : i32
      %sign3A_1425 = arith.cmpi sgt, %jit3A_1415, %sign3A_1424 : i32
      %sign3A_1426 = arith.extui %sign3A_1425 : i1 to i32
      %sign3A_1427 = arith.constant 0 : i32
      %sign3A_1428 = arith.cmpi slt, %jit3A_1415, %sign3A_1427 : i32
      %sign3A_1429 = arith.extui %sign3A_1428 : i1 to i32
      %sign3A_1430 = arith.subi %sign3A_1426, %sign3A_1429 : i32
      %ne3A_1431 = arith.cmpi ne, %sign3A_1423, %sign3A_1430 : i32
      %rem3A_1432 = arith.remsi %squeeze3A_1414, %jit3A_1415 : i32
      %ne3A_1433 = arith.constant 0 : i32
      %ne3A_1434 = arith.cmpi ne, %rem3A_1432, %ne3A_1433 : i32
      %and3A_1435 = arith.andi %ne3A_1431, %ne3A_1434 : i1
      %sub3A_1436 = arith.constant 1 : i32
      %sub3A_1437 = arith.subi %div3A_1416, %sub3A_1436 : i32
      %select_n3A_1438 = arith.select %and3A_1435, %sub3A_1437, %div3A_1416 : i32
      %mul3A_1439 = arith.constant 128 : i32
      %mul3A_1440 = arith.muli %select_n3A_1438, %mul3A_1439 : i32
      %multiple_of3A_1441 = tpu.assume_multiple %mul3A_1440, 128 : i32
      %dma_start3A_1442 = arith.constant 352 : i32
      %dma_start3A_1443 = arith.constant 0 : i32
      %dma_start3A_1444 = tpu.memref_slice %arg9[%dma_start3A_1442, %dma_start3A_1443] : memref<768x128xf32, #tpu.memory_space<vmem>> -> memref<32x128xf32, #tpu.memory_space<vmem>>
      %dma_start3A_1445 = arith.constant 0 : i32
      %dma_start3A_1446 = tpu.memref_slice %arg5[%dma_start3A_1445, %multiple_of3A_1441] : memref<32x1000000xf32, #tpu.memory_space<hbm>> -> memref<32x128xf32, #tpu.memory_space<hbm>>
      %dma_start3A_1447 = arith.constant 352 : i32
      %dma_start3A_1448 = arith.constant 0 : i32
      %dma_start3A_1449 = tpu.memref_slice %arg9[%dma_start3A_1447, %dma_start3A_1448] : memref<768x128xf32, #tpu.memory_space<vmem>> -> memref<32x128xf32, #tpu.memory_space<vmem>>
      %dma_start3A_1450 = arith.constant 0 : i32
      %dma_start3A_1451 = tpu.memref_slice %arg5[%dma_start3A_1450, %multiple_of3A_1441] : memref<32x1000000xf32, #tpu.memory_space<hbm>> -> memref<32x128xf32, #tpu.memory_space<hbm>>
      tpu.enqueue_dma source(%dma_start3A_1451 : memref<32x128xf32, #tpu.memory_space<hbm>>) target(%dma_start3A_1449 : memref<32x128xf32, #tpu.memory_space<vmem>>) target_semaphore(%arg14 : memref<!tpu.dma_semaphore, #tpu.memory_space<semaphore_mem>>)
      %slice3A_1452 = vector.extract_strided_slice %get3A_983 {offsets = [12], sizes = [1], strides = [1]} : vector<16xi32> to vector<1xi32>
      %squeeze3A_1453 = vector.extract %slice3A_1452[0] : i32 from vector<1xi32>
      %jit3A_1454 = arith.constant 128 : i32
      %div3A_1455 = arith.divsi %squeeze3A_1453, %jit3A_1454 : i32
      %sign3A_1456 = arith.constant 0 : i32
      %sign3A_1457 = arith.cmpi sgt, %squeeze3A_1453, %sign3A_1456 : i32
      %sign3A_1458 = arith.extui %sign3A_1457 : i1 to i32
      %sign3A_1459 = arith.constant 0 : i32
      %sign3A_1460 = arith.cmpi slt, %squeeze3A_1453, %sign3A_1459 : i32
      %sign3A_1461 = arith.extui %sign3A_1460 : i1 to i32
      %sign3A_1462 = arith.subi %sign3A_1458, %sign3A_1461 : i32
      %sign3A_1463 = arith.constant 0 : i32
      %sign3A_1464 = arith.cmpi sgt, %jit3A_1454, %sign3A_1463 : i32
      %sign3A_1465 = arith.extui %sign3A_1464 : i1 to i32
      %sign3A_1466 = arith.constant 0 : i32
      %sign3A_1467 = arith.cmpi slt, %jit3A_1454, %sign3A_1466 : i32
      %sign3A_1468 = arith.extui %sign3A_1467 : i1 to i32
      %sign3A_1469 = arith.subi %sign3A_1465, %sign3A_1468 : i32
      %ne3A_1470 = arith.cmpi ne, %sign3A_1462, %sign3A_1469 : i32
      %rem3A_1471 = arith.remsi %squeeze3A_1453, %jit3A_1454 : i32
      %ne3A_1472 = arith.constant 0 : i32
      %ne3A_1473 = arith.cmpi ne, %rem3A_1471, %ne3A_1472 : i32
      %and3A_1474 = arith.andi %ne3A_1470, %ne3A_1473 : i1
      %sub3A_1475 = arith.constant 1 : i32
      %sub3A_1476 = arith.subi %div3A_1455, %sub3A_1475 : i32
      %select_n3A_1477 = arith.select %and3A_1474, %sub3A_1476, %div3A_1455 : i32
      %mul3A_1478 = arith.constant 128 : i32
      %mul3A_1479 = arith.muli %select_n3A_1477, %mul3A_1478 : i32
      %multiple_of3A_1480 = tpu.assume_multiple %mul3A_1479, 128 : i32
      %dma_start3A_1481 = arith.constant 384 : i32
      %dma_start3A_1482 = arith.constant 0 : i32
      %dma_start3A_1483 = tpu.memref_slice %arg9[%dma_start3A_1481, %dma_start3A_1482] : memref<768x128xf32, #tpu.memory_space<vmem>> -> memref<32x128xf32, #tpu.memory_space<vmem>>
      %dma_start3A_1484 = arith.constant 0 : i32
      %dma_start3A_1485 = tpu.memref_slice %arg5[%dma_start3A_1484, %multiple_of3A_1480] : memref<32x1000000xf32, #tpu.memory_space<hbm>> -> memref<32x128xf32, #tpu.memory_space<hbm>>
      %dma_start3A_1486 = arith.constant 384 : i32
      %dma_start3A_1487 = arith.constant 0 : i32
      %dma_start3A_1488 = tpu.memref_slice %arg9[%dma_start3A_1486, %dma_start3A_1487] : memref<768x128xf32, #tpu.memory_space<vmem>> -> memref<32x128xf32, #tpu.memory_space<vmem>>
      %dma_start3A_1489 = arith.constant 0 : i32
      %dma_start3A_1490 = tpu.memref_slice %arg5[%dma_start3A_1489, %multiple_of3A_1480] : memref<32x1000000xf32, #tpu.memory_space<hbm>> -> memref<32x128xf32, #tpu.memory_space<hbm>>
      tpu.enqueue_dma source(%dma_start3A_1490 : memref<32x128xf32, #tpu.memory_space<hbm>>) target(%dma_start3A_1488 : memref<32x128xf32, #tpu.memory_space<vmem>>) target_semaphore(%arg14 : memref<!tpu.dma_semaphore, #tpu.memory_space<semaphore_mem>>)
      %slice3A_1491 = vector.extract_strided_slice %get3A_983 {offsets = [13], sizes = [1], strides = [1]} : vector<16xi32> to vector<1xi32>
      %squeeze3A_1492 = vector.extract %slice3A_1491[0] : i32 from vector<1xi32>
      %jit3A_1493 = arith.constant 128 : i32
      %div3A_1494 = arith.divsi %squeeze3A_1492, %jit3A_1493 : i32
      %sign3A_1495 = arith.constant 0 : i32
      %sign3A_1496 = arith.cmpi sgt, %squeeze3A_1492, %sign3A_1495 : i32
      %sign3A_1497 = arith.extui %sign3A_1496 : i1 to i32
      %sign3A_1498 = arith.constant 0 : i32
      %sign3A_1499 = arith.cmpi slt, %squeeze3A_1492, %sign3A_1498 : i32
      %sign3A_1500 = arith.extui %sign3A_1499 : i1 to i32
      %sign3A_1501 = arith.subi %sign3A_1497, %sign3A_1500 : i32
      %sign3A_1502 = arith.constant 0 : i32
      %sign3A_1503 = arith.cmpi sgt, %jit3A_1493, %sign3A_1502 : i32
      %sign3A_1504 = arith.extui %sign3A_1503 : i1 to i32
      %sign3A_1505 = arith.constant 0 : i32
      %sign3A_1506 = arith.cmpi slt, %jit3A_1493, %sign3A_1505 : i32
      %sign3A_1507 = arith.extui %sign3A_1506 : i1 to i32
      %sign3A_1508 = arith.subi %sign3A_1504, %sign3A_1507 : i32
      %ne3A_1509 = arith.cmpi ne, %sign3A_1501, %sign3A_1508 : i32
      %rem3A_1510 = arith.remsi %squeeze3A_1492, %jit3A_1493 : i32
      %ne3A_1511 = arith.constant 0 : i32
      %ne3A_1512 = arith.cmpi ne, %rem3A_1510, %ne3A_1511 : i32
      %and3A_1513 = arith.andi %ne3A_1509, %ne3A_1512 : i1
      %sub3A_1514 = arith.constant 1 : i32
      %sub3A_1515 = arith.subi %div3A_1494, %sub3A_1514 : i32
      %select_n3A_1516 = arith.select %and3A_1513, %sub3A_1515, %div3A_1494 : i32
      %mul3A_1517 = arith.constant 128 : i32
      %mul3A_1518 = arith.muli %select_n3A_1516, %mul3A_1517 : i32
      %multiple_of3A_1519 = tpu.assume_multiple %mul3A_1518, 128 : i32
      %dma_start3A_1520 = arith.constant 416 : i32
      %dma_start3A_1521 = arith.constant 0 : i32
      %dma_start3A_1522 = tpu.memref_slice %arg9[%dma_start3A_1520, %dma_start3A_1521] : memref<768x128xf32, #tpu.memory_space<vmem>> -> memref<32x128xf32, #tpu.memory_space<vmem>>
      %dma_start3A_1523 = arith.constant 0 : i32
      %dma_start3A_1524 = tpu.memref_slice %arg5[%dma_start3A_1523, %multiple_of3A_1519] : memref<32x1000000xf32, #tpu.memory_space<hbm>> -> memref<32x128xf32, #tpu.memory_space<hbm>>
      %dma_start3A_1525 = arith.constant 416 : i32
      %dma_start3A_1526 = arith.constant 0 : i32
      %dma_start3A_1527 = tpu.memref_slice %arg9[%dma_start3A_1525, %dma_start3A_1526] : memref<768x128xf32, #tpu.memory_space<vmem>> -> memref<32x128xf32, #tpu.memory_space<vmem>>
      %dma_start3A_1528 = arith.constant 0 : i32
      %dma_start3A_1529 = tpu.memref_slice %arg5[%dma_start3A_1528, %multiple_of3A_1519] : memref<32x1000000xf32, #tpu.memory_space<hbm>> -> memref<32x128xf32, #tpu.memory_space<hbm>>
      tpu.enqueue_dma source(%dma_start3A_1529 : memref<32x128xf32, #tpu.memory_space<hbm>>) target(%dma_start3A_1527 : memref<32x128xf32, #tpu.memory_space<vmem>>) target_semaphore(%arg14 : memref<!tpu.dma_semaphore, #tpu.memory_space<semaphore_mem>>)
      %slice3A_1530 = vector.extract_strided_slice %get3A_983 {offsets = [14], sizes = [1], strides = [1]} : vector<16xi32> to vector<1xi32>
      %squeeze3A_1531 = vector.extract %slice3A_1530[0] : i32 from vector<1xi32>
      %jit3A_1532 = arith.constant 128 : i32
      %div3A_1533 = arith.divsi %squeeze3A_1531, %jit3A_1532 : i32
      %sign3A_1534 = arith.constant 0 : i32
      %sign3A_1535 = arith.cmpi sgt, %squeeze3A_1531, %sign3A_1534 : i32
      %sign3A_1536 = arith.extui %sign3A_1535 : i1 to i32
      %sign3A_1537 = arith.constant 0 : i32
      %sign3A_1538 = arith.cmpi slt, %squeeze3A_1531, %sign3A_1537 : i32
      %sign3A_1539 = arith.extui %sign3A_1538 : i1 to i32
      %sign3A_1540 = arith.subi %sign3A_1536, %sign3A_1539 : i32
      %sign3A_1541 = arith.constant 0 : i32
      %sign3A_1542 = arith.cmpi sgt, %jit3A_1532, %sign3A_1541 : i32
      %sign3A_1543 = arith.extui %sign3A_1542 : i1 to i32
      %sign3A_1544 = arith.constant 0 : i32
      %sign3A_1545 = arith.cmpi slt, %jit3A_1532, %sign3A_1544 : i32
      %sign3A_1546 = arith.extui %sign3A_1545 : i1 to i32
      %sign3A_1547 = arith.subi %sign3A_1543, %sign3A_1546 : i32
      %ne3A_1548 = arith.cmpi ne, %sign3A_1540, %sign3A_1547 : i32
      %rem3A_1549 = arith.remsi %squeeze3A_1531, %jit3A_1532 : i32
      %ne3A_1550 = arith.constant 0 : i32
      %ne3A_1551 = arith.cmpi ne, %rem3A_1549, %ne3A_1550 : i32
      %and3A_1552 = arith.andi %ne3A_1548, %ne3A_1551 : i1
      %sub3A_1553 = arith.constant 1 : i32
      %sub3A_1554 = arith.subi %div3A_1533, %sub3A_1553 : i32
      %select_n3A_1555 = arith.select %and3A_1552, %sub3A_1554, %div3A_1533 : i32
      %mul3A_1556 = arith.constant 128 : i32
      %mul3A_1557 = arith.muli %select_n3A_1555, %mul3A_1556 : i32
      %multiple_of3A_1558 = tpu.assume_multiple %mul3A_1557, 128 : i32
      %dma_start3A_1559 = arith.constant 448 : i32
      %dma_start3A_1560 = arith.constant 0 : i32
      %dma_start3A_1561 = tpu.memref_slice %arg9[%dma_start3A_1559, %dma_start3A_1560] : memref<768x128xf32, #tpu.memory_space<vmem>> -> memref<32x128xf32, #tpu.memory_space<vmem>>
      %dma_start3A_1562 = arith.constant 0 : i32
      %dma_start3A_1563 = tpu.memref_slice %arg5[%dma_start3A_1562, %multiple_of3A_1558] : memref<32x1000000xf32, #tpu.memory_space<hbm>> -> memref<32x128xf32, #tpu.memory_space<hbm>>
      %dma_start3A_1564 = arith.constant 448 : i32
      %dma_start3A_1565 = arith.constant 0 : i32
      %dma_start3A_1566 = tpu.memref_slice %arg9[%dma_start3A_1564, %dma_start3A_1565] : memref<768x128xf32, #tpu.memory_space<vmem>> -> memref<32x128xf32, #tpu.memory_space<vmem>>
      %dma_start3A_1567 = arith.constant 0 : i32
      %dma_start3A_1568 = tpu.memref_slice %arg5[%dma_start3A_1567, %multiple_of3A_1558] : memref<32x1000000xf32, #tpu.memory_space<hbm>> -> memref<32x128xf32, #tpu.memory_space<hbm>>
      tpu.enqueue_dma source(%dma_start3A_1568 : memref<32x128xf32, #tpu.memory_space<hbm>>) target(%dma_start3A_1566 : memref<32x128xf32, #tpu.memory_space<vmem>>) target_semaphore(%arg14 : memref<!tpu.dma_semaphore, #tpu.memory_space<semaphore_mem>>)
      %slice3A_1569 = vector.extract_strided_slice %get3A_983 {offsets = [15], sizes = [1], strides = [1]} : vector<16xi32> to vector<1xi32>
      %squeeze3A_1570 = vector.extract %slice3A_1569[0] : i32 from vector<1xi32>
      %jit3A_1571 = arith.constant 128 : i32
      %div3A_1572 = arith.divsi %squeeze3A_1570, %jit3A_1571 : i32
      %sign3A_1573 = arith.constant 0 : i32
      %sign3A_1574 = arith.cmpi sgt, %squeeze3A_1570, %sign3A_1573 : i32
      %sign3A_1575 = arith.extui %sign3A_1574 : i1 to i32
      %sign3A_1576 = arith.constant 0 : i32
      %sign3A_1577 = arith.cmpi slt, %squeeze3A_1570, %sign3A_1576 : i32
      %sign3A_1578 = arith.extui %sign3A_1577 : i1 to i32
      %sign3A_1579 = arith.subi %sign3A_1575, %sign3A_1578 : i32
      %sign3A_1580 = arith.constant 0 : i32
      %sign3A_1581 = arith.cmpi sgt, %jit3A_1571, %sign3A_1580 : i32
      %sign3A_1582 = arith.extui %sign3A_1581 : i1 to i32
      %sign3A_1583 = arith.constant 0 : i32
      %sign3A_1584 = arith.cmpi slt, %jit3A_1571, %sign3A_1583 : i32
      %sign3A_1585 = arith.extui %sign3A_1584 : i1 to i32
      %sign3A_1586 = arith.subi %sign3A_1582, %sign3A_1585 : i32
      %ne3A_1587 = arith.cmpi ne, %sign3A_1579, %sign3A_1586 : i32
      %rem3A_1588 = arith.remsi %squeeze3A_1570, %jit3A_1571 : i32
      %ne3A_1589 = arith.constant 0 : i32
      %ne3A_1590 = arith.cmpi ne, %rem3A_1588, %ne3A_1589 : i32
      %and3A_1591 = arith.andi %ne3A_1587, %ne3A_1590 : i1
      %sub3A_1592 = arith.constant 1 : i32
      %sub3A_1593 = arith.subi %div3A_1572, %sub3A_1592 : i32
      %select_n3A_1594 = arith.select %and3A_1591, %sub3A_1593, %div3A_1572 : i32
      %mul3A_1595 = arith.constant 128 : i32
      %mul3A_1596 = arith.muli %select_n3A_1594, %mul3A_1595 : i32
      %multiple_of3A_1597 = tpu.assume_multiple %mul3A_1596, 128 : i32
      %dma_start3A_1598 = arith.constant 480 : i32
      %dma_start3A_1599 = arith.constant 0 : i32
      %dma_start3A_1600 = tpu.memref_slice %arg9[%dma_start3A_1598, %dma_start3A_1599] : memref<768x128xf32, #tpu.memory_space<vmem>> -> memref<32x128xf32, #tpu.memory_space<vmem>>
      %dma_start3A_1601 = arith.constant 0 : i32
      %dma_start3A_1602 = tpu.memref_slice %arg5[%dma_start3A_1601, %multiple_of3A_1597] : memref<32x1000000xf32, #tpu.memory_space<hbm>> -> memref<32x128xf32, #tpu.memory_space<hbm>>
      %dma_start3A_1603 = arith.constant 480 : i32
      %dma_start3A_1604 = arith.constant 0 : i32
      %dma_start3A_1605 = tpu.memref_slice %arg9[%dma_start3A_1603, %dma_start3A_1604] : memref<768x128xf32, #tpu.memory_space<vmem>> -> memref<32x128xf32, #tpu.memory_space<vmem>>
      %dma_start3A_1606 = arith.constant 0 : i32
      %dma_start3A_1607 = tpu.memref_slice %arg5[%dma_start3A_1606, %multiple_of3A_1597] : memref<32x1000000xf32, #tpu.memory_space<hbm>> -> memref<32x128xf32, #tpu.memory_space<hbm>>
      tpu.enqueue_dma source(%dma_start3A_1607 : memref<32x128xf32, #tpu.memory_space<hbm>>) target(%dma_start3A_1605 : memref<32x128xf32, #tpu.memory_space<vmem>>) target_semaphore(%arg14 : memref<!tpu.dma_semaphore, #tpu.memory_space<semaphore_mem>>)
      %dma_wait3A_1608 = arith.constant 0 : i32
      %dma_wait3A_1609 = arith.constant 0 : i32
      %dma_wait3A_1610 = tpu.memref_slice %arg9[%dma_wait3A_1608, %dma_wait3A_1609] : memref<768x128xf32, #tpu.memory_space<vmem>> -> memref<32x128xf32, #tpu.memory_space<vmem>>
      %dma_wait3A_1611 = arith.constant 0 : i32
      %dma_wait3A_1612 = tpu.memref_slice %arg5[%dma_wait3A_1611, %multiple_of3A_1012] : memref<32x1000000xf32, #tpu.memory_space<hbm>> -> memref<32x128xf32, #tpu.memory_space<hbm>>
      %dma_wait3A_1613 = arith.constant 0 : i32
      %dma_wait3A_1614 = arith.constant 0 : i32
      %dma_wait3A_1615 = tpu.memref_slice %arg9[%dma_wait3A_1613, %dma_wait3A_1614] : memref<768x128xf32, #tpu.memory_space<vmem>> -> memref<32x128xf32, #tpu.memory_space<vmem>>
      %dma_wait3A_1616 = arith.constant 0 : i32
      %dma_wait3A_1617 = tpu.memref_slice %arg5[%dma_wait3A_1616, %multiple_of3A_1012] : memref<32x1000000xf32, #tpu.memory_space<hbm>> -> memref<32x128xf32, #tpu.memory_space<hbm>>
      tpu.wait_dma2 semaphore(%arg14 : memref<!tpu.dma_semaphore, #tpu.memory_space<semaphore_mem>>) src(%dma_wait3A_1617 : memref<32x128xf32, #tpu.memory_space<hbm>>) dst(%dma_wait3A_1615 : memref<32x128xf32, #tpu.memory_space<vmem>>)
      %dma_wait3A_1618 = arith.constant 32 : i32
      %dma_wait3A_1619 = arith.constant 0 : i32
      %dma_wait3A_1620 = tpu.memref_slice %arg9[%dma_wait3A_1618, %dma_wait3A_1619] : memref<768x128xf32, #tpu.memory_space<vmem>> -> memref<32x128xf32, #tpu.memory_space<vmem>>
      %dma_wait3A_1621 = arith.constant 0 : i32
      %dma_wait3A_1622 = tpu.memref_slice %arg5[%dma_wait3A_1621, %multiple_of3A_1051] : memref<32x1000000xf32, #tpu.memory_space<hbm>> -> memref<32x128xf32, #tpu.memory_space<hbm>>
      %dma_wait3A_1623 = arith.constant 32 : i32
      %dma_wait3A_1624 = arith.constant 0 : i32
      %dma_wait3A_1625 = tpu.memref_slice %arg9[%dma_wait3A_1623, %dma_wait3A_1624] : memref<768x128xf32, #tpu.memory_space<vmem>> -> memref<32x128xf32, #tpu.memory_space<vmem>>
      %dma_wait3A_1626 = arith.constant 0 : i32
      %dma_wait3A_1627 = tpu.memref_slice %arg5[%dma_wait3A_1626, %multiple_of3A_1051] : memref<32x1000000xf32, #tpu.memory_space<hbm>> -> memref<32x128xf32, #tpu.memory_space<hbm>>
      tpu.wait_dma2 semaphore(%arg14 : memref<!tpu.dma_semaphore, #tpu.memory_space<semaphore_mem>>) src(%dma_wait3A_1627 : memref<32x128xf32, #tpu.memory_space<hbm>>) dst(%dma_wait3A_1625 : memref<32x128xf32, #tpu.memory_space<vmem>>)
      %dma_wait3A_1628 = arith.constant 64 : i32
      %dma_wait3A_1629 = arith.constant 0 : i32
      %dma_wait3A_1630 = tpu.memref_slice %arg9[%dma_wait3A_1628, %dma_wait3A_1629] : memref<768x128xf32, #tpu.memory_space<vmem>> -> memref<32x128xf32, #tpu.memory_space<vmem>>
      %dma_wait3A_1631 = arith.constant 0 : i32
      %dma_wait3A_1632 = tpu.memref_slice %arg5[%dma_wait3A_1631, %multiple_of3A_1090] : memref<32x1000000xf32, #tpu.memory_space<hbm>> -> memref<32x128xf32, #tpu.memory_space<hbm>>
      %dma_wait3A_1633 = arith.constant 64 : i32
      %dma_wait3A_1634 = arith.constant 0 : i32
      %dma_wait3A_1635 = tpu.memref_slice %arg9[%dma_wait3A_1633, %dma_wait3A_1634] : memref<768x128xf32, #tpu.memory_space<vmem>> -> memref<32x128xf32, #tpu.memory_space<vmem>>
      %dma_wait3A_1636 = arith.constant 0 : i32
      %dma_wait3A_1637 = tpu.memref_slice %arg5[%dma_wait3A_1636, %multiple_of3A_1090] : memref<32x1000000xf32, #tpu.memory_space<hbm>> -> memref<32x128xf32, #tpu.memory_space<hbm>>
      tpu.wait_dma2 semaphore(%arg14 : memref<!tpu.dma_semaphore, #tpu.memory_space<semaphore_mem>>) src(%dma_wait3A_1637 : memref<32x128xf32, #tpu.memory_space<hbm>>) dst(%dma_wait3A_1635 : memref<32x128xf32, #tpu.memory_space<vmem>>)
      %dma_wait3A_1638 = arith.constant 96 : i32
      %dma_wait3A_1639 = arith.constant 0 : i32
      %dma_wait3A_1640 = tpu.memref_slice %arg9[%dma_wait3A_1638, %dma_wait3A_1639] : memref<768x128xf32, #tpu.memory_space<vmem>> -> memref<32x128xf32, #tpu.memory_space<vmem>>
      %dma_wait3A_1641 = arith.constant 0 : i32
      %dma_wait3A_1642 = tpu.memref_slice %arg5[%dma_wait3A_1641, %multiple_of3A_1129] : memref<32x1000000xf32, #tpu.memory_space<hbm>> -> memref<32x128xf32, #tpu.memory_space<hbm>>
      %dma_wait3A_1643 = arith.constant 96 : i32
      %dma_wait3A_1644 = arith.constant 0 : i32
      %dma_wait3A_1645 = tpu.memref_slice %arg9[%dma_wait3A_1643, %dma_wait3A_1644] : memref<768x128xf32, #tpu.memory_space<vmem>> -> memref<32x128xf32, #tpu.memory_space<vmem>>
      %dma_wait3A_1646 = arith.constant 0 : i32
      %dma_wait3A_1647 = tpu.memref_slice %arg5[%dma_wait3A_1646, %multiple_of3A_1129] : memref<32x1000000xf32, #tpu.memory_space<hbm>> -> memref<32x128xf32, #tpu.memory_space<hbm>>
      tpu.wait_dma2 semaphore(%arg14 : memref<!tpu.dma_semaphore, #tpu.memory_space<semaphore_mem>>) src(%dma_wait3A_1647 : memref<32x128xf32, #tpu.memory_space<hbm>>) dst(%dma_wait3A_1645 : memref<32x128xf32, #tpu.memory_space<vmem>>)
      %dma_wait3A_1648 = arith.constant 128 : i32
      %dma_wait3A_1649 = arith.constant 0 : i32
      %dma_wait3A_1650 = tpu.memref_slice %arg9[%dma_wait3A_1648, %dma_wait3A_1649] : memref<768x128xf32, #tpu.memory_space<vmem>> -> memref<32x128xf32, #tpu.memory_space<vmem>>
      %dma_wait3A_1651 = arith.constant 0 : i32
      %dma_wait3A_1652 = tpu.memref_slice %arg5[%dma_wait3A_1651, %multiple_of3A_1168] : memref<32x1000000xf32, #tpu.memory_space<hbm>> -> memref<32x128xf32, #tpu.memory_space<hbm>>
      %dma_wait3A_1653 = arith.constant 128 : i32
      %dma_wait3A_1654 = arith.constant 0 : i32
      %dma_wait3A_1655 = tpu.memref_slice %arg9[%dma_wait3A_1653, %dma_wait3A_1654] : memref<768x128xf32, #tpu.memory_space<vmem>> -> memref<32x128xf32, #tpu.memory_space<vmem>>
      %dma_wait3A_1656 = arith.constant 0 : i32
      %dma_wait3A_1657 = tpu.memref_slice %arg5[%dma_wait3A_1656, %multiple_of3A_1168] : memref<32x1000000xf32, #tpu.memory_space<hbm>> -> memref<32x128xf32, #tpu.memory_space<hbm>>
      tpu.wait_dma2 semaphore(%arg14 : memref<!tpu.dma_semaphore, #tpu.memory_space<semaphore_mem>>) src(%dma_wait3A_1657 : memref<32x128xf32, #tpu.memory_space<hbm>>) dst(%dma_wait3A_1655 : memref<32x128xf32, #tpu.memory_space<vmem>>)
      %dma_wait3A_1658 = arith.constant 160 : i32
      %dma_wait3A_1659 = arith.constant 0 : i32
      %dma_wait3A_1660 = tpu.memref_slice %arg9[%dma_wait3A_1658, %dma_wait3A_1659] : memref<768x128xf32, #tpu.memory_space<vmem>> -> memref<32x128xf32, #tpu.memory_space<vmem>>
      %dma_wait3A_1661 = arith.constant 0 : i32
      %dma_wait3A_1662 = tpu.memref_slice %arg5[%dma_wait3A_1661, %multiple_of3A_1207] : memref<32x1000000xf32, #tpu.memory_space<hbm>> -> memref<32x128xf32, #tpu.memory_space<hbm>>
      %dma_wait3A_1663 = arith.constant 160 : i32
      %dma_wait3A_1664 = arith.constant 0 : i32
      %dma_wait3A_1665 = tpu.memref_slice %arg9[%dma_wait3A_1663, %dma_wait3A_1664] : memref<768x128xf32, #tpu.memory_space<vmem>> -> memref<32x128xf32, #tpu.memory_space<vmem>>
      %dma_wait3A_1666 = arith.constant 0 : i32
      %dma_wait3A_1667 = tpu.memref_slice %arg5[%dma_wait3A_1666, %multiple_of3A_1207] : memref<32x1000000xf32, #tpu.memory_space<hbm>> -> memref<32x128xf32, #tpu.memory_space<hbm>>
      tpu.wait_dma2 semaphore(%arg14 : memref<!tpu.dma_semaphore, #tpu.memory_space<semaphore_mem>>) src(%dma_wait3A_1667 : memref<32x128xf32, #tpu.memory_space<hbm>>) dst(%dma_wait3A_1665 : memref<32x128xf32, #tpu.memory_space<vmem>>)
      %dma_wait3A_1668 = arith.constant 192 : i32
      %dma_wait3A_1669 = arith.constant 0 : i32
      %dma_wait3A_1670 = tpu.memref_slice %arg9[%dma_wait3A_1668, %dma_wait3A_1669] : memref<768x128xf32, #tpu.memory_space<vmem>> -> memref<32x128xf32, #tpu.memory_space<vmem>>
      %dma_wait3A_1671 = arith.constant 0 : i32
      %dma_wait3A_1672 = tpu.memref_slice %arg5[%dma_wait3A_1671, %multiple_of3A_1246] : memref<32x1000000xf32, #tpu.memory_space<hbm>> -> memref<32x128xf32, #tpu.memory_space<hbm>>
      %dma_wait3A_1673 = arith.constant 192 : i32
      %dma_wait3A_1674 = arith.constant 0 : i32
      %dma_wait3A_1675 = tpu.memref_slice %arg9[%dma_wait3A_1673, %dma_wait3A_1674] : memref<768x128xf32, #tpu.memory_space<vmem>> -> memref<32x128xf32, #tpu.memory_space<vmem>>
      %dma_wait3A_1676 = arith.constant 0 : i32
      %dma_wait3A_1677 = tpu.memref_slice %arg5[%dma_wait3A_1676, %multiple_of3A_1246] : memref<32x1000000xf32, #tpu.memory_space<hbm>> -> memref<32x128xf32, #tpu.memory_space<hbm>>
      tpu.wait_dma2 semaphore(%arg14 : memref<!tpu.dma_semaphore, #tpu.memory_space<semaphore_mem>>) src(%dma_wait3A_1677 : memref<32x128xf32, #tpu.memory_space<hbm>>) dst(%dma_wait3A_1675 : memref<32x128xf32, #tpu.memory_space<vmem>>)
      %dma_wait3A_1678 = arith.constant 224 : i32
      %dma_wait3A_1679 = arith.constant 0 : i32
      %dma_wait3A_1680 = tpu.memref_slice %arg9[%dma_wait3A_1678, %dma_wait3A_1679] : memref<768x128xf32, #tpu.memory_space<vmem>> -> memref<32x128xf32, #tpu.memory_space<vmem>>
      %dma_wait3A_1681 = arith.constant 0 : i32
      %dma_wait3A_1682 = tpu.memref_slice %arg5[%dma_wait3A_1681, %multiple_of3A_1285] : memref<32x1000000xf32, #tpu.memory_space<hbm>> -> memref<32x128xf32, #tpu.memory_space<hbm>>
      %dma_wait3A_1683 = arith.constant 224 : i32
      %dma_wait3A_1684 = arith.constant 0 : i32
      %dma_wait3A_1685 = tpu.memref_slice %arg9[%dma_wait3A_1683, %dma_wait3A_1684] : memref<768x128xf32, #tpu.memory_space<vmem>> -> memref<32x128xf32, #tpu.memory_space<vmem>>
      %dma_wait3A_1686 = arith.constant 0 : i32
      %dma_wait3A_1687 = tpu.memref_slice %arg5[%dma_wait3A_1686, %multiple_of3A_1285] : memref<32x1000000xf32, #tpu.memory_space<hbm>> -> memref<32x128xf32, #tpu.memory_space<hbm>>
      tpu.wait_dma2 semaphore(%arg14 : memref<!tpu.dma_semaphore, #tpu.memory_space<semaphore_mem>>) src(%dma_wait3A_1687 : memref<32x128xf32, #tpu.memory_space<hbm>>) dst(%dma_wait3A_1685 : memref<32x128xf32, #tpu.memory_space<vmem>>)
      %dma_wait3A_1688 = arith.constant 256 : i32
      %dma_wait3A_1689 = arith.constant 0 : i32
      %dma_wait3A_1690 = tpu.memref_slice %arg9[%dma_wait3A_1688, %dma_wait3A_1689] : memref<768x128xf32, #tpu.memory_space<vmem>> -> memref<32x128xf32, #tpu.memory_space<vmem>>
      %dma_wait3A_1691 = arith.constant 0 : i32
      %dma_wait3A_1692 = tpu.memref_slice %arg5[%dma_wait3A_1691, %multiple_of3A_1324] : memref<32x1000000xf32, #tpu.memory_space<hbm>> -> memref<32x128xf32, #tpu.memory_space<hbm>>
      %dma_wait3A_1693 = arith.constant 256 : i32
      %dma_wait3A_1694 = arith.constant 0 : i32
      %dma_wait3A_1695 = tpu.memref_slice %arg9[%dma_wait3A_1693, %dma_wait3A_1694] : memref<768x128xf32, #tpu.memory_space<vmem>> -> memref<32x128xf32, #tpu.memory_space<vmem>>
      %dma_wait3A_1696 = arith.constant 0 : i32
      %dma_wait3A_1697 = tpu.memref_slice %arg5[%dma_wait3A_1696, %multiple_of3A_1324] : memref<32x1000000xf32, #tpu.memory_space<hbm>> -> memref<32x128xf32, #tpu.memory_space<hbm>>
      tpu.wait_dma2 semaphore(%arg14 : memref<!tpu.dma_semaphore, #tpu.memory_space<semaphore_mem>>) src(%dma_wait3A_1697 : memref<32x128xf32, #tpu.memory_space<hbm>>) dst(%dma_wait3A_1695 : memref<32x128xf32, #tpu.memory_space<vmem>>)
      %dma_wait3A_1698 = arith.constant 288 : i32
      %dma_wait3A_1699 = arith.constant 0 : i32
      %dma_wait3A_1700 = tpu.memref_slice %arg9[%dma_wait3A_1698, %dma_wait3A_1699] : memref<768x128xf32, #tpu.memory_space<vmem>> -> memref<32x128xf32, #tpu.memory_space<vmem>>
      %dma_wait3A_1701 = arith.constant 0 : i32
      %dma_wait3A_1702 = tpu.memref_slice %arg5[%dma_wait3A_1701, %multiple_of3A_1363] : memref<32x1000000xf32, #tpu.memory_space<hbm>> -> memref<32x128xf32, #tpu.memory_space<hbm>>
      %dma_wait3A_1703 = arith.constant 288 : i32
      %dma_wait3A_1704 = arith.constant 0 : i32
      %dma_wait3A_1705 = tpu.memref_slice %arg9[%dma_wait3A_1703, %dma_wait3A_1704] : memref<768x128xf32, #tpu.memory_space<vmem>> -> memref<32x128xf32, #tpu.memory_space<vmem>>
      %dma_wait3A_1706 = arith.constant 0 : i32
      %dma_wait3A_1707 = tpu.memref_slice %arg5[%dma_wait3A_1706, %multiple_of3A_1363] : memref<32x1000000xf32, #tpu.memory_space<hbm>> -> memref<32x128xf32, #tpu.memory_space<hbm>>
      tpu.wait_dma2 semaphore(%arg14 : memref<!tpu.dma_semaphore, #tpu.memory_space<semaphore_mem>>) src(%dma_wait3A_1707 : memref<32x128xf32, #tpu.memory_space<hbm>>) dst(%dma_wait3A_1705 : memref<32x128xf32, #tpu.memory_space<vmem>>)
      %dma_wait3A_1708 = arith.constant 320 : i32
      %dma_wait3A_1709 = arith.constant 0 : i32
      %dma_wait3A_1710 = tpu.memref_slice %arg9[%dma_wait3A_1708, %dma_wait3A_1709] : memref<768x128xf32, #tpu.memory_space<vmem>> -> memref<32x128xf32, #tpu.memory_space<vmem>>
      %dma_wait3A_1711 = arith.constant 0 : i32
      %dma_wait3A_1712 = tpu.memref_slice %arg5[%dma_wait3A_1711, %multiple_of3A_1402] : memref<32x1000000xf32, #tpu.memory_space<hbm>> -> memref<32x128xf32, #tpu.memory_space<hbm>>
      %dma_wait3A_1713 = arith.constant 320 : i32
      %dma_wait3A_1714 = arith.constant 0 : i32
      %dma_wait3A_1715 = tpu.memref_slice %arg9[%dma_wait3A_1713, %dma_wait3A_1714] : memref<768x128xf32, #tpu.memory_space<vmem>> -> memref<32x128xf32, #tpu.memory_space<vmem>>
      %dma_wait3A_1716 = arith.constant 0 : i32
      %dma_wait3A_1717 = tpu.memref_slice %arg5[%dma_wait3A_1716, %multiple_of3A_1402] : memref<32x1000000xf32, #tpu.memory_space<hbm>> -> memref<32x128xf32, #tpu.memory_space<hbm>>
      tpu.wait_dma2 semaphore(%arg14 : memref<!tpu.dma_semaphore, #tpu.memory_space<semaphore_mem>>) src(%dma_wait3A_1717 : memref<32x128xf32, #tpu.memory_space<hbm>>) dst(%dma_wait3A_1715 : memref<32x128xf32, #tpu.memory_space<vmem>>)
      %dma_wait3A_1718 = arith.constant 352 : i32
      %dma_wait3A_1719 = arith.constant 0 : i32
      %dma_wait3A_1720 = tpu.memref_slice %arg9[%dma_wait3A_1718, %dma_wait3A_1719] : memref<768x128xf32, #tpu.memory_space<vmem>> -> memref<32x128xf32, #tpu.memory_space<vmem>>
      %dma_wait3A_1721 = arith.constant 0 : i32
      %dma_wait3A_1722 = tpu.memref_slice %arg5[%dma_wait3A_1721, %multiple_of3A_1441] : memref<32x1000000xf32, #tpu.memory_space<hbm>> -> memref<32x128xf32, #tpu.memory_space<hbm>>
      %dma_wait3A_1723 = arith.constant 352 : i32
      %dma_wait3A_1724 = arith.constant 0 : i32
      %dma_wait3A_1725 = tpu.memref_slice %arg9[%dma_wait3A_1723, %dma_wait3A_1724] : memref<768x128xf32, #tpu.memory_space<vmem>> -> memref<32x128xf32, #tpu.memory_space<vmem>>
      %dma_wait3A_1726 = arith.constant 0 : i32
      %dma_wait3A_1727 = tpu.memref_slice %arg5[%dma_wait3A_1726, %multiple_of3A_1441] : memref<32x1000000xf32, #tpu.memory_space<hbm>> -> memref<32x128xf32, #tpu.memory_space<hbm>>
      tpu.wait_dma2 semaphore(%arg14 : memref<!tpu.dma_semaphore, #tpu.memory_space<semaphore_mem>>) src(%dma_wait3A_1727 : memref<32x128xf32, #tpu.memory_space<hbm>>) dst(%dma_wait3A_1725 : memref<32x128xf32, #tpu.memory_space<vmem>>)
      %dma_wait3A_1728 = arith.constant 384 : i32
      %dma_wait3A_1729 = arith.constant 0 : i32
      %dma_wait3A_1730 = tpu.memref_slice %arg9[%dma_wait3A_1728, %dma_wait3A_1729] : memref<768x128xf32, #tpu.memory_space<vmem>> -> memref<32x128xf32, #tpu.memory_space<vmem>>
      %dma_wait3A_1731 = arith.constant 0 : i32
      %dma_wait3A_1732 = tpu.memref_slice %arg5[%dma_wait3A_1731, %multiple_of3A_1480] : memref<32x1000000xf32, #tpu.memory_space<hbm>> -> memref<32x128xf32, #tpu.memory_space<hbm>>
      %dma_wait3A_1733 = arith.constant 384 : i32
      %dma_wait3A_1734 = arith.constant 0 : i32
      %dma_wait3A_1735 = tpu.memref_slice %arg9[%dma_wait3A_1733, %dma_wait3A_1734] : memref<768x128xf32, #tpu.memory_space<vmem>> -> memref<32x128xf32, #tpu.memory_space<vmem>>
      %dma_wait3A_1736 = arith.constant 0 : i32
      %dma_wait3A_1737 = tpu.memref_slice %arg5[%dma_wait3A_1736, %multiple_of3A_1480] : memref<32x1000000xf32, #tpu.memory_space<hbm>> -> memref<32x128xf32, #tpu.memory_space<hbm>>
      tpu.wait_dma2 semaphore(%arg14 : memref<!tpu.dma_semaphore, #tpu.memory_space<semaphore_mem>>) src(%dma_wait3A_1737 : memref<32x128xf32, #tpu.memory_space<hbm>>) dst(%dma_wait3A_1735 : memref<32x128xf32, #tpu.memory_space<vmem>>)
      %dma_wait3A_1738 = arith.constant 416 : i32
      %dma_wait3A_1739 = arith.constant 0 : i32
      %dma_wait3A_1740 = tpu.memref_slice %arg9[%dma_wait3A_1738, %dma_wait3A_1739] : memref<768x128xf32, #tpu.memory_space<vmem>> -> memref<32x128xf32, #tpu.memory_space<vmem>>
      %dma_wait3A_1741 = arith.constant 0 : i32
      %dma_wait3A_1742 = tpu.memref_slice %arg5[%dma_wait3A_1741, %multiple_of3A_1519] : memref<32x1000000xf32, #tpu.memory_space<hbm>> -> memref<32x128xf32, #tpu.memory_space<hbm>>
      %dma_wait3A_1743 = arith.constant 416 : i32
      %dma_wait3A_1744 = arith.constant 0 : i32
      %dma_wait3A_1745 = tpu.memref_slice %arg9[%dma_wait3A_1743, %dma_wait3A_1744] : memref<768x128xf32, #tpu.memory_space<vmem>> -> memref<32x128xf32, #tpu.memory_space<vmem>>
      %dma_wait3A_1746 = arith.constant 0 : i32
      %dma_wait3A_1747 = tpu.memref_slice %arg5[%dma_wait3A_1746, %multiple_of3A_1519] : memref<32x1000000xf32, #tpu.memory_space<hbm>> -> memref<32x128xf32, #tpu.memory_space<hbm>>
      tpu.wait_dma2 semaphore(%arg14 : memref<!tpu.dma_semaphore, #tpu.memory_space<semaphore_mem>>) src(%dma_wait3A_1747 : memref<32x128xf32, #tpu.memory_space<hbm>>) dst(%dma_wait3A_1745 : memref<32x128xf32, #tpu.memory_space<vmem>>)
      %dma_wait3A_1748 = arith.constant 448 : i32
      %dma_wait3A_1749 = arith.constant 0 : i32
      %dma_wait3A_1750 = tpu.memref_slice %arg9[%dma_wait3A_1748, %dma_wait3A_1749] : memref<768x128xf32, #tpu.memory_space<vmem>> -> memref<32x128xf32, #tpu.memory_space<vmem>>
      %dma_wait3A_1751 = arith.constant 0 : i32
      %dma_wait3A_1752 = tpu.memref_slice %arg5[%dma_wait3A_1751, %multiple_of3A_1558] : memref<32x1000000xf32, #tpu.memory_space<hbm>> -> memref<32x128xf32, #tpu.memory_space<hbm>>
      %dma_wait3A_1753 = arith.constant 448 : i32
      %dma_wait3A_1754 = arith.constant 0 : i32
      %dma_wait3A_1755 = tpu.memref_slice %arg9[%dma_wait3A_1753, %dma_wait3A_1754] : memref<768x128xf32, #tpu.memory_space<vmem>> -> memref<32x128xf32, #tpu.memory_space<vmem>>
      %dma_wait3A_1756 = arith.constant 0 : i32
      %dma_wait3A_1757 = tpu.memref_slice %arg5[%dma_wait3A_1756, %multiple_of3A_1558] : memref<32x1000000xf32, #tpu.memory_space<hbm>> -> memref<32x128xf32, #tpu.memory_space<hbm>>
      tpu.wait_dma2 semaphore(%arg14 : memref<!tpu.dma_semaphore, #tpu.memory_space<semaphore_mem>>) src(%dma_wait3A_1757 : memref<32x128xf32, #tpu.memory_space<hbm>>) dst(%dma_wait3A_1755 : memref<32x128xf32, #tpu.memory_space<vmem>>)
      %dma_wait3A_1758 = arith.constant 480 : i32
      %dma_wait3A_1759 = arith.constant 0 : i32
      %dma_wait3A_1760 = tpu.memref_slice %arg9[%dma_wait3A_1758, %dma_wait3A_1759] : memref<768x128xf32, #tpu.memory_space<vmem>> -> memref<32x128xf32, #tpu.memory_space<vmem>>
      %dma_wait3A_1761 = arith.constant 0 : i32
      %dma_wait3A_1762 = tpu.memref_slice %arg5[%dma_wait3A_1761, %multiple_of3A_1597] : memref<32x1000000xf32, #tpu.memory_space<hbm>> -> memref<32x128xf32, #tpu.memory_space<hbm>>
      %dma_wait3A_1763 = arith.constant 480 : i32
      %dma_wait3A_1764 = arith.constant 0 : i32
      %dma_wait3A_1765 = tpu.memref_slice %arg9[%dma_wait3A_1763, %dma_wait3A_1764] : memref<768x128xf32, #tpu.memory_space<vmem>> -> memref<32x128xf32, #tpu.memory_space<vmem>>
      %dma_wait3A_1766 = arith.constant 0 : i32
      %dma_wait3A_1767 = tpu.memref_slice %arg5[%dma_wait3A_1766, %multiple_of3A_1597] : memref<32x1000000xf32, #tpu.memory_space<hbm>> -> memref<32x128xf32, #tpu.memory_space<hbm>>
      tpu.wait_dma2 semaphore(%arg14 : memref<!tpu.dma_semaphore, #tpu.memory_space<semaphore_mem>>) src(%dma_wait3A_1767 : memref<32x128xf32, #tpu.memory_space<hbm>>) dst(%dma_wait3A_1765 : memref<32x128xf32, #tpu.memory_space<vmem>>)
      %rem3A_1768 = arith.remsi %get3A_983, %broadcast_in_dim3A_6 : vector<16xi32>
      %add3A_1769 = arith.constant 0 : i32
      %add3A_1770 = vector.broadcast %add3A_1769 : i32 to vector<16xi32>
      %add3A_1771 = arith.addi %mul3A_5, %add3A_1770 : vector<16xi32>
      %gather3A_1772 = tpu.vector_load_idx %arg9[%add3A_1771, %rem3A_1768] : memref<768x128xf32, #tpu.memory_space<vmem>>[vector<16xi32>, vector<16xi32>], vector<16xf32>,
      %swap3A_1773 = arith.constant 0 : index
      %swap3A_1774 = tpu.vector_load %arg11[%swap3A_1773] {strides = array<i32>} : memref<512xf32, #tpu.memory_space<vmem>>, vector<16xf32>,
      tpu.vector_store %arg11[%swap3A_1773], %gather3A_1772 {strides = array<i32>} : memref<512xf32, #tpu.memory_space<vmem>>, vector<16xf32>,
      %add3A_1775 = arith.constant 1 : i32
      %add3A_1776 = vector.broadcast %add3A_1775 : i32 to vector<16xi32>
      %add3A_1777 = arith.addi %mul3A_5, %add3A_1776 : vector<16xi32>
      %gather3A_1778 = tpu.vector_load_idx %arg9[%add3A_1777, %rem3A_1768] : memref<768x128xf32, #tpu.memory_space<vmem>>[vector<16xi32>, vector<16xi32>], vector<16xf32>,
      %swap3A_1779 = arith.constant 16 : index
      %swap3A_1780 = tpu.vector_load %arg11[%swap3A_1779] {strides = array<i32>} : memref<512xf32, #tpu.memory_space<vmem>>, vector<16xf32>,
      tpu.vector_store %arg11[%swap3A_1779], %gather3A_1778 {strides = array<i32>} : memref<512xf32, #tpu.memory_space<vmem>>, vector<16xf32>,
      %add3A_1781 = arith.constant 2 : i32
      %add3A_1782 = vector.broadcast %add3A_1781 : i32 to vector<16xi32>
      %add3A_1783 = arith.addi %mul3A_5, %add3A_1782 : vector<16xi32>
      %gather3A_1784 = tpu.vector_load_idx %arg9[%add3A_1783, %rem3A_1768] : memref<768x128xf32, #tpu.memory_space<vmem>>[vector<16xi32>, vector<16xi32>], vector<16xf32>,
      %swap3A_1785 = arith.constant 32 : index
      %swap3A_1786 = tpu.vector_load %arg11[%swap3A_1785] {strides = array<i32>} : memref<512xf32, #tpu.memory_space<vmem>>, vector<16xf32>,
      tpu.vector_store %arg11[%swap3A_1785], %gather3A_1784 {strides = array<i32>} : memref<512xf32, #tpu.memory_space<vmem>>, vector<16xf32>,
      %add3A_1787 = arith.constant 3 : i32
      %add3A_1788 = vector.broadcast %add3A_1787 : i32 to vector<16xi32>
      %add3A_1789 = arith.addi %mul3A_5, %add3A_1788 : vector<16xi32>
      %gather3A_1790 = tpu.vector_load_idx %arg9[%add3A_1789, %rem3A_1768] : memref<768x128xf32, #tpu.memory_space<vmem>>[vector<16xi32>, vector<16xi32>], vector<16xf32>,
      %swap3A_1791 = arith.constant 48 : index
      %swap3A_1792 = tpu.vector_load %arg11[%swap3A_1791] {strides = array<i32>} : memref<512xf32, #tpu.memory_space<vmem>>, vector<16xf32>,
      tpu.vector_store %arg11[%swap3A_1791], %gather3A_1790 {strides = array<i32>} : memref<512xf32, #tpu.memory_space<vmem>>, vector<16xf32>,
      %add3A_1793 = arith.constant 4 : i32
      %add3A_1794 = vector.broadcast %add3A_1793 : i32 to vector<16xi32>
      %add3A_1795 = arith.addi %mul3A_5, %add3A_1794 : vector<16xi32>
      %gather3A_1796 = tpu.vector_load_idx %arg9[%add3A_1795, %rem3A_1768] : memref<768x128xf32, #tpu.memory_space<vmem>>[vector<16xi32>, vector<16xi32>], vector<16xf32>,
      %swap3A_1797 = arith.constant 64 : index
      %swap3A_1798 = tpu.vector_load %arg11[%swap3A_1797] {strides = array<i32>} : memref<512xf32, #tpu.memory_space<vmem>>, vector<16xf32>,
      tpu.vector_store %arg11[%swap3A_1797], %gather3A_1796 {strides = array<i32>} : memref<512xf32, #tpu.memory_space<vmem>>, vector<16xf32>,
      %add3A_1799 = arith.constant 5 : i32
      %add3A_1800 = vector.broadcast %add3A_1799 : i32 to vector<16xi32>
      %add3A_1801 = arith.addi %mul3A_5, %add3A_1800 : vector<16xi32>
      %gather3A_1802 = tpu.vector_load_idx %arg9[%add3A_1801, %rem3A_1768] : memref<768x128xf32, #tpu.memory_space<vmem>>[vector<16xi32>, vector<16xi32>], vector<16xf32>,
      %swap3A_1803 = arith.constant 80 : index
      %swap3A_1804 = tpu.vector_load %arg11[%swap3A_1803] {strides = array<i32>} : memref<512xf32, #tpu.memory_space<vmem>>, vector<16xf32>,
      tpu.vector_store %arg11[%swap3A_1803], %gather3A_1802 {strides = array<i32>} : memref<512xf32, #tpu.memory_space<vmem>>, vector<16xf32>,
      %add3A_1805 = arith.constant 6 : i32
      %add3A_1806 = vector.broadcast %add3A_1805 : i32 to vector<16xi32>
      %add3A_1807 = arith.addi %mul3A_5, %add3A_1806 : vector<16xi32>
      %gather3A_1808 = tpu.vector_load_idx %arg9[%add3A_1807, %rem3A_1768] : memref<768x128xf32, #tpu.memory_space<vmem>>[vector<16xi32>, vector<16xi32>], vector<16xf32>,
      %swap3A_1809 = arith.constant 96 : index
      %swap3A_1810 = tpu.vector_load %arg11[%swap3A_1809] {strides = array<i32>} : memref<512xf32, #tpu.memory_space<vmem>>, vector<16xf32>,
      tpu.vector_store %arg11[%swap3A_1809], %gather3A_1808 {strides = array<i32>} : memref<512xf32, #tpu.memory_space<vmem>>, vector<16xf32>,
      %add3A_1811 = arith.constant 7 : i32
      %add3A_1812 = vector.broadcast %add3A_1811 : i32 to vector<16xi32>
      %add3A_1813 = arith.addi %mul3A_5, %add3A_1812 : vector<16xi32>
      %gather3A_1814 = tpu.vector_load_idx %arg9[%add3A_1813, %rem3A_1768] : memref<768x128xf32, #tpu.memory_space<vmem>>[vector<16xi32>, vector<16xi32>], vector<16xf32>,
      %swap3A_1815 = arith.constant 112 : index
      %swap3A_1816 = tpu.vector_load %arg11[%swap3A_1815] {strides = array<i32>} : memref<512xf32, #tpu.memory_space<vmem>>, vector<16xf32>,
      tpu.vector_store %arg11[%swap3A_1815], %gather3A_1814 {strides = array<i32>} : memref<512xf32, #tpu.memory_space<vmem>>, vector<16xf32>,
      %add3A_1817 = arith.constant 8 : i32
      %add3A_1818 = vector.broadcast %add3A_1817 : i32 to vector<16xi32>
      %add3A_1819 = arith.addi %mul3A_5, %add3A_1818 : vector<16xi32>
      %gather3A_1820 = tpu.vector_load_idx %arg9[%add3A_1819, %rem3A_1768] : memref<768x128xf32, #tpu.memory_space<vmem>>[vector<16xi32>, vector<16xi32>], vector<16xf32>,
      %swap3A_1821 = arith.constant 128 : index
      %swap3A_1822 = tpu.vector_load %arg11[%swap3A_1821] {strides = array<i32>} : memref<512xf32, #tpu.memory_space<vmem>>, vector<16xf32>,
      tpu.vector_store %arg11[%swap3A_1821], %gather3A_1820 {strides = array<i32>} : memref<512xf32, #tpu.memory_space<vmem>>, vector<16xf32>,
      %add3A_1823 = arith.constant 9 : i32
      %add3A_1824 = vector.broadcast %add3A_1823 : i32 to vector<16xi32>
      %add3A_1825 = arith.addi %mul3A_5, %add3A_1824 : vector<16xi32>
      %gather3A_1826 = tpu.vector_load_idx %arg9[%add3A_1825, %rem3A_1768] : memref<768x128xf32, #tpu.memory_space<vmem>>[vector<16xi32>, vector<16xi32>], vector<16xf32>,
      %swap3A_1827 = arith.constant 144 : index
      %swap3A_1828 = tpu.vector_load %arg11[%swap3A_1827] {strides = array<i32>} : memref<512xf32, #tpu.memory_space<vmem>>, vector<16xf32>,
      tpu.vector_store %arg11[%swap3A_1827], %gather3A_1826 {strides = array<i32>} : memref<512xf32, #tpu.memory_space<vmem>>, vector<16xf32>,
      %add3A_1829 = arith.constant 10 : i32
      %add3A_1830 = vector.broadcast %add3A_1829 : i32 to vector<16xi32>
      %add3A_1831 = arith.addi %mul3A_5, %add3A_1830 : vector<16xi32>
      %gather3A_1832 = tpu.vector_load_idx %arg9[%add3A_1831, %rem3A_1768] : memref<768x128xf32, #tpu.memory_space<vmem>>[vector<16xi32>, vector<16xi32>], vector<16xf32>,
      %swap3A_1833 = arith.constant 160 : index
      %swap3A_1834 = tpu.vector_load %arg11[%swap3A_1833] {strides = array<i32>} : memref<512xf32, #tpu.memory_space<vmem>>, vector<16xf32>,
      tpu.vector_store %arg11[%swap3A_1833], %gather3A_1832 {strides = array<i32>} : memref<512xf32, #tpu.memory_space<vmem>>, vector<16xf32>,
      %add3A_1835 = arith.constant 11 : i32
      %add3A_1836 = vector.broadcast %add3A_1835 : i32 to vector<16xi32>
      %add3A_1837 = arith.addi %mul3A_5, %add3A_1836 : vector<16xi32>
      %gather3A_1838 = tpu.vector_load_idx %arg9[%add3A_1837, %rem3A_1768] : memref<768x128xf32, #tpu.memory_space<vmem>>[vector<16xi32>, vector<16xi32>], vector<16xf32>,
      %swap3A_1839 = arith.constant 176 : index
      %swap3A_1840 = tpu.vector_load %arg11[%swap3A_1839] {strides = array<i32>} : memref<512xf32, #tpu.memory_space<vmem>>, vector<16xf32>,
      tpu.vector_store %arg11[%swap3A_1839], %gather3A_1838 {strides = array<i32>} : memref<512xf32, #tpu.memory_space<vmem>>, vector<16xf32>,
      %add3A_1841 = arith.constant 12 : i32
      %add3A_1842 = vector.broadcast %add3A_1841 : i32 to vector<16xi32>
      %add3A_1843 = arith.addi %mul3A_5, %add3A_1842 : vector<16xi32>
      %gather3A_1844 = tpu.vector_load_idx %arg9[%add3A_1843, %rem3A_1768] : memref<768x128xf32, #tpu.memory_space<vmem>>[vector<16xi32>, vector<16xi32>], vector<16xf32>,
      %swap3A_1845 = arith.constant 192 : index
      %swap3A_1846 = tpu.vector_load %arg11[%swap3A_1845] {strides = array<i32>} : memref<512xf32, #tpu.memory_space<vmem>>, vector<16xf32>,
      tpu.vector_store %arg11[%swap3A_1845], %gather3A_1844 {strides = array<i32>} : memref<512xf32, #tpu.memory_space<vmem>>, vector<16xf32>,
      %add3A_1847 = arith.constant 13 : i32
      %add3A_1848 = vector.broadcast %add3A_1847 : i32 to vector<16xi32>
      %add3A_1849 = arith.addi %mul3A_5, %add3A_1848 : vector<16xi32>
      %gather3A_1850 = tpu.vector_load_idx %arg9[%add3A_1849, %rem3A_1768] : memref<768x128xf32, #tpu.memory_space<vmem>>[vector<16xi32>, vector<16xi32>], vector<16xf32>,
      %swap3A_1851 = arith.constant 208 : index
      %swap3A_1852 = tpu.vector_load %arg11[%swap3A_1851] {strides = array<i32>} : memref<512xf32, #tpu.memory_space<vmem>>, vector<16xf32>,
      tpu.vector_store %arg11[%swap3A_1851], %gather3A_1850 {strides = array<i32>} : memref<512xf32, #tpu.memory_space<vmem>>, vector<16xf32>,
      %add3A_1853 = arith.constant 14 : i32
      %add3A_1854 = vector.broadcast %add3A_1853 : i32 to vector<16xi32>
      %add3A_1855 = arith.addi %mul3A_5, %add3A_1854 : vector<16xi32>
      %gather3A_1856 = tpu.vector_load_idx %arg9[%add3A_1855, %rem3A_1768] : memref<768x128xf32, #tpu.memory_space<vmem>>[vector<16xi32>, vector<16xi32>], vector<16xf32>,
      %swap3A_1857 = arith.constant 224 : index
      %swap3A_1858 = tpu.vector_load %arg11[%swap3A_1857] {strides = array<i32>} : memref<512xf32, #tpu.memory_space<vmem>>, vector<16xf32>,
      tpu.vector_store %arg11[%swap3A_1857], %gather3A_1856 {strides = array<i32>} : memref<512xf32, #tpu.memory_space<vmem>>, vector<16xf32>,
      %add3A_1859 = arith.constant 15 : i32
      %add3A_1860 = vector.broadcast %add3A_1859 : i32 to vector<16xi32>
      %add3A_1861 = arith.addi %mul3A_5, %add3A_1860 : vector<16xi32>
      %gather3A_1862 = tpu.vector_load_idx %arg9[%add3A_1861, %rem3A_1768] : memref<768x128xf32, #tpu.memory_space<vmem>>[vector<16xi32>, vector<16xi32>], vector<16xf32>,
      %swap3A_1863 = arith.constant 240 : index
      %swap3A_1864 = tpu.vector_load %arg11[%swap3A_1863] {strides = array<i32>} : memref<512xf32, #tpu.memory_space<vmem>>, vector<16xf32>,
      tpu.vector_store %arg11[%swap3A_1863], %gather3A_1862 {strides = array<i32>} : memref<512xf32, #tpu.memory_space<vmem>>, vector<16xf32>,
      %add3A_1865 = arith.constant 16 : i32
      %add3A_1866 = vector.broadcast %add3A_1865 : i32 to vector<16xi32>
      %add3A_1867 = arith.addi %mul3A_5, %add3A_1866 : vector<16xi32>
      %gather3A_1868 = tpu.vector_load_idx %arg9[%add3A_1867, %rem3A_1768] : memref<768x128xf32, #tpu.memory_space<vmem>>[vector<16xi32>, vector<16xi32>], vector<16xf32>,
      %swap3A_1869 = arith.constant 256 : index
      %swap3A_1870 = tpu.vector_load %arg11[%swap3A_1869] {strides = array<i32>} : memref<512xf32, #tpu.memory_space<vmem>>, vector<16xf32>,
      tpu.vector_store %arg11[%swap3A_1869], %gather3A_1868 {strides = array<i32>} : memref<512xf32, #tpu.memory_space<vmem>>, vector<16xf32>,
      %add3A_1871 = arith.constant 17 : i32
      %add3A_1872 = vector.broadcast %add3A_1871 : i32 to vector<16xi32>
      %add3A_1873 = arith.addi %mul3A_5, %add3A_1872 : vector<16xi32>
      %gather3A_1874 = tpu.vector_load_idx %arg9[%add3A_1873, %rem3A_1768] : memref<768x128xf32, #tpu.memory_space<vmem>>[vector<16xi32>, vector<16xi32>], vector<16xf32>,
      %swap3A_1875 = arith.constant 272 : index
      %swap3A_1876 = tpu.vector_load %arg11[%swap3A_1875] {strides = array<i32>} : memref<512xf32, #tpu.memory_space<vmem>>, vector<16xf32>,
      tpu.vector_store %arg11[%swap3A_1875], %gather3A_1874 {strides = array<i32>} : memref<512xf32, #tpu.memory_space<vmem>>, vector<16xf32>,
      %add3A_1877 = arith.constant 18 : i32
      %add3A_1878 = vector.broadcast %add3A_1877 : i32 to vector<16xi32>
      %add3A_1879 = arith.addi %mul3A_5, %add3A_1878 : vector<16xi32>
      %gather3A_1880 = tpu.vector_load_idx %arg9[%add3A_1879, %rem3A_1768] : memref<768x128xf32, #tpu.memory_space<vmem>>[vector<16xi32>, vector<16xi32>], vector<16xf32>,
      %swap3A_1881 = arith.constant 288 : index
      %swap3A_1882 = tpu.vector_load %arg11[%swap3A_1881] {strides = array<i32>} : memref<512xf32, #tpu.memory_space<vmem>>, vector<16xf32>,
      tpu.vector_store %arg11[%swap3A_1881], %gather3A_1880 {strides = array<i32>} : memref<512xf32, #tpu.memory_space<vmem>>, vector<16xf32>,
      %add3A_1883 = arith.constant 19 : i32
      %add3A_1884 = vector.broadcast %add3A_1883 : i32 to vector<16xi32>
      %add3A_1885 = arith.addi %mul3A_5, %add3A_1884 : vector<16xi32>
      %gather3A_1886 = tpu.vector_load_idx %arg9[%add3A_1885, %rem3A_1768] : memref<768x128xf32, #tpu.memory_space<vmem>>[vector<16xi32>, vector<16xi32>], vector<16xf32>,
      %swap3A_1887 = arith.constant 304 : index
      %swap3A_1888 = tpu.vector_load %arg11[%swap3A_1887] {strides = array<i32>} : memref<512xf32, #tpu.memory_space<vmem>>, vector<16xf32>,
      tpu.vector_store %arg11[%swap3A_1887], %gather3A_1886 {strides = array<i32>} : memref<512xf32, #tpu.memory_space<vmem>>, vector<16xf32>,
      %add3A_1889 = arith.constant 20 : i32
      %add3A_1890 = vector.broadcast %add3A_1889 : i32 to vector<16xi32>
      %add3A_1891 = arith.addi %mul3A_5, %add3A_1890 : vector<16xi32>
      %gather3A_1892 = tpu.vector_load_idx %arg9[%add3A_1891, %rem3A_1768] : memref<768x128xf32, #tpu.memory_space<vmem>>[vector<16xi32>, vector<16xi32>], vector<16xf32>,
      %swap3A_1893 = arith.constant 320 : index
      %swap3A_1894 = tpu.vector_load %arg11[%swap3A_1893] {strides = array<i32>} : memref<512xf32, #tpu.memory_space<vmem>>, vector<16xf32>,
      tpu.vector_store %arg11[%swap3A_1893], %gather3A_1892 {strides = array<i32>} : memref<512xf32, #tpu.memory_space<vmem>>, vector<16xf32>,
      %add3A_1895 = arith.constant 21 : i32
      %add3A_1896 = vector.broadcast %add3A_1895 : i32 to vector<16xi32>
      %add3A_1897 = arith.addi %mul3A_5, %add3A_1896 : vector<16xi32>
      %gather3A_1898 = tpu.vector_load_idx %arg9[%add3A_1897, %rem3A_1768] : memref<768x128xf32, #tpu.memory_space<vmem>>[vector<16xi32>, vector<16xi32>], vector<16xf32>,
      %swap3A_1899 = arith.constant 336 : index
      %swap3A_1900 = tpu.vector_load %arg11[%swap3A_1899] {strides = array<i32>} : memref<512xf32, #tpu.memory_space<vmem>>, vector<16xf32>,
      tpu.vector_store %arg11[%swap3A_1899], %gather3A_1898 {strides = array<i32>} : memref<512xf32, #tpu.memory_space<vmem>>, vector<16xf32>,
      %add3A_1901 = arith.constant 22 : i32
      %add3A_1902 = vector.broadcast %add3A_1901 : i32 to vector<16xi32>
      %add3A_1903 = arith.addi %mul3A_5, %add3A_1902 : vector<16xi32>
      %gather3A_1904 = tpu.vector_load_idx %arg9[%add3A_1903, %rem3A_1768] : memref<768x128xf32, #tpu.memory_space<vmem>>[vector<16xi32>, vector<16xi32>], vector<16xf32>,
      %swap3A_1905 = arith.constant 352 : index
      %swap3A_1906 = tpu.vector_load %arg11[%swap3A_1905] {strides = array<i32>} : memref<512xf32, #tpu.memory_space<vmem>>, vector<16xf32>,
      tpu.vector_store %arg11[%swap3A_1905], %gather3A_1904 {strides = array<i32>} : memref<512xf32, #tpu.memory_space<vmem>>, vector<16xf32>,
      %add3A_1907 = arith.constant 23 : i32
      %add3A_1908 = vector.broadcast %add3A_1907 : i32 to vector<16xi32>
      %add3A_1909 = arith.addi %mul3A_5, %add3A_1908 : vector<16xi32>
      %gather3A_1910 = tpu.vector_load_idx %arg9[%add3A_1909, %rem3A_1768] : memref<768x128xf32, #tpu.memory_space<vmem>>[vector<16xi32>, vector<16xi32>], vector<16xf32>,
      %swap3A_1911 = arith.constant 368 : index
      %swap3A_1912 = tpu.vector_load %arg11[%swap3A_1911] {strides = array<i32>} : memref<512xf32, #tpu.memory_space<vmem>>, vector<16xf32>,
      tpu.vector_store %arg11[%swap3A_1911], %gather3A_1910 {strides = array<i32>} : memref<512xf32, #tpu.memory_space<vmem>>, vector<16xf32>,
      %add3A_1913 = arith.constant 24 : i32
      %add3A_1914 = vector.broadcast %add3A_1913 : i32 to vector<16xi32>
      %add3A_1915 = arith.addi %mul3A_5, %add3A_1914 : vector<16xi32>
      %gather3A_1916 = tpu.vector_load_idx %arg9[%add3A_1915, %rem3A_1768] : memref<768x128xf32, #tpu.memory_space<vmem>>[vector<16xi32>, vector<16xi32>], vector<16xf32>,
      %swap3A_1917 = arith.constant 384 : index
      %swap3A_1918 = tpu.vector_load %arg11[%swap3A_1917] {strides = array<i32>} : memref<512xf32, #tpu.memory_space<vmem>>, vector<16xf32>,
      tpu.vector_store %arg11[%swap3A_1917], %gather3A_1916 {strides = array<i32>} : memref<512xf32, #tpu.memory_space<vmem>>, vector<16xf32>,
      %add3A_1919 = arith.constant 25 : i32
      %add3A_1920 = vector.broadcast %add3A_1919 : i32 to vector<16xi32>
      %add3A_1921 = arith.addi %mul3A_5, %add3A_1920 : vector<16xi32>
      %gather3A_1922 = tpu.vector_load_idx %arg9[%add3A_1921, %rem3A_1768] : memref<768x128xf32, #tpu.memory_space<vmem>>[vector<16xi32>, vector<16xi32>], vector<16xf32>,
      %swap3A_1923 = arith.constant 400 : index
      %swap3A_1924 = tpu.vector_load %arg11[%swap3A_1923] {strides = array<i32>} : memref<512xf32, #tpu.memory_space<vmem>>, vector<16xf32>,
      tpu.vector_store %arg11[%swap3A_1923], %gather3A_1922 {strides = array<i32>} : memref<512xf32, #tpu.memory_space<vmem>>, vector<16xf32>,
      %add3A_1925 = arith.constant 26 : i32
      %add3A_1926 = vector.broadcast %add3A_1925 : i32 to vector<16xi32>
      %add3A_1927 = arith.addi %mul3A_5, %add3A_1926 : vector<16xi32>
      %gather3A_1928 = tpu.vector_load_idx %arg9[%add3A_1927, %rem3A_1768] : memref<768x128xf32, #tpu.memory_space<vmem>>[vector<16xi32>, vector<16xi32>], vector<16xf32>,
      %swap3A_1929 = arith.constant 416 : index
      %swap3A_1930 = tpu.vector_load %arg11[%swap3A_1929] {strides = array<i32>} : memref<512xf32, #tpu.memory_space<vmem>>, vector<16xf32>,
      tpu.vector_store %arg11[%swap3A_1929], %gather3A_1928 {strides = array<i32>} : memref<512xf32, #tpu.memory_space<vmem>>, vector<16xf32>,
      %add3A_1931 = arith.constant 27 : i32
      %add3A_1932 = vector.broadcast %add3A_1931 : i32 to vector<16xi32>
      %add3A_1933 = arith.addi %mul3A_5, %add3A_1932 : vector<16xi32>
      %gather3A_1934 = tpu.vector_load_idx %arg9[%add3A_1933, %rem3A_1768] : memref<768x128xf32, #tpu.memory_space<vmem>>[vector<16xi32>, vector<16xi32>], vector<16xf32>,
      %swap3A_1935 = arith.constant 432 : index
      %swap3A_1936 = tpu.vector_load %arg11[%swap3A_1935] {strides = array<i32>} : memref<512xf32, #tpu.memory_space<vmem>>, vector<16xf32>,
      tpu.vector_store %arg11[%swap3A_1935], %gather3A_1934 {strides = array<i32>} : memref<512xf32, #tpu.memory_space<vmem>>, vector<16xf32>,
      %add3A_1937 = arith.constant 28 : i32
      %add3A_1938 = vector.broadcast %add3A_1937 : i32 to vector<16xi32>
      %add3A_1939 = arith.addi %mul3A_5, %add3A_1938 : vector<16xi32>
      %gather3A_1940 = tpu.vector_load_idx %arg9[%add3A_1939, %rem3A_1768] : memref<768x128xf32, #tpu.memory_space<vmem>>[vector<16xi32>, vector<16xi32>], vector<16xf32>,
      %swap3A_1941 = arith.constant 448 : index
      %swap3A_1942 = tpu.vector_load %arg11[%swap3A_1941] {strides = array<i32>} : memref<512xf32, #tpu.memory_space<vmem>>, vector<16xf32>,
      tpu.vector_store %arg11[%swap3A_1941], %gather3A_1940 {strides = array<i32>} : memref<512xf32, #tpu.memory_space<vmem>>, vector<16xf32>,
      %add3A_1943 = arith.constant 29 : i32
      %add3A_1944 = vector.broadcast %add3A_1943 : i32 to vector<16xi32>
      %add3A_1945 = arith.addi %mul3A_5, %add3A_1944 : vector<16xi32>
      %gather3A_1946 = tpu.vector_load_idx %arg9[%add3A_1945, %rem3A_1768] : memref<768x128xf32, #tpu.memory_space<vmem>>[vector<16xi32>, vector<16xi32>], vector<16xf32>,
      %swap3A_1947 = arith.constant 464 : index
      %swap3A_1948 = tpu.vector_load %arg11[%swap3A_1947] {strides = array<i32>} : memref<512xf32, #tpu.memory_space<vmem>>, vector<16xf32>,
      tpu.vector_store %arg11[%swap3A_1947], %gather3A_1946 {strides = array<i32>} : memref<512xf32, #tpu.memory_space<vmem>>, vector<16xf32>,
      %add3A_1949 = arith.constant 30 : i32
      %add3A_1950 = vector.broadcast %add3A_1949 : i32 to vector<16xi32>
      %add3A_1951 = arith.addi %mul3A_5, %add3A_1950 : vector<16xi32>
      %gather3A_1952 = tpu.vector_load_idx %arg9[%add3A_1951, %rem3A_1768] : memref<768x128xf32, #tpu.memory_space<vmem>>[vector<16xi32>, vector<16xi32>], vector<16xf32>,
      %swap3A_1953 = arith.constant 480 : index
      %swap3A_1954 = tpu.vector_load %arg11[%swap3A_1953] {strides = array<i32>} : memref<512xf32, #tpu.memory_space<vmem>>, vector<16xf32>,
      tpu.vector_store %arg11[%swap3A_1953], %gather3A_1952 {strides = array<i32>} : memref<512xf32, #tpu.memory_space<vmem>>, vector<16xf32>,
      %add3A_1955 = arith.constant 31 : i32
      %add3A_1956 = vector.broadcast %add3A_1955 : i32 to vector<16xi32>
      %add3A_1957 = arith.addi %mul3A_5, %add3A_1956 : vector<16xi32>
      %gather3A_1958 = tpu.vector_load_idx %arg9[%add3A_1957, %rem3A_1768] : memref<768x128xf32, #tpu.memory_space<vmem>>[vector<16xi32>, vector<16xi32>], vector<16xf32>,
      %swap3A_1959 = arith.constant 496 : index
      %swap3A_1960 = tpu.vector_load %arg11[%swap3A_1959] {strides = array<i32>} : memref<512xf32, #tpu.memory_space<vmem>>, vector<16xf32>,
      tpu.vector_store %arg11[%swap3A_1959], %gather3A_1958 {strides = array<i32>} : memref<512xf32, #tpu.memory_space<vmem>>, vector<16xf32>,
      %broadcast_in_dim3A_1961 = arith.constant 0.000000e+00 : f32
      %broadcast_in_dim3A_1962 = vector.broadcast %broadcast_in_dim3A_1961 : f32 to vector<16xf32>
      %get3A_1963 = arith.constant 0 : index
      %get3A_1964 = tpu.vector_load %arg10[%get3A_1963] {strides = array<i32>} : memref<512xf32, #tpu.memory_space<vmem>>, vector<16xf32>,
      %get3A_1965 = arith.constant 0 : index
      %get3A_1966 = tpu.vector_load %arg11[%get3A_1965] {strides = array<i32>} : memref<512xf32, #tpu.memory_space<vmem>>, vector<16xf32>,
      %mul3A_1967 = arith.mulf %get3A_1964, %get3A_1966 : vector<16xf32>
      %add3A_1968 = arith.addf %broadcast_in_dim3A_1962, %mul3A_1967 : vector<16xf32>
      %get3A_1969 = arith.constant 16 : index
      %get3A_1970 = tpu.vector_load %arg10[%get3A_1969] {strides = array<i32>} : memref<512xf32, #tpu.memory_space<vmem>>, vector<16xf32>,
      %get3A_1971 = arith.constant 16 : index
      %get3A_1972 = tpu.vector_load %arg11[%get3A_1971] {strides = array<i32>} : memref<512xf32, #tpu.memory_space<vmem>>, vector<16xf32>,
      %mul3A_1973 = arith.mulf %get3A_1970, %get3A_1972 : vector<16xf32>
      %add3A_1974 = arith.addf %add3A_1968, %mul3A_1973 : vector<16xf32>
      %get3A_1975 = arith.constant 32 : index
      %get3A_1976 = tpu.vector_load %arg10[%get3A_1975] {strides = array<i32>} : memref<512xf32, #tpu.memory_space<vmem>>, vector<16xf32>,
      %get3A_1977 = arith.constant 32 : index
      %get3A_1978 = tpu.vector_load %arg11[%get3A_1977] {strides = array<i32>} : memref<512xf32, #tpu.memory_space<vmem>>, vector<16xf32>,
      %mul3A_1979 = arith.mulf %get3A_1976, %get3A_1978 : vector<16xf32>
      %add3A_1980 = arith.addf %add3A_1974, %mul3A_1979 : vector<16xf32>
      %get3A_1981 = arith.constant 48 : index
      %get3A_1982 = tpu.vector_load %arg10[%get3A_1981] {strides = array<i32>} : memref<512xf32, #tpu.memory_space<vmem>>, vector<16xf32>,
      %get3A_1983 = arith.constant 48 : index
      %get3A_1984 = tpu.vector_load %arg11[%get3A_1983] {strides = array<i32>} : memref<512xf32, #tpu.memory_space<vmem>>, vector<16xf32>,
      %mul3A_1985 = arith.mulf %get3A_1982, %get3A_1984 : vector<16xf32>
      %add3A_1986 = arith.addf %add3A_1980, %mul3A_1985 : vector<16xf32>
      %get3A_1987 = arith.constant 64 : index
      %get3A_1988 = tpu.vector_load %arg10[%get3A_1987] {strides = array<i32>} : memref<512xf32, #tpu.memory_space<vmem>>, vector<16xf32>,
      %get3A_1989 = arith.constant 64 : index
      %get3A_1990 = tpu.vector_load %arg11[%get3A_1989] {strides = array<i32>} : memref<512xf32, #tpu.memory_space<vmem>>, vector<16xf32>,
      %mul3A_1991 = arith.mulf %get3A_1988, %get3A_1990 : vector<16xf32>
      %add3A_1992 = arith.addf %add3A_1986, %mul3A_1991 : vector<16xf32>
      %get3A_1993 = arith.constant 80 : index
      %get3A_1994 = tpu.vector_load %arg10[%get3A_1993] {strides = array<i32>} : memref<512xf32, #tpu.memory_space<vmem>>, vector<16xf32>,
      %get3A_1995 = arith.constant 80 : index
      %get3A_1996 = tpu.vector_load %arg11[%get3A_1995] {strides = array<i32>} : memref<512xf32, #tpu.memory_space<vmem>>, vector<16xf32>,
      %mul3A_1997 = arith.mulf %get3A_1994, %get3A_1996 : vector<16xf32>
      %add3A_1998 = arith.addf %add3A_1992, %mul3A_1997 : vector<16xf32>
      %get3A_1999 = arith.constant 96 : index
      %get3A_2000 = tpu.vector_load %arg10[%get3A_1999] {strides = array<i32>} : memref<512xf32, #tpu.memory_space<vmem>>, vector<16xf32>,
      %get3A_2001 = arith.constant 96 : index
      %get3A_2002 = tpu.vector_load %arg11[%get3A_2001] {strides = array<i32>} : memref<512xf32, #tpu.memory_space<vmem>>, vector<16xf32>,
      %mul3A_2003 = arith.mulf %get3A_2000, %get3A_2002 : vector<16xf32>
      %add3A_2004 = arith.addf %add3A_1998, %mul3A_2003 : vector<16xf32>
      %get3A_2005 = arith.constant 112 : index
      %get3A_2006 = tpu.vector_load %arg10[%get3A_2005] {strides = array<i32>} : memref<512xf32, #tpu.memory_space<vmem>>, vector<16xf32>,
      %get3A_2007 = arith.constant 112 : index
      %get3A_2008 = tpu.vector_load %arg11[%get3A_2007] {strides = array<i32>} : memref<512xf32, #tpu.memory_space<vmem>>, vector<16xf32>,
      %mul3A_2009 = arith.mulf %get3A_2006, %get3A_2008 : vector<16xf32>
      %add3A_2010 = arith.addf %add3A_2004, %mul3A_2009 : vector<16xf32>
      %get3A_2011 = arith.constant 128 : index
      %get3A_2012 = tpu.vector_load %arg10[%get3A_2011] {strides = array<i32>} : memref<512xf32, #tpu.memory_space<vmem>>, vector<16xf32>,
      %get3A_2013 = arith.constant 128 : index
      %get3A_2014 = tpu.vector_load %arg11[%get3A_2013] {strides = array<i32>} : memref<512xf32, #tpu.memory_space<vmem>>, vector<16xf32>,
      %mul3A_2015 = arith.mulf %get3A_2012, %get3A_2014 : vector<16xf32>
      %add3A_2016 = arith.addf %add3A_2010, %mul3A_2015 : vector<16xf32>
      %get3A_2017 = arith.constant 144 : index
      %get3A_2018 = tpu.vector_load %arg10[%get3A_2017] {strides = array<i32>} : memref<512xf32, #tpu.memory_space<vmem>>, vector<16xf32>,
      %get3A_2019 = arith.constant 144 : index
      %get3A_2020 = tpu.vector_load %arg11[%get3A_2019] {strides = array<i32>} : memref<512xf32, #tpu.memory_space<vmem>>, vector<16xf32>,
      %mul3A_2021 = arith.mulf %get3A_2018, %get3A_2020 : vector<16xf32>
      %add3A_2022 = arith.addf %add3A_2016, %mul3A_2021 : vector<16xf32>
      %get3A_2023 = arith.constant 160 : index
      %get3A_2024 = tpu.vector_load %arg10[%get3A_2023] {strides = array<i32>} : memref<512xf32, #tpu.memory_space<vmem>>, vector<16xf32>,
      %get3A_2025 = arith.constant 160 : index
      %get3A_2026 = tpu.vector_load %arg11[%get3A_2025] {strides = array<i32>} : memref<512xf32, #tpu.memory_space<vmem>>, vector<16xf32>,
      %mul3A_2027 = arith.mulf %get3A_2024, %get3A_2026 : vector<16xf32>
      %add3A_2028 = arith.addf %add3A_2022, %mul3A_2027 : vector<16xf32>
      %get3A_2029 = arith.constant 176 : index
      %get3A_2030 = tpu.vector_load %arg10[%get3A_2029] {strides = array<i32>} : memref<512xf32, #tpu.memory_space<vmem>>, vector<16xf32>,
      %get3A_2031 = arith.constant 176 : index
      %get3A_2032 = tpu.vector_load %arg11[%get3A_2031] {strides = array<i32>} : memref<512xf32, #tpu.memory_space<vmem>>, vector<16xf32>,
      %mul3A_2033 = arith.mulf %get3A_2030, %get3A_2032 : vector<16xf32>
      %add3A_2034 = arith.addf %add3A_2028, %mul3A_2033 : vector<16xf32>
      %get3A_2035 = arith.constant 192 : index
      %get3A_2036 = tpu.vector_load %arg10[%get3A_2035] {strides = array<i32>} : memref<512xf32, #tpu.memory_space<vmem>>, vector<16xf32>,
      %get3A_2037 = arith.constant 192 : index
      %get3A_2038 = tpu.vector_load %arg11[%get3A_2037] {strides = array<i32>} : memref<512xf32, #tpu.memory_space<vmem>>, vector<16xf32>,
      %mul3A_2039 = arith.mulf %get3A_2036, %get3A_2038 : vector<16xf32>
      %add3A_2040 = arith.addf %add3A_2034, %mul3A_2039 : vector<16xf32>
      %get3A_2041 = arith.constant 208 : index
      %get3A_2042 = tpu.vector_load %arg10[%get3A_2041] {strides = array<i32>} : memref<512xf32, #tpu.memory_space<vmem>>, vector<16xf32>,
      %get3A_2043 = arith.constant 208 : index
      %get3A_2044 = tpu.vector_load %arg11[%get3A_2043] {strides = array<i32>} : memref<512xf32, #tpu.memory_space<vmem>>, vector<16xf32>,
      %mul3A_2045 = arith.mulf %get3A_2042, %get3A_2044 : vector<16xf32>
      %add3A_2046 = arith.addf %add3A_2040, %mul3A_2045 : vector<16xf32>
      %get3A_2047 = arith.constant 224 : index
      %get3A_2048 = tpu.vector_load %arg10[%get3A_2047] {strides = array<i32>} : memref<512xf32, #tpu.memory_space<vmem>>, vector<16xf32>,
      %get3A_2049 = arith.constant 224 : index
      %get3A_2050 = tpu.vector_load %arg11[%get3A_2049] {strides = array<i32>} : memref<512xf32, #tpu.memory_space<vmem>>, vector<16xf32>,
      %mul3A_2051 = arith.mulf %get3A_2048, %get3A_2050 : vector<16xf32>
      %add3A_2052 = arith.addf %add3A_2046, %mul3A_2051 : vector<16xf32>
      %get3A_2053 = arith.constant 240 : index
      %get3A_2054 = tpu.vector_load %arg10[%get3A_2053] {strides = array<i32>} : memref<512xf32, #tpu.memory_space<vmem>>, vector<16xf32>,
      %get3A_2055 = arith.constant 240 : index
      %get3A_2056 = tpu.vector_load %arg11[%get3A_2055] {strides = array<i32>} : memref<512xf32, #tpu.memory_space<vmem>>, vector<16xf32>,
      %mul3A_2057 = arith.mulf %get3A_2054, %get3A_2056 : vector<16xf32>
      %add3A_2058 = arith.addf %add3A_2052, %mul3A_2057 : vector<16xf32>
      %get3A_2059 = arith.constant 256 : index
      %get3A_2060 = tpu.vector_load %arg10[%get3A_2059] {strides = array<i32>} : memref<512xf32, #tpu.memory_space<vmem>>, vector<16xf32>,
      %get3A_2061 = arith.constant 256 : index
      %get3A_2062 = tpu.vector_load %arg11[%get3A_2061] {strides = array<i32>} : memref<512xf32, #tpu.memory_space<vmem>>, vector<16xf32>,
      %mul3A_2063 = arith.mulf %get3A_2060, %get3A_2062 : vector<16xf32>
      %add3A_2064 = arith.addf %add3A_2058, %mul3A_2063 : vector<16xf32>
      %get3A_2065 = arith.constant 272 : index
      %get3A_2066 = tpu.vector_load %arg10[%get3A_2065] {strides = array<i32>} : memref<512xf32, #tpu.memory_space<vmem>>, vector<16xf32>,
      %get3A_2067 = arith.constant 272 : index
      %get3A_2068 = tpu.vector_load %arg11[%get3A_2067] {strides = array<i32>} : memref<512xf32, #tpu.memory_space<vmem>>, vector<16xf32>,
      %mul3A_2069 = arith.mulf %get3A_2066, %get3A_2068 : vector<16xf32>
      %add3A_2070 = arith.addf %add3A_2064, %mul3A_2069 : vector<16xf32>
      %get3A_2071 = arith.constant 288 : index
      %get3A_2072 = tpu.vector_load %arg10[%get3A_2071] {strides = array<i32>} : memref<512xf32, #tpu.memory_space<vmem>>, vector<16xf32>,
      %get3A_2073 = arith.constant 288 : index
      %get3A_2074 = tpu.vector_load %arg11[%get3A_2073] {strides = array<i32>} : memref<512xf32, #tpu.memory_space<vmem>>, vector<16xf32>,
      %mul3A_2075 = arith.mulf %get3A_2072, %get3A_2074 : vector<16xf32>
      %add3A_2076 = arith.addf %add3A_2070, %mul3A_2075 : vector<16xf32>
      %get3A_2077 = arith.constant 304 : index
      %get3A_2078 = tpu.vector_load %arg10[%get3A_2077] {strides = array<i32>} : memref<512xf32, #tpu.memory_space<vmem>>, vector<16xf32>,
      %get3A_2079 = arith.constant 304 : index
      %get3A_2080 = tpu.vector_load %arg11[%get3A_2079] {strides = array<i32>} : memref<512xf32, #tpu.memory_space<vmem>>, vector<16xf32>,
      %mul3A_2081 = arith.mulf %get3A_2078, %get3A_2080 : vector<16xf32>
      %add3A_2082 = arith.addf %add3A_2076, %mul3A_2081 : vector<16xf32>
      %get3A_2083 = arith.constant 320 : index
      %get3A_2084 = tpu.vector_load %arg10[%get3A_2083] {strides = array<i32>} : memref<512xf32, #tpu.memory_space<vmem>>, vector<16xf32>,
      %get3A_2085 = arith.constant 320 : index
      %get3A_2086 = tpu.vector_load %arg11[%get3A_2085] {strides = array<i32>} : memref<512xf32, #tpu.memory_space<vmem>>, vector<16xf32>,
      %mul3A_2087 = arith.mulf %get3A_2084, %get3A_2086 : vector<16xf32>
      %add3A_2088 = arith.addf %add3A_2082, %mul3A_2087 : vector<16xf32>
      %get3A_2089 = arith.constant 336 : index
      %get3A_2090 = tpu.vector_load %arg10[%get3A_2089] {strides = array<i32>} : memref<512xf32, #tpu.memory_space<vmem>>, vector<16xf32>,
      %get3A_2091 = arith.constant 336 : index
      %get3A_2092 = tpu.vector_load %arg11[%get3A_2091] {strides = array<i32>} : memref<512xf32, #tpu.memory_space<vmem>>, vector<16xf32>,
      %mul3A_2093 = arith.mulf %get3A_2090, %get3A_2092 : vector<16xf32>
      %add3A_2094 = arith.addf %add3A_2088, %mul3A_2093 : vector<16xf32>
      %get3A_2095 = arith.constant 352 : index
      %get3A_2096 = tpu.vector_load %arg10[%get3A_2095] {strides = array<i32>} : memref<512xf32, #tpu.memory_space<vmem>>, vector<16xf32>,
      %get3A_2097 = arith.constant 352 : index
      %get3A_2098 = tpu.vector_load %arg11[%get3A_2097] {strides = array<i32>} : memref<512xf32, #tpu.memory_space<vmem>>, vector<16xf32>,
      %mul3A_2099 = arith.mulf %get3A_2096, %get3A_2098 : vector<16xf32>
      %add3A_2100 = arith.addf %add3A_2094, %mul3A_2099 : vector<16xf32>
      %get3A_2101 = arith.constant 368 : index
      %get3A_2102 = tpu.vector_load %arg10[%get3A_2101] {strides = array<i32>} : memref<512xf32, #tpu.memory_space<vmem>>, vector<16xf32>,
      %get3A_2103 = arith.constant 368 : index
      %get3A_2104 = tpu.vector_load %arg11[%get3A_2103] {strides = array<i32>} : memref<512xf32, #tpu.memory_space<vmem>>, vector<16xf32>,
      %mul3A_2105 = arith.mulf %get3A_2102, %get3A_2104 : vector<16xf32>
      %add3A_2106 = arith.addf %add3A_2100, %mul3A_2105 : vector<16xf32>
      %get3A_2107 = arith.constant 384 : index
      %get3A_2108 = tpu.vector_load %arg10[%get3A_2107] {strides = array<i32>} : memref<512xf32, #tpu.memory_space<vmem>>, vector<16xf32>,
      %get3A_2109 = arith.constant 384 : index
      %get3A_2110 = tpu.vector_load %arg11[%get3A_2109] {strides = array<i32>} : memref<512xf32, #tpu.memory_space<vmem>>, vector<16xf32>,
      %mul3A_2111 = arith.mulf %get3A_2108, %get3A_2110 : vector<16xf32>
      %add3A_2112 = arith.addf %add3A_2106, %mul3A_2111 : vector<16xf32>
      %get3A_2113 = arith.constant 400 : index
      %get3A_2114 = tpu.vector_load %arg10[%get3A_2113] {strides = array<i32>} : memref<512xf32, #tpu.memory_space<vmem>>, vector<16xf32>,
      %get3A_2115 = arith.constant 400 : index
      %get3A_2116 = tpu.vector_load %arg11[%get3A_2115] {strides = array<i32>} : memref<512xf32, #tpu.memory_space<vmem>>, vector<16xf32>,
      %mul3A_2117 = arith.mulf %get3A_2114, %get3A_2116 : vector<16xf32>
      %add3A_2118 = arith.addf %add3A_2112, %mul3A_2117 : vector<16xf32>
      %get3A_2119 = arith.constant 416 : index
      %get3A_2120 = tpu.vector_load %arg10[%get3A_2119] {strides = array<i32>} : memref<512xf32, #tpu.memory_space<vmem>>, vector<16xf32>,
      %get3A_2121 = arith.constant 416 : index
      %get3A_2122 = tpu.vector_load %arg11[%get3A_2121] {strides = array<i32>} : memref<512xf32, #tpu.memory_space<vmem>>, vector<16xf32>,
      %mul3A_2123 = arith.mulf %get3A_2120, %get3A_2122 : vector<16xf32>
      %add3A_2124 = arith.addf %add3A_2118, %mul3A_2123 : vector<16xf32>
      %get3A_2125 = arith.constant 432 : index
      %get3A_2126 = tpu.vector_load %arg10[%get3A_2125] {strides = array<i32>} : memref<512xf32, #tpu.memory_space<vmem>>, vector<16xf32>,
      %get3A_2127 = arith.constant 432 : index
      %get3A_2128 = tpu.vector_load %arg11[%get3A_2127] {strides = array<i32>} : memref<512xf32, #tpu.memory_space<vmem>>, vector<16xf32>,
      %mul3A_2129 = arith.mulf %get3A_2126, %get3A_2128 : vector<16xf32>
      %add3A_2130 = arith.addf %add3A_2124, %mul3A_2129 : vector<16xf32>
      %get3A_2131 = arith.constant 448 : index
      %get3A_2132 = tpu.vector_load %arg10[%get3A_2131] {strides = array<i32>} : memref<512xf32, #tpu.memory_space<vmem>>, vector<16xf32>,
      %get3A_2133 = arith.constant 448 : index
      %get3A_2134 = tpu.vector_load %arg11[%get3A_2133] {strides = array<i32>} : memref<512xf32, #tpu.memory_space<vmem>>, vector<16xf32>,
      %mul3A_2135 = arith.mulf %get3A_2132, %get3A_2134 : vector<16xf32>
      %add3A_2136 = arith.addf %add3A_2130, %mul3A_2135 : vector<16xf32>
      %get3A_2137 = arith.constant 464 : index
      %get3A_2138 = tpu.vector_load %arg10[%get3A_2137] {strides = array<i32>} : memref<512xf32, #tpu.memory_space<vmem>>, vector<16xf32>,
      %get3A_2139 = arith.constant 464 : index
      %get3A_2140 = tpu.vector_load %arg11[%get3A_2139] {strides = array<i32>} : memref<512xf32, #tpu.memory_space<vmem>>, vector<16xf32>,
      %mul3A_2141 = arith.mulf %get3A_2138, %get3A_2140 : vector<16xf32>
      %add3A_2142 = arith.addf %add3A_2136, %mul3A_2141 : vector<16xf32>
      %get3A_2143 = arith.constant 480 : index
      %get3A_2144 = tpu.vector_load %arg10[%get3A_2143] {strides = array<i32>} : memref<512xf32, #tpu.memory_space<vmem>>, vector<16xf32>,
      %get3A_2145 = arith.constant 480 : index
      %get3A_2146 = tpu.vector_load %arg11[%get3A_2145] {strides = array<i32>} : memref<512xf32, #tpu.memory_space<vmem>>, vector<16xf32>,
      %mul3A_2147 = arith.mulf %get3A_2144, %get3A_2146 : vector<16xf32>
      %add3A_2148 = arith.addf %add3A_2142, %mul3A_2147 : vector<16xf32>
      %get3A_2149 = arith.constant 496 : index
      %get3A_2150 = tpu.vector_load %arg10[%get3A_2149] {strides = array<i32>} : memref<512xf32, #tpu.memory_space<vmem>>, vector<16xf32>,
      %get3A_2151 = arith.constant 496 : index
      %get3A_2152 = tpu.vector_load %arg11[%get3A_2151] {strides = array<i32>} : memref<512xf32, #tpu.memory_space<vmem>>, vector<16xf32>,
      %mul3A_2153 = arith.mulf %get3A_2150, %get3A_2152 : vector<16xf32>
      %add3A_2154 = arith.addf %add3A_2148, %mul3A_2153 : vector<16xf32>
      %neg3A = arith.constant 0.000000e+00 : f32
      %neg3A_2155 = vector.broadcast %neg3A : f32 to vector<16xf32>
      %neg3A_2156 = arith.subf %neg3A_2155, %add3A_2154 : vector<16xf32>
      %exp3A = math.exp %neg3A_2156 : vector<16xf32>
      %add3A_2157 = arith.constant 1.000000e+00 : f32
      %add3A_2158 = vector.broadcast %add3A_2157 : f32 to vector<16xf32>
      %add3A_2159 = arith.addf %add3A_2158, %exp3A : vector<16xf32>
      %div3A_2160 = arith.constant 1.000000e+00 : f32
      %div3A_2161 = vector.broadcast %div3A_2160 : f32 to vector<16xf32>
      %div3A_2162 = arith.divf %div3A_2161, %add3A_2159 : vector<16xf32>
      %mul3A_2163 = arith.constant 16 : i32
      %mul3A_2164 = arith.muli %scan3A_13, %mul3A_2163 : i32
      %swap3A_2165 = arith.index_cast %mul3A_2164 : i32 to index
      %swap3A_2166 = tpu.vector_load %arg12[%swap3A_2165] {strides = array<i32>} : memref<512xf32, #tpu.memory_space<vmem>>, vector<16xf32>,
      tpu.vector_store %arg12[%swap3A_2165], %div3A_2162 {strides = array<i32>} : memref<512xf32, #tpu.memory_space<vmem>>, vector<16xf32>,
      %scan3A_2167 = arith.constant 0 : i32
      scf.yield %scan3A_2167 : i32
    }
    %scan3A_12 = arith.constant 32 : i32
    "tpu.region"() ({
      %run_scoped3A = tpu.sem_alloc : memref<!tpu.dma_semaphore, #tpu.memory_space<semaphore_mem>>
      %dma_start3A = tpu.memref_slice %arg6[%mul3A_2] : memref<16384xf32, #tpu.memory_space<hbm>> -> memref<512xf32, #tpu.memory_space<hbm>>
      %dma_start3A_13 = tpu.memref_slice %arg6[%mul3A_2] : memref<16384xf32, #tpu.memory_space<hbm>> -> memref<512xf32, #tpu.memory_space<hbm>>
      tpu.enqueue_dma source(%arg12 : memref<512xf32, #tpu.memory_space<vmem>>) target(%dma_start3A_13 : memref<512xf32, #tpu.memory_space<hbm>>) target_semaphore(%run_scoped3A : memref<!tpu.dma_semaphore, #tpu.memory_space<semaphore_mem>>)
      %dma_wait3A = tpu.memref_slice %arg6[%mul3A_2] : memref<16384xf32, #tpu.memory_space<hbm>> -> memref<512xf32, #tpu.memory_space<hbm>>
      %dma_wait3A_14 = tpu.memref_slice %arg6[%mul3A_2] : memref<16384xf32, #tpu.memory_space<hbm>> -> memref<512xf32, #tpu.memory_space<hbm>>
      tpu.wait_dma2 semaphore(%run_scoped3A : memref<!tpu.dma_semaphore, #tpu.memory_space<semaphore_mem>>) src(%arg12 : memref<512xf32, #tpu.memory_space<vmem>>) dst(%dma_wait3A_14 : memref<512xf32, #tpu.memory_space<hbm>>)
      tpu.yield
    }) : () -> ()
    return
  }
}

</mosaic_0001>

<sc_bundles>
// kernel: kernel.3.cloned.1.call-start
scs
__scs_entry_jumppad:
0x0: {  	(pc) =	sbr.rel $0x88, $3  }
0x1: {  	(tag) =	ssettag $0x0;
	lr =	simm.s32 $0x1  }
0x2: {  	[smem:$0x3F9D] =	sst lr;
	_ =	strace $0xD0000000  }
0x3: {  	_ = 	snop  }
0x4: {  	_ = 	snop  }
0x5: {  	_ = 	snop  }
0x6: {  	_ = 	snop  }
0x7: {  	_ = 	snop  }
__scs_overlays_trampoline_lowered:
0x8: {  	[smem:$0x3FAC] =	sst s0  }
0x9: {  	[smem:$0x3FAD] =	sst s1  }
0xa: {  	[smem:$0x3FAE] =	sst s2  }
0xb: {  	[smem:$0x3FAF] =	sst s3  }
0xc: {  	[smem:$0x3FB0] =	sst s4  }
0xd: {  	[smem:$0x3FB1] =	sst s5  }
0xe: {  	[smem:$0x3FB2] =	sst s6  }
0xf: {  	[smem:$0x3FB3] =	sst s7  }
0x10: {  	[smem:$0x3FB4] =	sst s8  }
0x11: {  	[smem:$0x3FB5] =	sst s9;
	s0 =	simm.s32 @!p0 $0x0  }
0x12: {  	s1 =	sld [smem:$0x3F9B];
	s0 =	simm.s32 @p0 $0x1  }
0x13: {  	[smem:$0x3FB6] =	sst s0;
	s0 =	simm.s32 @!p1 $0x0  }
0x14: {  	s2 =	sld [smem:$0x3F9A];
	s0 =	simm.s32 @p1 $0x1  }
0x15: {  	[smem:$0x3FB7] =	sst s0;
	s0 =	simm.s32 @!p2 $0x0  }
0x16: {  	s3 =	sld [smem:$0x3FDB];
	s0 =	simm.s32 @p2 $0x1  }
0x17: {  	s4 =	simm.s32 $0x1BF5;
	[smem:$0x3FB9] =	sst s0  }
0x18: {  	s0 =	sld [smem:$0x3F9C];
	_ =	swait.ge [sflag:s4], $0x0  }
0x19: {  	s7 =	sld [smem:$0x3F9D]  }
0x1a: {  	s8 =	sadd.s32 $0xFFFFE003, lr  }
0x1b: {  	s9 =	sadd.s32 $0xFFFFFEF7, lr;
	s5 =	simm.s32 $0xFFFFFFFF;
	p2 =	slt.u32 s8, $0xFFFFF086  }
0x1c: {  	p1 =	slt.u32 s9, $0xF7A;
	s5 =	simm.s32 @!p2 $0x0  }
0x1d: {  	s5 =	simm.s32 @p1 $0x1;
	p0 =	seq.s32 s7, s2  }
0x1e: {  	s7 =	smul.u32 @!p0 $0xF7A, s2;
	p2 =	seq.s32 @!p0 s5, $0x0  }
0x1f: {  	s9 =	smul.u32 $0xF7A, s1;
	s8 =	simm.s32 @!p0 $0x1BF5;
	p2 =	por !p2, p0  }
0x20: {  	[sflag:s8] =	ssyncset.s32 @!p0 $0xFFFFF086;
	s6 =	sadd.s32 @!p0 s3, s7;
	s7 =	simm.s32 @!p0 $0x108  }
0x21: {  	s3 =	sadd.s32 s3, s9;
	s6 =	sadd.s32 @!p0 $0x88, s6;
	s7 =	simm.s32 @p2 $0x1082  }
0x22: {  	[simem:s7], [sflag:s8] =	dma.local @!p0 [hbm:s6], $0xF7A  }
0x23: {  	s9 =	sor.u32 $0xD0000000, s2;
	s6 =	simm.s32 $0x108;
	_ =	swait.ge @!p0 [sflag:s8], $0x0  }
0x24: {  	s3 =	sadd.s32 $0x88, s3;
	s6 =	simm.s32 @!p1 $0x1082;
	[sflag:s4] =	ssyncset.s32 $0xFFFFF086  }
0x25: {  	[simem:s6], [sflag:s4] =	dma.local [hbm:s3], $0xF7A  }
0x26: {  	[smem:$0x3F9D] =	sst s1;
	(tag) =	ssettag s2;
	_ =	strace s9  }
0x27: {  	s1 =	sld [smem:$0x3FAD]  }
0x28: {  	s2 =	sld [smem:$0x3FAE]  }
0x29: {  	s4 =	sld [smem:$0x3FB0]  }
0x2a: {  	p0 =	seq.s32 s5, $0x0;
	s5 =	sld [smem:$0x3FB1]  }
0x2b: {  	s6 =	sld [smem:$0x3FB2]  }
0x2c: {  	s7 =	sld [smem:$0x3FB3]  }
0x2d: {  	s3 =	simm.s32 $0x108;
	s8 =	sld [smem:$0x3FB4]  }
0x2e: {  	s3 =	simm.s32 @!p0 $0x1082;
	s9 =	sld [smem:$0x3FB5]  }
0x2f: {  	lr =	sadd.s32 s0, s3;
	s0 =	sld [smem:$0x3FAC]  }
0x30: {  	s3 =	sld [smem:$0x3FAF]  }
0x31: {  	[smem:$0x3FB8] =	sst s10  }
0x32: {  	s10 =	sld [smem:$0x3FB6];
	_ =	sdelay $0x3  }
0x33: {  	p0 =	seq.s32 s10, $0x1;
	s10 =	sld [smem:$0x3FB8];
	_ =	sdelay $0x3  }
0x34: {  	[smem:$0x3FB8] =	sst s10  }
0x35: {  	s10 =	sld [smem:$0x3FB7];
	_ =	sdelay $0x3  }
0x36: {  	p1 =	seq.s32 s10, $0x1;
	s10 =	sld [smem:$0x3FB8];
	_ =	sdelay $0x3  }
0x37: {  	[smem:$0x3FB8] =	sst s10  }
0x38: {  	s10 =	sld [smem:$0x3FB9]  }
0x39: {  	_ = 	snop;
	(pc) =	sbr.ind lr, $3  }
0x3a: {  	_ = 	snop  }
0x3b: {  	_ = 	snop  }
0x3c: {  	p2 =	seq.s32 s10, $0x1;
	s10 =	sld [smem:$0x3FB8]  }
0x3d: {  	_ =	shalt  }
0x3e: {  	_ =	shalt  }
0x3f: {  	_ =	shalt  }
0x40: {  	_ =	shalt  }
0x41: {  	_ =	shalt  }
0x42: {  	_ =	shalt  }
0x43: {  	_ =	shalt  }
0x44: {  	_ =	shalt  }
0x45: {  	_ =	shalt  }
0x46: {  	_ =	shalt  }
0x47: {  	_ =	shalt  }
0x48: {  	_ =	shalt  }
0x49: {  	_ =	shalt  }
0x4a: {  	_ =	shalt  }
0x4b: {  	_ =	shalt  }
0x4c: {  	_ =	shalt  }
0x4d: {  	_ =	shalt  }
0x4e: {  	_ =	shalt  }
0x4f: {  	_ =	shalt  }
0x50: {  	_ =	shalt  }
0x51: {  	_ =	shalt  }
0x52: {  	_ =	shalt  }
0x53: {  	_ =	shalt  }
0x54: {  	_ =	shalt  }
0x55: {  	_ =	shalt  }
0x56: {  	_ =	shalt  }
0x57: {  	_ =	shalt  }
0x58: {  	_ =	shalt  }
0x59: {  	_ =	shalt  }
0x5a: {  	_ =	shalt  }
0x5b: {  	_ =	shalt  }
0x5c: {  	_ =	shalt  }
0x5d: {  	_ =	shalt  }
0x5e: {  	_ =	shalt  }
0x5f: {  	_ =	shalt  }
0x60: {  	_ =	shalt  }
0x61: {  	_ =	shalt  }
0x62: {  	_ =	shalt  }
0x63: {  	_ =	shalt  }
0x64: {  	_ =	shalt  }
0x65: {  	_ =	shalt  }
0x66: {  	_ =	shalt  }
0x67: {  	_ =	shalt  }
0x68: {  	_ =	shalt  }
0x69: {  	_ =	shalt  }
0x6a: {  	_ =	shalt  }
0x6b: {  	_ =	shalt  }
0x6c: {  	_ =	shalt  }
0x6d: {  	_ =	shalt  }
0x6e: {  	_ =	shalt  }
0x6f: {  	_ =	shalt  }
0x70: {  	_ =	shalt  }
0x71: {  	_ =	shalt  }
0x72: {  	_ =	shalt  }
0x73: {  	_ =	shalt  }
0x74: {  	_ =	shalt  }
0x75: {  	_ =	shalt  }
0x76: {  	_ =	shalt  }
0x77: {  	_ =	shalt  }
0x78: {  	_ =	shalt  }
0x79: {  	_ =	shalt  }
0x7a: {  	_ =	shalt  }
0x7b: {  	_ =	shalt  }
0x7c: {  	_ =	shalt  }
0x7d: {  	_ =	shalt  }
0x7e: {  	_ =	shalt  }
0x7f: {  	_ =	shalt  }
0x80: {  	_ =	shalt  }
0x81: {  	_ =	shalt  }
0x82: {  	_ =	shalt  }
0x83: {  	_ =	shalt  }
0x84: {  	_ =	shalt  }
0x85: {  	_ =	shalt  }
0x86: {  	_ =	shalt  }
0x87: {  	_ =	shalt  }
.Lfunc_end0:
.L_simem_size_0:
called_computation_lowered:
.L_overlay_start_0:
0x88: {  	s2 =	sld [smem:$0x3FD9]  }
0x89: {  	s3 =	sld [smem:$0x3FFE];
	_ =	sdelay $0x1  }
0x8a: {  	s1 =	srdreg.scid  }
0x8b: {  	s0 =	sand.u32 $0x1, s1  }
0x8c: {  	s18 =	sshll.u32 s0, $0xA;
	s2 =	sadd.s32 s3, s2  }
0x8d: {  	s2 =	sadd.s32 s2, s18  }
0x8e: {  	[smem:$0x3FC4] =	sst s2  }
0x8f: {  	_ = 	snop  }
0x90: {  	s2 =	sld [smem:$0x3FC9]  }
0x91: {  	s19 =	sld [smem:$0x3FC8]  }
0x92: {  	s4 =	sld [smem:$0x3FC7]  }
0x93: {  	s5 =	sld [smem:$0x3FC6]  }
0x94: {  	s6 =	sld [smem:$0x3FD0];
	(tm) =	ssettm $0x1  }
0x95: {  	s7 =	sld [smem:$0x3FFB];
	_ =	sdelay $0x3  }
0x96: {  	_ =	strace s7  }
0x97: {  	s7 =	sld [smem:$0x3FFC];
	_ =	sdelay $0x3  }
0x98: {  	_ =	strace s7  }
0x99: {  	s7 =	sld [smem:$0x3FFD];
	_ =	sdelay $0x3  }
0x9a: {  	_ =	strace s7  }
0x9b: {  	_ =	strace $0x8FFFFFFF  }
0x9c: {  	s20 =	sld [smem:$0x3FDB];
	_ =	sdelay $0x1  }
0x9d: {  	s8 =	simm.s32 $_scs_section_size  }
0x9e: {  	s9 =	simm.s32 $_size__tile_overlayer_lowered;
	s10 =	simm.s32 $_tile_overlayer_lowered  }
0x9f: {  	s23 =	simm.s32 $0x1BFF;
	s22 =	sshll.u32 s10, $0x1;
	s7 =	sadd.s32 s8, s20  }
0xa0: {  	s11 =	simm.s32 $0x0;
	s21 =	sshll.u32 s9, $0x1;
	s9 =	sadd.s32 s22, s7  }
0xa1: {  	[timem:s11], [sflag:s23] =	dma.local [hbm:s9], s21  }
0xa2: {  	_ =	swait.ge [sflag:s23], s21  }
0xa3: {  	s8 =	ssub.s32 $0x0, s21;
	[sflag:s23] =	ssyncset.done $0x0  }
0xa4: {  	[sflag:s23] =	ssyncadd.s32 s8;
	_ =	sdelay $0x1  }
0xa5: {  	s24 =	simm.s32 $0x1B8B  }
0xa6: {  	_ =	swait.ge [sflag:s24], $0x1  }
0xa7: {  	[sflag:s24] =	ssyncset.done $0x0  }
0xa8: {  	s25 =	simm.s32 $0x1B8E;
	[sflag:s24] =	ssyncadd.s32 $0xFFFFFFFF  }
0xa9: {  	s26 =	simm.s32 $execute0_lowered;
	[smem:$0x3FD2] =	sst s25  }
0xaa: {  	s8 =	sshll.u32 s26, $0x1;
	_ =	strace $0x80000046;
	[dreg:$0x1] =	wrdreg $0xFFFFFFFF  }
0xab: {  	s28 =	simm.s32 $_size_execute0_lowered;
	s7 =	sadd.s32 s7, s8;
	[dreg:$0x0] =	wrdreg $0x0  }
0xac: {  	s8 =	sshll.u32 s28, $0x1;
	[dreg:$0x2] =	wrdreg s7  }
0xad: {  	[dreg:$0x3] =	wrdreg s8  }
0xae: {  	[dreg:$0x4] =	wrdreg $0xC0  }
0xaf: {  	_ =	task [dreg:s11], $0x5FFFF  }
0xb0: {  	[dreg:$0x1] =	wrdreg $0xFFFFFFFF  }
0xb1: {  	[dreg:$0x0] =	wrdreg $0x60  }
0xb2: {  	[dreg:$0x2] =	wrdreg s2  }
0xb3: {  	[dreg:$0x3] =	wrdreg s19  }
0xb4: {  	[dreg:$0x4] =	wrdreg s4  }
0xb5: {  	[dreg:$0x5] =	wrdreg s5  }
0xb6: {  	[dreg:$0x6] =	wrdreg s6  }
0xb7: {  	[dreg:$0x7] =	wrdreg $0x9  }
0xb8: {  	_ =	task.clear_ibuf [dreg:s11], $0x8FFFF;
	_ =	strace $0x90000046  }
0xb9: {  	s29 =	simm.s32 $0x9;
	_ =	strace $0x80000048  }
0xba: {  	_ =	swait.ge [sflag:s29], $0x1  }
0xbb: {  	[sflag:s29] =	ssyncadd.s32 $0xFFFFFFFF  }
0xbc: {  	_ =	strace $0x90000048  }
0xbd: {  	_ =	sfence  }
0xbe: {  	s30 =	sld [smem:$0x0];
	_ =	sdelay $0x2  }
0xbf: {  	s31 =	sshll.u32 s1, $0xD;
	s1 =	sshrl.u32 s1, $0x2  }
0xc0: {  	s3 =	sand.u32 $0x4000, s31;
	s1 =	sadd.s32 s1, s30  }
0xc1: {  	s0 =	sor.u32 s3, s0;
	s1 =	sshll.u32 s1, $0x11  }
0xc2: {  	s0 =	sor.u32 s1, s0  }
0xc3: {  	s0 =	sadd.s32 $0x8F2B, s0  }
0xc4: {  	[sflag:s0] =	ssyncadd.remote.s32 $0x1  }
0xc5: {  	_ =	sfence.sel $0xFFFF  }
0xc6: {  	[dreg:$0x0] =	wrdreg $0xFFFFFFFF;
	(pc) =	sbr.abs _section_cstart, $3  }
0xc7: {  	[dreg:$0x1] =	wrdreg $0xFFFFFFFF  }
0xc8: {  	_ =	task.clear_ibuf [dreg:s11], $0x2FFFF;
	_ =	strace $0x9FFFFFFF  }
0xc9: {  	(tm) =	ssettm $0x7FFFFFFF  }
tec
execute0_lowered:
.L_overlay_start_1:
0x0: {  	(tag) =	ssettag $0x1  }
0x1: {  	s0 =	rddreg [dreg:$0x0]  }
0x2: {  	s3 =	rddreg [dreg:$0x1]  }
0x3: {  	s1 =	rddreg [dreg:$0x2]  }
0x4: {  	s2 =	rddreg [dreg:$0x3];
	v0 =	vlaneseq.u32  }
0x5: {  	s7 =	rddreg [dreg:$0x4];
	s5 =	srdreg.scid;
	s4 =	simm.s32 $0x0;
	v0 =	vmul.u32 $0x1000, v0  }
0x6: {  	s9 =	stileid.u32;
	s11 =	simm.s32 $0x1;
	s12 =	simm.s32 $0x7A1400  }
0x7: {  	s13 =	simm.s32 $0x400;
	s14 =	simm.s32 $0x1400;
	s15 =	simm.s32 $0x2400;
	v1 =	vor.u32 $0x80, v0  }
0x8: {  	s16 =	simm.s32 $0x3400;
	s17 =	simm.s32 $0x4400;
	s18 =	simm.s32 $0x5400;
	v2 =	vor.u32 $0x100, v0;
	v3 =	vor.u32 $0x180, v0;
	v4 =	vor.u32 $0x200, v0  }
0x9: {  	s19 =	simm.s32 $0x6400;
	s20 =	simm.s32 $0x7400;
	s21 =	simm.s32 $0x8400;
	v5 =	vor.u32 $0x280, v0;
	v6 =	vor.u32 $0x300, v0;
	v7 =	vor.u32 $0x380, v0  }
0xa: {  	s22 =	simm.s32 $0x9400;
	s23 =	simm.s32 $0xA400;
	s24 =	simm.s32 $0xB400;
	v8 =	vor.u32 $0x400, v0;
	v9 =	vor.u32 $0x480, v0;
	v10 =	vor.u32 $0x500, v0  }
0xb: {  	s25 =	simm.s32 $0xC400;
	s26 =	simm.s32 $0xD400;
	s28 =	simm.s32 $0xE400;
	v11 =	vor.u32 $0x580, v0;
	v12 =	vor.u32 $0x600, v0;
	v13 =	vor.u32 $0x680, v0  }
0xc: {  	s29 =	simm.s32 $0xF400;
	s30 =	simm.s32 $0x2;
	s5 =	sand.u32 $0x1, s5;
	v14 =	vor.u32 $0x700, v0;
	v15 =	vor.u32 $0x780, v0;
	v16 =	vor.u32 $0x800, v0  }
0xd: {  	s9 =	sshll.u32 s9, $0x7;
	s6 =	ssub.s32 $0x2, s5;
	s5 =	sshll.u32 s5, $0x6;
	v17 =	vor.u32 $0x880, v0;
	v18 =	vor.u32 $0x900, v0;
	v19 =	vor.u32 $0x980, v0  }
0xe: {  	[smem:$0x7FF] =	sst s4;
	s8 =	sshrl.u32 s6, $0x1;
	s9 =	sor.u32 s5, s9;
	v20 =	vor.u32 $0xA00, v0;
	v21 =	vor.u32 $0xA80, v0;
	v22 =	vor.u32 $0xB00, v0  }
0xf: {  	_ =	strace $0x80000047;
	v23 =	vor.u32 $0xB80, v0;
	v24 =	vor.u32 $0xC00, v0;
	v25 =	vor.u32 $0xC80, v0;
	s8 =	ssub.s32 s6, s8;
	s0 =	sadd.s32 s0, s9  }
0x10: {  	v26 =	vor.u32 $0xD00, v0;
	v27 =	vor.u32 $0xD80, v0;
	v28 =	vor.u32 $0xE00, v0;
	s6 =	sadd.s32 s3, s9;
	s7 =	sadd.s32 s7, s9;
	s9 =	simm.s32 $0x3  }
0x11: {  	v29 =	vor.u32 $0xE80, v0;
	v30 =	vor.u32 $0xF00, v0;
	v31 =	vor.u32 $0xF80, v0;
	[dreg:$0x6] =	wrdreg s0;
	s8 =	smax.u32 s8, $0x1;
	s0 =	simm.s32 $0x0  }
.LBB2_1:
0x12: {  	s3 =	rddreg [dreg:$0x6]  }
0x13: {  	[tilespmem:s4], [sflag:$0x3] =	stream.linear.gather [hbm4b:s3+s4], $0x200, $0x38;
	[tilespmem:$0x18A00] =	vst v63  }
0x14: {  	_ =	swait.ge [sflag:s9], $0x200  }
0x15: {  	[sflag:s9] =	ssyncset.done $0x0  }
0x16: {  	s31 =	simm.s32 $0x200;
	[sflag:s9] =	ssyncadd.s32 $0xFFFFFE00  }
0x17: {  	[tilespmem:s31], [sflag:$0x3] =	stream.linear.gather [hbm4b:s6+s4], $0x200, $0x38;
	[tilespmem:$0x18A00] =	vst v63  }
0x18: {  	_ =	swait.ge [sflag:s9], $0x200  }
0x19: {  	[sflag:s9] =	ssyncset.done $0x0  }
0x1a: {  	s3 =	simm.s32 $0x0;
	[sflag:s9] =	ssyncadd.s32 $0xFFFFFE00  }
.LBB2_2:
0x1b: {  	s10 =	sshra.s32 s3, $0x2  }
0x1c: {  	v32 =	vld [tilespmem:s10+$0x0];
	_ =	sdelay $0x4  }
0x1d: {  	(v2sf) =	vpush v32, $0x0;
	_ =	sdelay $0xa  }
0x1e: {  	(v2sf) =	vpush v32, $0x1;
	_ =	sdelay $0x3  }
0x1f: {  	s31 =	spop (v2sf)  }
0x20: {  	s5 =	sand.u32 $0x7F, s31  }
0x21: {  	p1 =	slt.s32 s31, $0x1;
	p0 =	sne.s32 s5, $0x0;
	s5 =	sshra.s32 s31, $0x1F  }
0x22: {  	s5 =	sshrl.u32 s5, $0x19;
	p0 =	por !p1, !p0  }
0x23: {  	s5 =	sadd.s32 s5, s31;
	p0 =	por !p0, !p0;
	s31 =	simm.s32 $0x1  }
0x24: {  	s5 =	sshrl.u32 s5, $0x7;
	s31 =	simm.s32 @!p0 $0x0  }
0x25: {  	s5 =	ssub.s32 s5, s31  }
0x26: {  	(v2sf) =	vpush v32, $0x2;
	s5 =	sshll.u32 s5, $0x7  }
0x27: {  	s5 =	sand.u32 $0x1FFFFF80, s5  }
0x28: {  	s5 =	sadd.s32 s1, s5  }
0x29: {  	[tilespmem:s13], [sflag:$0x1] =	stream.strided.gather [hbm4b:s5+s13], $0x1000, s12, s13, $0x38;
	[tilespmem:$0x18A00] =	vst v63  }
0x2a: {  	s5 =	spop (v2sf)  }
0x2b: {  	s31 =	sand.u32 $0x7F, s5  }
0x2c: {  	p6 =	slt.s32 s5, $0x1;
	p5 =	sne.s32 s31, $0x0;
	s31 =	sshra.s32 s5, $0x1F  }
0x2d: {  	s31 =	sshrl.u32 s31, $0x19;
	p0 =	por !p6, !p5  }
0x2e: {  	s5 =	sadd.s32 s31, s5;
	p0 =	por !p0, !p0;
	s31 =	simm.s32 $0x1  }
0x2f: {  	s5 =	sshrl.u32 s5, $0x7;
	s31 =	simm.s32 @!p0 $0x0  }
0x30: {  	s5 =	ssub.s32 s5, s31  }
0x31: {  	(v2sf) =	vpush v32, $0x3;
	s5 =	sshll.u32 s5, $0x7  }
0x32: {  	s5 =	sand.u32 $0x1FFFFF80, s5  }
0x33: {  	s5 =	sadd.s32 s1, s5  }
0x34: {  	[tilespmem:s14], [sflag:$0x1] =	stream.strided.gather [hbm4b:s5+s13], $0x1000, s12, s13, $0x38;
	[tilespmem:$0x18A00] =	vst v63  }
0x35: {  	s5 =	spop (v2sf)  }
0x36: {  	s31 =	sand.u32 $0x7F, s5  }
0x37: {  	p2 =	slt.s32 s5, $0x1;
	p1 =	sne.s32 s31, $0x0;
	s31 =	sshra.s32 s5, $0x1F  }
0x38: {  	s31 =	sshrl.u32 s31, $0x19;
	p0 =	por !p2, !p1  }
0x39: {  	s5 =	sadd.s32 s31, s5;
	p0 =	por !p0, !p0;
	s31 =	simm.s32 $0x1  }
0x3a: {  	s5 =	sshrl.u32 s5, $0x7;
	s31 =	simm.s32 @!p0 $0x0  }
0x3b: {  	s5 =	ssub.s32 s5, s31  }
0x3c: {  	(v2sf) =	vpush v32, $0x4;
	s5 =	sshll.u32 s5, $0x7  }
0x3d: {  	s5 =	sand.u32 $0x1FFFFF80, s5  }
0x3e: {  	s5 =	sadd.s32 s1, s5  }
0x3f: {  	[tilespmem:s15], [sflag:$0x1] =	stream.strided.gather [hbm4b:s5+s13], $0x1000, s12, s13, $0x38;
	[tilespmem:$0x18A00] =	vst v63  }
0x40: {  	s5 =	spop (v2sf)  }
0x41: {  	s31 =	sand.u32 $0x7F, s5  }
0x42: {  	p4 =	slt.s32 s5, $0x1;
	p3 =	sne.s32 s31, $0x0;
	s31 =	sshra.s32 s5, $0x1F  }
0x43: {  	s31 =	sshrl.u32 s31, $0x19;
	p0 =	por !p4, !p3  }
0x44: {  	s5 =	sadd.s32 s31, s5;
	p0 =	por !p0, !p0;
	s31 =	simm.s32 $0x1  }
0x45: {  	s5 =	sshrl.u32 s5, $0x7;
	s31 =	simm.s32 @!p0 $0x0  }
0x46: {  	s5 =	ssub.s32 s5, s31  }
0x47: {  	(v2sf) =	vpush v32, $0x5;
	s5 =	sshll.u32 s5, $0x7  }
0x48: {  	s5 =	sand.u32 $0x1FFFFF80, s5  }
0x49: {  	s5 =	sadd.s32 s1, s5  }
0x4a: {  	[tilespmem:s16], [sflag:$0x1] =	stream.strided.gather [hbm4b:s5+s13], $0x1000, s12, s13, $0x38;
	[tilespmem:$0x18A00] =	vst v63  }
0x4b: {  	s5 =	spop (v2sf)  }
0x4c: {  	s31 =	sand.u32 $0x7F, s5  }
0x4d: {  	p6 =	slt.s32 s5, $0x1;
	p5 =	sne.s32 s31, $0x0;
	s31 =	sshra.s32 s5, $0x1F  }
0x4e: {  	s31 =	sshrl.u32 s31, $0x19;
	p0 =	por !p6, !p5  }
0x4f: {  	s5 =	sadd.s32 s31, s5;
	p0 =	por !p0, !p0;
	s31 =	simm.s32 $0x1  }
0x50: {  	s5 =	sshrl.u32 s5, $0x7;
	s31 =	simm.s32 @!p0 $0x0  }
0x51: {  	s5 =	ssub.s32 s5, s31  }
0x52: {  	(v2sf) =	vpush v32, $0x6;
	s5 =	sshll.u32 s5, $0x7  }
0x53: {  	s5 =	sand.u32 $0x1FFFFF80, s5  }
0x54: {  	s5 =	sadd.s32 s1, s5  }
0x55: {  	[tilespmem:s17], [sflag:$0x1] =	stream.strided.gather [hbm4b:s5+s13], $0x1000, s12, s13, $0x38;
	[tilespmem:$0x18A00] =	vst v63  }
0x56: {  	s5 =	spop (v2sf)  }
0x57: {  	s31 =	sand.u32 $0x7F, s5  }
0x58: {  	p2 =	slt.s32 s5, $0x1;
	p1 =	sne.s32 s31, $0x0;
	s31 =	sshra.s32 s5, $0x1F  }
0x59: {  	s31 =	sshrl.u32 s31, $0x19;
	p0 =	por !p2, !p1  }
0x5a: {  	s5 =	sadd.s32 s31, s5;
	p0 =	por !p0, !p0;
	s31 =	simm.s32 $0x1  }
0x5b: {  	s5 =	sshrl.u32 s5, $0x7;
	s31 =	simm.s32 @!p0 $0x0  }
0x5c: {  	s5 =	ssub.s32 s5, s31  }
0x5d: {  	(v2sf) =	vpush v32, $0x7;
	s5 =	sshll.u32 s5, $0x7  }
0x5e: {  	s5 =	sand.u32 $0x1FFFFF80, s5  }
0x5f: {  	s5 =	sadd.s32 s1, s5  }
0x60: {  	[tilespmem:s18], [sflag:$0x1] =	stream.strided.gather [hbm4b:s5+s13], $0x1000, s12, s13, $0x38;
	[tilespmem:$0x18A00] =	vst v63  }
0x61: {  	s5 =	spop (v2sf)  }
0x62: {  	s31 =	sand.u32 $0x7F, s5  }
0x63: {  	p4 =	slt.s32 s5, $0x1;
	p3 =	sne.s32 s31, $0x0;
	s31 =	sshra.s32 s5, $0x1F  }
0x64: {  	s31 =	sshrl.u32 s31, $0x19;
	p0 =	por !p4, !p3  }
0x65: {  	s5 =	sadd.s32 s31, s5;
	p0 =	por !p0, !p0;
	s31 =	simm.s32 $0x1  }
0x66: {  	s5 =	sshrl.u32 s5, $0x7;
	s31 =	simm.s32 @!p0 $0x0  }
0x67: {  	s5 =	ssub.s32 s5, s31  }
0x68: {  	(v2sf) =	vpush v32, $0x8;
	s5 =	sshll.u32 s5, $0x7  }
0x69: {  	s5 =	sand.u32 $0x1FFFFF80, s5  }
0x6a: {  	s5 =	sadd.s32 s1, s5  }
0x6b: {  	[tilespmem:s19], [sflag:$0x1] =	stream.strided.gather [hbm4b:s5+s13], $0x1000, s12, s13, $0x38;
	[tilespmem:$0x18A00] =	vst v63  }
0x6c: {  	s5 =	spop (v2sf)  }
0x6d: {  	s31 =	sand.u32 $0x7F, s5  }
0x6e: {  	p6 =	slt.s32 s5, $0x1;
	p5 =	sne.s32 s31, $0x0;
	s31 =	sshra.s32 s5, $0x1F  }
0x6f: {  	s31 =	sshrl.u32 s31, $0x19;
	p0 =	por !p6, !p5  }
0x70: {  	s5 =	sadd.s32 s31, s5;
	p0 =	por !p0, !p0;
	s31 =	simm.s32 $0x1  }
0x71: {  	s5 =	sshrl.u32 s5, $0x7;
	s31 =	simm.s32 @!p0 $0x0  }
0x72: {  	s5 =	ssub.s32 s5, s31  }
0x73: {  	(v2sf) =	vpush v32, $0x9;
	s5 =	sshll.u32 s5, $0x7  }
0x74: {  	s5 =	sand.u32 $0x1FFFFF80, s5  }
0x75: {  	s5 =	sadd.s32 s1, s5  }
0x76: {  	[tilespmem:s20], [sflag:$0x1] =	stream.strided.gather [hbm4b:s5+s13], $0x1000, s12, s13, $0x38;
	[tilespmem:$0x18A00] =	vst v63  }
0x77: {  	s5 =	spop (v2sf)  }
0x78: {  	s31 =	sand.u32 $0x7F, s5  }
0x79: {  	p2 =	slt.s32 s5, $0x1;
	p1 =	sne.s32 s31, $0x0;
	s31 =	sshra.s32 s5, $0x1F  }
0x7a: {  	s31 =	sshrl.u32 s31, $0x19;
	p0 =	por !p2, !p1  }
0x7b: {  	s5 =	sadd.s32 s31, s5;
	p0 =	por !p0, !p0;
	s31 =	simm.s32 $0x1  }
0x7c: {  	s5 =	sshrl.u32 s5, $0x7;
	s31 =	simm.s32 @!p0 $0x0  }
0x7d: {  	s5 =	ssub.s32 s5, s31  }
0x7e: {  	(v2sf) =	vpush v32, $0xA;
	s5 =	sshll.u32 s5, $0x7  }
0x7f: {  	s5 =	sand.u32 $0x1FFFFF80, s5  }
0x80: {  	s5 =	sadd.s32 s1, s5  }
0x81: {  	[tilespmem:s21], [sflag:$0x1] =	stream.strided.gather [hbm4b:s5+s13], $0x1000, s12, s13, $0x38;
	[tilespmem:$0x18A00] =	vst v63  }
0x82: {  	s5 =	spop (v2sf)  }
0x83: {  	s31 =	sand.u32 $0x7F, s5  }
0x84: {  	p4 =	slt.s32 s5, $0x1;
	p3 =	sne.s32 s31, $0x0;
	s31 =	sshra.s32 s5, $0x1F  }
0x85: {  	s31 =	sshrl.u32 s31, $0x19;
	p0 =	por !p4, !p3  }
0x86: {  	s5 =	sadd.s32 s31, s5;
	p0 =	por !p0, !p0;
	s31 =	simm.s32 $0x1  }
0x87: {  	s5 =	sshrl.u32 s5, $0x7;
	s31 =	simm.s32 @!p0 $0x0  }
0x88: {  	s5 =	ssub.s32 s5, s31  }
0x89: {  	(v2sf) =	vpush v32, $0xB;
	s5 =	sshll.u32 s5, $0x7  }
0x8a: {  	s5 =	sand.u32 $0x1FFFFF80, s5  }
0x8b: {  	s5 =	sadd.s32 s1, s5  }
0x8c: {  	[tilespmem:s22], [sflag:$0x1] =	stream.strided.gather [hbm4b:s5+s13], $0x1000, s12, s13, $0x38;
	[tilespmem:$0x18A00] =	vst v63  }
0x8d: {  	s5 =	spop (v2sf)  }
0x8e: {  	s31 =	sand.u32 $0x7F, s5  }
0x8f: {  	p6 =	slt.s32 s5, $0x1;
	p5 =	sne.s32 s31, $0x0;
	s31 =	sshra.s32 s5, $0x1F  }
0x90: {  	s31 =	sshrl.u32 s31, $0x19;
	p0 =	por !p6, !p5  }
0x91: {  	s5 =	sadd.s32 s31, s5;
	p0 =	por !p0, !p0;
	s31 =	simm.s32 $0x1  }
0x92: {  	s5 =	sshrl.u32 s5, $0x7;
	s31 =	simm.s32 @!p0 $0x0  }
0x93: {  	s5 =	ssub.s32 s5, s31  }
0x94: {  	(v2sf) =	vpush v32, $0xC;
	s5 =	sshll.u32 s5, $0x7  }
0x95: {  	s5 =	sand.u32 $0x1FFFFF80, s5  }
0x96: {  	s5 =	sadd.s32 s1, s5  }
0x97: {  	[tilespmem:s23], [sflag:$0x1] =	stream.strided.gather [hbm4b:s5+s13], $0x1000, s12, s13, $0x38;
	[tilespmem:$0x18A00] =	vst v63  }
0x98: {  	s5 =	spop (v2sf)  }
0x99: {  	s31 =	sand.u32 $0x7F, s5  }
0x9a: {  	p2 =	slt.s32 s5, $0x1;
	p1 =	sne.s32 s31, $0x0;
	s31 =	sshra.s32 s5, $0x1F  }
0x9b: {  	s31 =	sshrl.u32 s31, $0x19;
	p0 =	por !p2, !p1  }
0x9c: {  	s5 =	sadd.s32 s31, s5;
	p0 =	por !p0, !p0;
	s31 =	simm.s32 $0x1  }
0x9d: {  	s5 =	sshrl.u32 s5, $0x7;
	s31 =	simm.s32 @!p0 $0x0  }
0x9e: {  	s5 =	ssub.s32 s5, s31  }
0x9f: {  	(v2sf) =	vpush v32, $0xD;
	s5 =	sshll.u32 s5, $0x7  }
0xa0: {  	s5 =	sand.u32 $0x1FFFFF80, s5  }
0xa1: {  	s5 =	sadd.s32 s1, s5  }
0xa2: {  	[tilespmem:s24], [sflag:$0x1] =	stream.strided.gather [hbm4b:s5+s13], $0x1000, s12, s13, $0x38;
	[tilespmem:$0x18A00] =	vst v63  }
0xa3: {  	s5 =	spop (v2sf)  }
0xa4: {  	s31 =	sand.u32 $0x7F, s5  }
0xa5: {  	p4 =	slt.s32 s5, $0x1;
	p3 =	sne.s32 s31, $0x0;
	s31 =	sshra.s32 s5, $0x1F  }
0xa6: {  	s31 =	sshrl.u32 s31, $0x19;
	p0 =	por !p4, !p3  }
0xa7: {  	s5 =	sadd.s32 s31, s5;
	p0 =	por !p0, !p0;
	s31 =	simm.s32 $0x1  }
0xa8: {  	s5 =	sshrl.u32 s5, $0x7;
	s31 =	simm.s32 @!p0 $0x0  }
0xa9: {  	s5 =	ssub.s32 s5, s31  }
0xaa: {  	(v2sf) =	vpush v32, $0xE;
	s5 =	sshll.u32 s5, $0x7  }
0xab: {  	s5 =	sand.u32 $0x1FFFFF80, s5  }
0xac: {  	s5 =	sadd.s32 s1, s5  }
0xad: {  	[tilespmem:s25], [sflag:$0x1] =	stream.strided.gather [hbm4b:s5+s13], $0x1000, s12, s13, $0x38;
	[tilespmem:$0x18A00] =	vst v63  }
0xae: {  	s5 =	spop (v2sf)  }
0xaf: {  	s31 =	sand.u32 $0x7F, s5  }
0xb0: {  	p6 =	slt.s32 s5, $0x1;
	p5 =	sne.s32 s31, $0x0;
	s31 =	sshra.s32 s5, $0x1F  }
0xb1: {  	s31 =	sshrl.u32 s31, $0x19;
	p0 =	por !p6, !p5  }
0xb2: {  	s5 =	sadd.s32 s31, s5;
	p0 =	por !p0, !p0;
	s31 =	simm.s32 $0x1  }
0xb3: {  	s5 =	sshrl.u32 s5, $0x7;
	s31 =	simm.s32 @!p0 $0x0  }
0xb4: {  	s5 =	ssub.s32 s5, s31  }
0xb5: {  	(v2sf) =	vpush v32, $0xF;
	s5 =	sshll.u32 s5, $0x7  }
0xb6: {  	s5 =	sand.u32 $0x1FFFFF80, s5  }
0xb7: {  	s5 =	sadd.s32 s1, s5  }
0xb8: {  	[tilespmem:s26], [sflag:$0x1] =	stream.strided.gather [hbm4b:s5+s13], $0x1000, s12, s13, $0x38;
	[tilespmem:$0x18A00] =	vst v63  }
0xb9: {  	s5 =	spop (v2sf)  }
0xba: {  	s31 =	sand.u32 $0x7F, s5  }
0xbb: {  	p2 =	slt.s32 s5, $0x1;
	p1 =	sne.s32 s31, $0x0;
	s31 =	sshra.s32 s5, $0x1F  }
0xbc: {  	s31 =	sshrl.u32 s31, $0x19;
	p0 =	por !p2, !p1  }
0xbd: {  	s5 =	sadd.s32 s31, s5;
	p0 =	por !p0, !p0;
	s31 =	simm.s32 $0x1  }
0xbe: {  	s5 =	sshrl.u32 s5, $0x7;
	s31 =	simm.s32 @!p0 $0x0  }
0xbf: {  	s5 =	ssub.s32 s5, s31  }
0xc0: {  	s5 =	sshll.u32 s5, $0x7  }
0xc1: {  	s5 =	sand.u32 $0x1FFFFF80, s5  }
0xc2: {  	s5 =	sadd.s32 s1, s5  }
0xc3: {  	[tilespmem:s28], [sflag:$0x1] =	stream.strided.gather [hbm4b:s5+s13], $0x1000, s12, s13, $0x38;
	[tilespmem:$0x18A00] =	vst v63  }
0xc4: {  	s5 =	spop (v2sf)  }
0xc5: {  	s31 =	sand.u32 $0x7F, s5  }
0xc6: {  	p4 =	slt.s32 s5, $0x1;
	p3 =	sne.s32 s31, $0x0;
	s31 =	sshra.s32 s5, $0x1F  }
0xc7: {  	s31 =	sshrl.u32 s31, $0x19;
	p0 =	por !p4, !p3  }
0xc8: {  	s5 =	sadd.s32 s31, s5;
	p0 =	por !p0, !p0;
	s31 =	simm.s32 $0x1  }
0xc9: {  	s5 =	sshrl.u32 s5, $0x7;
	s31 =	simm.s32 @!p0 $0x0  }
0xca: {  	s5 =	ssub.s32 s5, s31  }
0xcb: {  	s5 =	sshll.u32 s5, $0x7  }
0xcc: {  	s5 =	sand.u32 $0x1FFFFF80, s5  }
0xcd: {  	s5 =	sadd.s32 s1, s5  }
0xce: {  	[tilespmem:s29], [sflag:$0x1] =	stream.strided.gather [hbm4b:s5+s13], $0x1000, s12, s13, $0x38;
	[tilespmem:$0x18A00] =	vst v63  }
0xcf: {  	_ =	swait.ge [sflag:s11], $0x1000  }
0xd0: {  	[sflag:s11] =	ssyncset.done $0x0  }
0xd1: {  	[sflag:s11] =	ssyncadd.s32 $0xFFFFF000  }
0xd2: {  	_ =	swait.ge [sflag:s11], $0x1000  }
0xd3: {  	[sflag:s11] =	ssyncset.done $0x0  }
0xd4: {  	[sflag:s11] =	ssyncadd.s32 $0xFFFFF000  }
0xd5: {  	_ =	swait.ge [sflag:s11], $0x1000  }
0xd6: {  	[sflag:s11] =	ssyncset.done $0x0  }
0xd7: {  	[sflag:s11] =	ssyncadd.s32 $0xFFFFF000  }
0xd8: {  	_ =	swait.ge [sflag:s11], $0x1000  }
0xd9: {  	[sflag:s11] =	ssyncset.done $0x0  }
0xda: {  	[sflag:s11] =	ssyncadd.s32 $0xFFFFF000  }
0xdb: {  	_ =	swait.ge [sflag:s11], $0x1000  }
0xdc: {  	[sflag:s11] =	ssyncset.done $0x0  }
0xdd: {  	[sflag:s11] =	ssyncadd.s32 $0xFFFFF000  }
0xde: {  	_ =	swait.ge [sflag:s11], $0x1000  }
0xdf: {  	[sflag:s11] =	ssyncset.done $0x0  }
0xe0: {  	[sflag:s11] =	ssyncadd.s32 $0xFFFFF000  }
0xe1: {  	_ =	swait.ge [sflag:s11], $0x1000  }
0xe2: {  	[sflag:s11] =	ssyncset.done $0x0  }
0xe3: {  	[sflag:s11] =	ssyncadd.s32 $0xFFFFF000  }
0xe4: {  	_ =	swait.ge [sflag:s11], $0x1000  }
0xe5: {  	[sflag:s11] =	ssyncset.done $0x0  }
0xe6: {  	[sflag:s11] =	ssyncadd.s32 $0xFFFFF000  }
0xe7: {  	_ =	swait.ge [sflag:s11], $0x1000  }
0xe8: {  	[sflag:s11] =	ssyncset.done $0x0  }
0xe9: {  	[sflag:s11] =	ssyncadd.s32 $0xFFFFF000  }
0xea: {  	_ =	swait.ge [sflag:s11], $0x1000  }
0xeb: {  	[sflag:s11] =	ssyncset.done $0x0  }
0xec: {  	[sflag:s11] =	ssyncadd.s32 $0xFFFFF000  }
0xed: {  	_ =	swait.ge [sflag:s11], $0x1000  }
0xee: {  	[sflag:s11] =	ssyncset.done $0x0  }
0xef: {  	[sflag:s11] =	ssyncadd.s32 $0xFFFFF000  }
0xf0: {  	_ =	swait.ge [sflag:s11], $0x1000  }
0xf1: {  	[sflag:s11] =	ssyncset.done $0x0  }
0xf2: {  	[sflag:s11] =	ssyncadd.s32 $0xFFFFF000  }
0xf3: {  	_ =	swait.ge [sflag:s11], $0x1000  }
0xf4: {  	v33 =	vshra.s32 v32, $0x1F;
	[sflag:s11] =	ssyncset.done $0x0  }
0xf5: {  	v33 =	vshrl.u32 v33, $0x19;
	[sflag:s11] =	ssyncadd.s32 $0xFFFFF000  }
0xf6: {  	v33 =	vadd.s32 v33, v32;
	_ =	swait.ge [sflag:s11], $0x1000  }
0xf7: {  	v33 =	vshrl.u32 v33, $0x7;
	[sflag:s11] =	ssyncset.done $0x0  }
0xf8: {  	v33 =	vshll.u32 v33, $0x7;
	[sflag:s11] =	ssyncadd.s32 $0xFFFFF000  }
0xf9: {  	v32 =	vsub.s32 v32, v33;
	_ =	swait.ge [sflag:s11], $0x1000  }
0xfa: {  	v33 =	vadd.s32 v0, v32;
	[sflag:s11] =	ssyncset.done $0x0  }
0xfb: {  	[sflag:s11] =	ssyncadd.s32 $0xFFFFF000  }
0xfc: {  	_ =	swait.ge [sflag:s11], $0x1000  }
0xfd: {  	[sflag:s11] =	ssyncset.done $0x0  }
0xfe: {  	[sflag:s11] =	ssyncadd.s32 $0xFFFFF000  }
0xff: {  	v33 =	vld.idx.msk [tilespmem:v33+s13+$0x0], $0xffff  }
0x100: {  	v34 =	vadd.s32 v1, v32;
	_ =	sdelay $0x3  }
0x101: {  	[tilespmem:$0x18400] =	vst v33  }
0x102: {  	v33 =	vld.idx.msk [tilespmem:v34+s13+$0x0], $0xffff  }
0x103: {  	v59 =	vadd.s32 v2, v32;
	_ =	sdelay $0x3  }
0x104: {  	[tilespmem:$0x18410] =	vst v33  }
0x105: {  	v33 =	vld.idx.msk [tilespmem:v59+s13+$0x0], $0xffff  }
0x106: {  	v60 =	vadd.s32 v3, v32;
	_ =	sdelay $0x3  }
0x107: {  	[tilespmem:$0x18420] =	vst v33  }
0x108: {  	v33 =	vld.idx.msk [tilespmem:v60+s13+$0x0], $0xffff  }
0x109: {  	v61 =	vadd.s32 v4, v32;
	_ =	sdelay $0x3  }
0x10a: {  	[tilespmem:$0x18430] =	vst v33  }
0x10b: {  	v33 =	vld.idx.msk [tilespmem:v61+s13+$0x0], $0xffff  }
0x10c: {  	v62 =	vadd.s32 v5, v32;
	_ =	sdelay $0x3  }
0x10d: {  	[tilespmem:$0x18440] =	vst v33  }
0x10e: {  	v33 =	vld.idx.msk [tilespmem:v62+s13+$0x0], $0xffff  }
0x10f: {  	v63 =	vadd.s32 v6, v32;
	_ =	sdelay $0x3  }
0x110: {  	[tilespmem:$0x18450] =	vst v33  }
0x111: {  	v33 =	vld.idx.msk [tilespmem:v63+s13+$0x0], $0xffff  }
0x112: {  	v36 =	vadd.s32 v7, v32;
	_ =	sdelay $0x3  }
0x113: {  	[tilespmem:$0x18460] =	vst v33  }
0x114: {  	v33 =	vld.idx.msk [tilespmem:v36+s13+$0x0], $0xffff  }
0x115: {  	v37 =	vadd.s32 v8, v32;
	_ =	sdelay $0x3  }
0x116: {  	[tilespmem:$0x18470] =	vst v33  }
0x117: {  	v33 =	vld.idx.msk [tilespmem:v37+s13+$0x0], $0xffff  }
0x118: {  	v38 =	vadd.s32 v9, v32;
	_ =	sdelay $0x3  }
0x119: {  	[tilespmem:$0x18480] =	vst v33  }
0x11a: {  	v33 =	vld.idx.msk [tilespmem:v38+s13+$0x0], $0xffff  }
0x11b: {  	v39 =	vadd.s32 v10, v32;
	_ =	sdelay $0x3  }
0x11c: {  	[tilespmem:$0x18490] =	vst v33  }
0x11d: {  	v33 =	vld.idx.msk [tilespmem:v39+s13+$0x0], $0xffff  }
0x11e: {  	v40 =	vadd.s32 v11, v32;
	_ =	sdelay $0x3  }
0x11f: {  	[tilespmem:$0x184A0] =	vst v33  }
0x120: {  	v33 =	vld.idx.msk [tilespmem:v40+s13+$0x0], $0xffff  }
0x121: {  	v41 =	vadd.s32 v12, v32;
	_ =	sdelay $0x3  }
0x122: {  	[tilespmem:$0x184B0] =	vst v33  }
0x123: {  	v33 =	vld.idx.msk [tilespmem:v41+s13+$0x0], $0xffff  }
0x124: {  	v42 =	vadd.s32 v13, v32;
	_ =	sdelay $0x3  }
0x125: {  	[tilespmem:$0x184C0] =	vst v33  }
0x126: {  	v33 =	vld.idx.msk [tilespmem:v42+s13+$0x0], $0xffff  }
0x127: {  	v43 =	vadd.s32 v14, v32;
	_ =	sdelay $0x3  }
0x128: {  	[tilespmem:$0x184D0] =	vst v33  }
0x129: {  	v33 =	vld.idx.msk [tilespmem:v43+s13+$0x0], $0xffff  }
0x12a: {  	v44 =	vadd.s32 v15, v32;
	_ =	sdelay $0x3  }
0x12b: {  	[tilespmem:$0x184E0] =	vst v33  }
0x12c: {  	v33 =	vld.idx.msk [tilespmem:v44+s13+$0x0], $0xffff  }
0x12d: {  	v45 =	vadd.s32 v16, v32;
	_ =	sdelay $0x3  }
0x12e: {  	[tilespmem:$0x184F0] =	vst v33  }
0x12f: {  	v33 =	vld.idx.msk [tilespmem:v45+s13+$0x0], $0xffff  }
0x130: {  	v46 =	vadd.s32 v17, v32;
	_ =	sdelay $0x3  }
0x131: {  	[tilespmem:$0x18500] =	vst v33  }
0x132: {  	v33 =	vld.idx.msk [tilespmem:v46+s13+$0x0], $0xffff  }
0x133: {  	v47 =	vadd.s32 v18, v32;
	_ =	sdelay $0x3  }
0x134: {  	[tilespmem:$0x18510] =	vst v33  }
0x135: {  	v33 =	vld.idx.msk [tilespmem:v47+s13+$0x0], $0xffff  }
0x136: {  	v48 =	vadd.s32 v19, v32;
	_ =	sdelay $0x3  }
0x137: {  	[tilespmem:$0x18520] =	vst v33  }
0x138: {  	v33 =	vld.idx.msk [tilespmem:v48+s13+$0x0], $0xffff  }
0x139: {  	v49 =	vadd.s32 v20, v32;
	_ =	sdelay $0x3  }
0x13a: {  	[tilespmem:$0x18530] =	vst v33  }
0x13b: {  	v33 =	vld.idx.msk [tilespmem:v49+s13+$0x0], $0xffff  }
0x13c: {  	v50 =	vadd.s32 v21, v32;
	_ =	sdelay $0x3  }
0x13d: {  	[tilespmem:$0x18540] =	vst v33  }
0x13e: {  	v33 =	vld.idx.msk [tilespmem:v50+s13+$0x0], $0xffff  }
0x13f: {  	v51 =	vadd.s32 v22, v32;
	_ =	sdelay $0x3  }
0x140: {  	[tilespmem:$0x18550] =	vst v33  }
0x141: {  	v33 =	vld.idx.msk [tilespmem:v51+s13+$0x0], $0xffff  }
0x142: {  	v52 =	vadd.s32 v23, v32;
	_ =	sdelay $0x3  }
0x143: {  	[tilespmem:$0x18560] =	vst v33  }
0x144: {  	v33 =	vld.idx.msk [tilespmem:v52+s13+$0x0], $0xffff  }
0x145: {  	v53 =	vadd.s32 v24, v32;
	_ =	sdelay $0x3  }
0x146: {  	[tilespmem:$0x18570] =	vst v33  }
0x147: {  	v33 =	vld.idx.msk [tilespmem:v53+s13+$0x0], $0xffff  }
0x148: {  	v54 =	vadd.s32 v25, v32;
	_ =	sdelay $0x3  }
0x149: {  	[tilespmem:$0x18580] =	vst v33  }
0x14a: {  	v33 =	vld.idx.msk [tilespmem:v54+s13+$0x0], $0xffff  }
0x14b: {  	v55 =	vadd.s32 v26, v32;
	_ =	sdelay $0x3  }
0x14c: {  	[tilespmem:$0x18590] =	vst v33  }
0x14d: {  	v33 =	vld.idx.msk [tilespmem:v55+s13+$0x0], $0xffff  }
0x14e: {  	v56 =	vadd.s32 v27, v32;
	_ =	sdelay $0x3  }
0x14f: {  	[tilespmem:$0x185A0] =	vst v33  }
0x150: {  	v33 =	vld.idx.msk [tilespmem:v56+s13+$0x0], $0xffff  }
0x151: {  	v57 =	vadd.s32 v28, v32;
	_ =	sdelay $0x3  }
0x152: {  	[tilespmem:$0x185B0] =	vst v33  }
0x153: {  	v33 =	vld.idx.msk [tilespmem:v57+s13+$0x0], $0xffff  }
0x154: {  	v58 =	vadd.s32 v29, v32;
	_ =	sdelay $0x3  }
0x155: {  	[tilespmem:$0x185C0] =	vst v33  }
0x156: {  	v33 =	vld.idx.msk [tilespmem:v58+s13+$0x0], $0xffff  }
0x157: {  	v59 =	vadd.s32 v30, v32;
	_ =	sdelay $0x3  }
0x158: {  	[tilespmem:$0x185D0] =	vst v33  }
0x159: {  	v33 =	vld.idx.msk [tilespmem:v59+s13+$0x0], $0xffff  }
0x15a: {  	v32 =	vadd.s32 v31, v32;
	_ =	sdelay $0x3  }
0x15b: {  	[tilespmem:$0x185E0] =	vst v33  }
0x15c: {  	v32 =	vld.idx.msk [tilespmem:v32+s13+$0x0], $0xffff;
	_ =	sdelay $0x4  }
0x15d: {  	[tilespmem:$0x185F0] =	vst v32  }
0x15e: {  	v32 =	vld [tilespmem:s10+$0x200];
	_ =	sdelay $0x4  }
0x15f: {  	(v2sf) =	vpush v32, $0x0;
	_ =	sdelay $0xa  }
0x160: {  	(v2sf) =	vpush v32, $0x1;
	_ =	sdelay $0x3  }
0x161: {  	s5 =	spop (v2sf)  }
0x162: {  	s31 =	sand.u32 $0x7F, s5  }
0x163: {  	p6 =	slt.s32 s5, $0x1;
	p5 =	sne.s32 s31, $0x0;
	s31 =	sshra.s32 s5, $0x1F  }
0x164: {  	s31 =	sshrl.u32 s31, $0x19;
	p0 =	por !p6, !p5  }
0x165: {  	s5 =	sadd.s32 s31, s5;
	p0 =	por !p0, !p0;
	s31 =	simm.s32 $0x1  }
0x166: {  	s5 =	sshrl.u32 s5, $0x7;
	s31 =	simm.s32 @!p0 $0x0  }
0x167: {  	s5 =	ssub.s32 s5, s31  }
0x168: {  	(v2sf) =	vpush v32, $0x2;
	s5 =	sshll.u32 s5, $0x7  }
0x169: {  	s5 =	sand.u32 $0x1FFFFF80, s5  }
0x16a: {  	s5 =	sadd.s32 s2, s5  }
0x16b: {  	[tilespmem:s13], [sflag:$0x2] =	stream.strided.gather [hbm4b:s5+s13], $0x1000, s12, s13, $0x38;
	[tilespmem:$0x18A00] =	vst v63  }
0x16c: {  	s5 =	spop (v2sf)  }
0x16d: {  	s31 =	sand.u32 $0x7F, s5  }
0x16e: {  	p2 =	slt.s32 s5, $0x1;
	p1 =	sne.s32 s31, $0x0;
	s31 =	sshra.s32 s5, $0x1F  }
0x16f: {  	s31 =	sshrl.u32 s31, $0x19;
	p0 =	por !p2, !p1  }
0x170: {  	s5 =	sadd.s32 s31, s5;
	p0 =	por !p0, !p0;
	s31 =	simm.s32 $0x1  }
0x171: {  	s5 =	sshrl.u32 s5, $0x7;
	s31 =	simm.s32 @!p0 $0x0  }
0x172: {  	s5 =	ssub.s32 s5, s31  }
0x173: {  	(v2sf) =	vpush v32, $0x3;
	s5 =	sshll.u32 s5, $0x7  }
0x174: {  	s5 =	sand.u32 $0x1FFFFF80, s5  }
0x175: {  	s5 =	sadd.s32 s2, s5  }
0x176: {  	[tilespmem:s14], [sflag:$0x2] =	stream.strided.gather [hbm4b:s5+s13], $0x1000, s12, s13, $0x38;
	[tilespmem:$0x18A00] =	vst v63  }
0x177: {  	s5 =	spop (v2sf)  }
0x178: {  	s31 =	sand.u32 $0x7F, s5  }
0x179: {  	p4 =	slt.s32 s5, $0x1;
	p3 =	sne.s32 s31, $0x0;
	s31 =	sshra.s32 s5, $0x1F  }
0x17a: {  	s31 =	sshrl.u32 s31, $0x19;
	p0 =	por !p4, !p3  }
0x17b: {  	s5 =	sadd.s32 s31, s5;
	p0 =	por !p0, !p0;
	s31 =	simm.s32 $0x1  }
0x17c: {  	s5 =	sshrl.u32 s5, $0x7;
	s31 =	simm.s32 @!p0 $0x0  }
0x17d: {  	s5 =	ssub.s32 s5, s31  }
0x17e: {  	(v2sf) =	vpush v32, $0x4;
	s5 =	sshll.u32 s5, $0x7  }
0x17f: {  	s5 =	sand.u32 $0x1FFFFF80, s5  }
0x180: {  	s5 =	sadd.s32 s2, s5  }
0x181: {  	[tilespmem:s15], [sflag:$0x2] =	stream.strided.gather [hbm4b:s5+s13], $0x1000, s12, s13, $0x38;
	[tilespmem:$0x18A00] =	vst v63  }
0x182: {  	s5 =	spop (v2sf)  }
0x183: {  	s31 =	sand.u32 $0x7F, s5  }
0x184: {  	p6 =	slt.s32 s5, $0x1;
	p5 =	sne.s32 s31, $0x0;
	s31 =	sshra.s32 s5, $0x1F  }
0x185: {  	s31 =	sshrl.u32 s31, $0x19;
	p0 =	por !p6, !p5  }
0x186: {  	s5 =	sadd.s32 s31, s5;
	p0 =	por !p0, !p0;
	s31 =	simm.s32 $0x1  }
0x187: {  	s5 =	sshrl.u32 s5, $0x7;
	s31 =	simm.s32 @!p0 $0x0  }
0x188: {  	s5 =	ssub.s32 s5, s31  }
0x189: {  	(v2sf) =	vpush v32, $0x5;
	s5 =	sshll.u32 s5, $0x7  }
0x18a: {  	s5 =	sand.u32 $0x1FFFFF80, s5  }
0x18b: {  	s5 =	sadd.s32 s2, s5  }
0x18c: {  	[tilespmem:s16], [sflag:$0x2] =	stream.strided.gather [hbm4b:s5+s13], $0x1000, s12, s13, $0x38;
	[tilespmem:$0x18A00] =	vst v63  }
0x18d: {  	s5 =	spop (v2sf)  }
0x18e: {  	s31 =	sand.u32 $0x7F, s5  }
0x18f: {  	p2 =	slt.s32 s5, $0x1;
	p1 =	sne.s32 s31, $0x0;
	s31 =	sshra.s32 s5, $0x1F  }
0x190: {  	s31 =	sshrl.u32 s31, $0x19;
	p0 =	por !p2, !p1  }
0x191: {  	s5 =	sadd.s32 s31, s5;
	p0 =	por !p0, !p0;
	s31 =	simm.s32 $0x1  }
0x192: {  	s5 =	sshrl.u32 s5, $0x7;
	s31 =	simm.s32 @!p0 $0x0  }
0x193: {  	s5 =	ssub.s32 s5, s31  }
0x194: {  	(v2sf) =	vpush v32, $0x6;
	s5 =	sshll.u32 s5, $0x7  }
0x195: {  	s5 =	sand.u32 $0x1FFFFF80, s5  }
0x196: {  	s5 =	sadd.s32 s2, s5  }
0x197: {  	[tilespmem:s17], [sflag:$0x2] =	stream.strided.gather [hbm4b:s5+s13], $0x1000, s12, s13, $0x38;
	[tilespmem:$0x18A00] =	vst v63  }
0x198: {  	s5 =	spop (v2sf)  }
0x199: {  	s31 =	sand.u32 $0x7F, s5  }
0x19a: {  	p4 =	slt.s32 s5, $0x1;
	p3 =	sne.s32 s31, $0x0;
	s31 =	sshra.s32 s5, $0x1F  }
0x19b: {  	s31 =	sshrl.u32 s31, $0x19;
	p0 =	por !p4, !p3  }
0x19c: {  	s5 =	sadd.s32 s31, s5;
	p0 =	por !p0, !p0;
	s31 =	simm.s32 $0x1  }
0x19d: {  	s5 =	sshrl.u32 s5, $0x7;
	s31 =	simm.s32 @!p0 $0x0  }
0x19e: {  	s5 =	ssub.s32 s5, s31  }
0x19f: {  	(v2sf) =	vpush v32, $0x7;
	s5 =	sshll.u32 s5, $0x7  }
0x1a0: {  	s5 =	sand.u32 $0x1FFFFF80, s5  }
0x1a1: {  	s5 =	sadd.s32 s2, s5  }
0x1a2: {  	[tilespmem:s18], [sflag:$0x2] =	stream.strided.gather [hbm4b:s5+s13], $0x1000, s12, s13, $0x38;
	[tilespmem:$0x18A00] =	vst v63  }
0x1a3: {  	s5 =	spop (v2sf)  }
0x1a4: {  	s31 =	sand.u32 $0x7F, s5  }
0x1a5: {  	p6 =	slt.s32 s5, $0x1;
	p5 =	sne.s32 s31, $0x0;
	s31 =	sshra.s32 s5, $0x1F  }
0x1a6: {  	s31 =	sshrl.u32 s31, $0x19;
	p0 =	por !p6, !p5  }
0x1a7: {  	s5 =	sadd.s32 s31, s5;
	p0 =	por !p0, !p0;
	s31 =	simm.s32 $0x1  }
0x1a8: {  	s5 =	sshrl.u32 s5, $0x7;
	s31 =	simm.s32 @!p0 $0x0  }
0x1a9: {  	s5 =	ssub.s32 s5, s31  }
0x1aa: {  	(v2sf) =	vpush v32, $0x8;
	s5 =	sshll.u32 s5, $0x7  }
0x1ab: {  	s5 =	sand.u32 $0x1FFFFF80, s5  }
0x1ac: {  	s5 =	sadd.s32 s2, s5  }
0x1ad: {  	[tilespmem:s19], [sflag:$0x2] =	stream.strided.gather [hbm4b:s5+s13], $0x1000, s12, s13, $0x38;
	[tilespmem:$0x18A00] =	vst v63  }
0x1ae: {  	s5 =	spop (v2sf)  }
0x1af: {  	s31 =	sand.u32 $0x7F, s5  }
0x1b0: {  	p2 =	slt.s32 s5, $0x1;
	p1 =	sne.s32 s31, $0x0;
	s31 =	sshra.s32 s5, $0x1F  }
0x1b1: {  	s31 =	sshrl.u32 s31, $0x19;
	p0 =	por !p2, !p1  }
0x1b2: {  	s5 =	sadd.s32 s31, s5;
	p0 =	por !p0, !p0;
	s31 =	simm.s32 $0x1  }
0x1b3: {  	s5 =	sshrl.u32 s5, $0x7;
	s31 =	simm.s32 @!p0 $0x0  }
0x1b4: {  	s5 =	ssub.s32 s5, s31  }
0x1b5: {  	(v2sf) =	vpush v32, $0x9;
	s5 =	sshll.u32 s5, $0x7  }
0x1b6: {  	s5 =	sand.u32 $0x1FFFFF80, s5  }
0x1b7: {  	s5 =	sadd.s32 s2, s5  }
0x1b8: {  	[tilespmem:s20], [sflag:$0x2] =	stream.strided.gather [hbm4b:s5+s13], $0x1000, s12, s13, $0x38;
	[tilespmem:$0x18A00] =	vst v63  }
0x1b9: {  	s5 =	spop (v2sf)  }
0x1ba: {  	s31 =	sand.u32 $0x7F, s5  }
0x1bb: {  	p4 =	slt.s32 s5, $0x1;
	p3 =	sne.s32 s31, $0x0;
	s31 =	sshra.s32 s5, $0x1F  }
0x1bc: {  	s31 =	sshrl.u32 s31, $0x19;
	p0 =	por !p4, !p3  }
0x1bd: {  	s5 =	sadd.s32 s31, s5;
	p0 =	por !p0, !p0;
	s31 =	simm.s32 $0x1  }
0x1be: {  	s5 =	sshrl.u32 s5, $0x7;
	s31 =	simm.s32 @!p0 $0x0  }
0x1bf: {  	s5 =	ssub.s32 s5, s31  }
0x1c0: {  	(v2sf) =	vpush v32, $0xA;
	s5 =	sshll.u32 s5, $0x7  }
0x1c1: {  	s5 =	sand.u32 $0x1FFFFF80, s5  }
0x1c2: {  	s5 =	sadd.s32 s2, s5  }
0x1c3: {  	[tilespmem:s21], [sflag:$0x2] =	stream.strided.gather [hbm4b:s5+s13], $0x1000, s12, s13, $0x38;
	[tilespmem:$0x18A00] =	vst v63  }
0x1c4: {  	s5 =	spop (v2sf)  }
0x1c5: {  	s31 =	sand.u32 $0x7F, s5  }
0x1c6: {  	p6 =	slt.s32 s5, $0x1;
	p5 =	sne.s32 s31, $0x0;
	s31 =	sshra.s32 s5, $0x1F  }
0x1c7: {  	s31 =	sshrl.u32 s31, $0x19;
	p0 =	por !p6, !p5  }
0x1c8: {  	s5 =	sadd.s32 s31, s5;
	p0 =	por !p0, !p0;
	s31 =	simm.s32 $0x1  }
0x1c9: {  	s5 =	sshrl.u32 s5, $0x7;
	s31 =	simm.s32 @!p0 $0x0  }
0x1ca: {  	s5 =	ssub.s32 s5, s31  }
0x1cb: {  	(v2sf) =	vpush v32, $0xB;
	s5 =	sshll.u32 s5, $0x7  }
0x1cc: {  	s5 =	sand.u32 $0x1FFFFF80, s5  }
0x1cd: {  	s5 =	sadd.s32 s2, s5  }
0x1ce: {  	[tilespmem:s22], [sflag:$0x2] =	stream.strided.gather [hbm4b:s5+s13], $0x1000, s12, s13, $0x38;
	[tilespmem:$0x18A00] =	vst v63  }
0x1cf: {  	s5 =	spop (v2sf)  }
0x1d0: {  	s31 =	sand.u32 $0x7F, s5  }
0x1d1: {  	p2 =	slt.s32 s5, $0x1;
	p1 =	sne.s32 s31, $0x0;
	s31 =	sshra.s32 s5, $0x1F  }
0x1d2: {  	s31 =	sshrl.u32 s31, $0x19;
	p0 =	por !p2, !p1  }
0x1d3: {  	s5 =	sadd.s32 s31, s5;
	p0 =	por !p0, !p0;
	s31 =	simm.s32 $0x1  }
0x1d4: {  	s5 =	sshrl.u32 s5, $0x7;
	s31 =	simm.s32 @!p0 $0x0  }
0x1d5: {  	s5 =	ssub.s32 s5, s31  }
0x1d6: {  	(v2sf) =	vpush v32, $0xC;
	s5 =	sshll.u32 s5, $0x7  }
0x1d7: {  	s5 =	sand.u32 $0x1FFFFF80, s5  }
0x1d8: {  	s5 =	sadd.s32 s2, s5  }
0x1d9: {  	[tilespmem:s23], [sflag:$0x2] =	stream.strided.gather [hbm4b:s5+s13], $0x1000, s12, s13, $0x38;
	[tilespmem:$0x18A00] =	vst v63  }
0x1da: {  	s5 =	spop (v2sf)  }
0x1db: {  	s31 =	sand.u32 $0x7F, s5  }
0x1dc: {  	p4 =	slt.s32 s5, $0x1;
	p3 =	sne.s32 s31, $0x0;
	s31 =	sshra.s32 s5, $0x1F  }
0x1dd: {  	s31 =	sshrl.u32 s31, $0x19;
	p0 =	por !p4, !p3  }
0x1de: {  	s5 =	sadd.s32 s31, s5;
	p0 =	por !p0, !p0;
	s31 =	simm.s32 $0x1  }
0x1df: {  	s5 =	sshrl.u32 s5, $0x7;
	s31 =	simm.s32 @!p0 $0x0  }
0x1e0: {  	s5 =	ssub.s32 s5, s31  }
0x1e1: {  	(v2sf) =	vpush v32, $0xD;
	s5 =	sshll.u32 s5, $0x7  }
0x1e2: {  	s5 =	sand.u32 $0x1FFFFF80, s5  }
0x1e3: {  	s5 =	sadd.s32 s2, s5  }
0x1e4: {  	[tilespmem:s24], [sflag:$0x2] =	stream.strided.gather [hbm4b:s5+s13], $0x1000, s12, s13, $0x38;
	[tilespmem:$0x18A00] =	vst v63  }
0x1e5: {  	s5 =	spop (v2sf)  }
0x1e6: {  	s31 =	sand.u32 $0x7F, s5  }
0x1e7: {  	p6 =	slt.s32 s5, $0x1;
	p5 =	sne.s32 s31, $0x0;
	s31 =	sshra.s32 s5, $0x1F  }
0x1e8: {  	s31 =	sshrl.u32 s31, $0x19;
	p0 =	por !p6, !p5  }
0x1e9: {  	s5 =	sadd.s32 s31, s5;
	p0 =	por !p0, !p0;
	s31 =	simm.s32 $0x1  }
0x1ea: {  	(v2sf) =	vpush v32, $0xE;
	s5 =	sshrl.u32 s5, $0x7;
	s31 =	simm.s32 @!p0 $0x0  }
0x1eb: {  	s5 =	ssub.s32 s5, s31  }
0x1ec: {  	s5 =	sshll.u32 s5, $0x7  }
0x1ed: {  	s5 =	sand.u32 $0x1FFFFF80, s5  }
0x1ee: {  	s5 =	sadd.s32 s2, s5  }
0x1ef: {  	[tilespmem:s25], [sflag:$0x2] =	stream.strided.gather [hbm4b:s5+s13], $0x1000, s12, s13, $0x38;
	[tilespmem:$0x18A00] =	vst v63  }
0x1f0: {  	s5 =	spop (v2sf)  }
0x1f1: {  	s31 =	sand.u32 $0x7F, s5  }
0x1f2: {  	p2 =	slt.s32 s5, $0x1;
	p1 =	sne.s32 s31, $0x0;
	s31 =	sshra.s32 s5, $0x1F  }
0x1f3: {  	s31 =	sshrl.u32 s31, $0x19;
	p0 =	por !p2, !p1  }
0x1f4: {  	s5 =	sadd.s32 s31, s5;
	p0 =	por !p0, !p0;
	s31 =	simm.s32 $0x1  }
0x1f5: {  	s5 =	sshrl.u32 s5, $0x7;
	s31 =	simm.s32 @!p0 $0x0  }
0x1f6: {  	(v2sf) =	vpush v32, $0xF;
	s5 =	ssub.s32 s5, s31  }
0x1f7: {  	s5 =	sshll.u32 s5, $0x7  }
0x1f8: {  	s5 =	sand.u32 $0x1FFFFF80, s5  }
0x1f9: {  	s31 =	spop (v2sf);
	s5 =	sadd.s32 s2, s5  }
0x1fa: {  	[tilespmem:s26], [sflag:$0x2] =	stream.strided.gather [hbm4b:s5+s13], $0x1000, s12, s13, $0x38;
	[tilespmem:$0x18A00] =	vst v63  }
0x1fb: {  	s5 =	sand.u32 $0x7F, s31  }
0x1fc: {  	p4 =	slt.s32 s31, $0x1;
	p3 =	sne.s32 s5, $0x0;
	s5 =	sshra.s32 s31, $0x1F  }
0x1fd: {  	s5 =	sshrl.u32 s5, $0x19;
	p0 =	por !p4, !p3  }
0x1fe: {  	s5 =	sadd.s32 s5, s31;
	p0 =	por !p0, !p0;
	s31 =	simm.s32 $0x1  }
0x1ff: {  	s5 =	sshrl.u32 s5, $0x7;
	s31 =	simm.s32 @!p0 $0x0  }
0x200: {  	s5 =	ssub.s32 s5, s31  }
0x201: {  	s5 =	sshll.u32 s5, $0x7  }
0x202: {  	s5 =	sand.u32 $0x1FFFFF80, s5  }
0x203: {  	s5 =	sadd.s32 s2, s5  }
0x204: {  	[tilespmem:s28], [sflag:$0x2] =	stream.strided.gather [hbm4b:s5+s13], $0x1000, s12, s13, $0x38;
	[tilespmem:$0x18A00] =	vst v63  }
0x205: {  	s5 =	spop (v2sf)  }
0x206: {  	s31 =	sand.u32 $0x7F, s5  }
0x207: {  	p6 =	slt.s32 s5, $0x1;
	p5 =	sne.s32 s31, $0x0;
	s31 =	sshra.s32 s5, $0x1F  }
0x208: {  	s31 =	sshrl.u32 s31, $0x19;
	p0 =	por !p6, !p5  }
0x209: {  	s5 =	sadd.s32 s31, s5;
	p0 =	por !p0, !p0;
	s31 =	simm.s32 $0x1  }
0x20a: {  	s5 =	sshrl.u32 s5, $0x7;
	s31 =	simm.s32 @!p0 $0x0  }
0x20b: {  	s5 =	ssub.s32 s5, s31  }
0x20c: {  	s5 =	sshll.u32 s5, $0x7  }
0x20d: {  	s5 =	sand.u32 $0x1FFFFF80, s5  }
0x20e: {  	s5 =	sadd.s32 s2, s5  }
0x20f: {  	[tilespmem:s29], [sflag:$0x2] =	stream.strided.gather [hbm4b:s5+s13], $0x1000, s12, s13, $0x38;
	[tilespmem:$0x18A00] =	vst v63  }
0x210: {  	_ =	swait.ge [sflag:s30], $0x1000  }
0x211: {  	[sflag:s30] =	ssyncset.done $0x0  }
0x212: {  	[sflag:s30] =	ssyncadd.s32 $0xFFFFF000  }
0x213: {  	_ =	swait.ge [sflag:s30], $0x1000  }
0x214: {  	[sflag:s30] =	ssyncset.done $0x0  }
0x215: {  	[sflag:s30] =	ssyncadd.s32 $0xFFFFF000  }
0x216: {  	_ =	swait.ge [sflag:s30], $0x1000  }
0x217: {  	[sflag:s30] =	ssyncset.done $0x0  }
0x218: {  	[sflag:s30] =	ssyncadd.s32 $0xFFFFF000  }
0x219: {  	_ =	swait.ge [sflag:s30], $0x1000  }
0x21a: {  	[sflag:s30] =	ssyncset.done $0x0  }
0x21b: {  	[sflag:s30] =	ssyncadd.s32 $0xFFFFF000  }
0x21c: {  	_ =	swait.ge [sflag:s30], $0x1000  }
0x21d: {  	[sflag:s30] =	ssyncset.done $0x0  }
0x21e: {  	[sflag:s30] =	ssyncadd.s32 $0xFFFFF000  }
0x21f: {  	_ =	swait.ge [sflag:s30], $0x1000  }
0x220: {  	[sflag:s30] =	ssyncset.done $0x0  }
0x221: {  	[sflag:s30] =	ssyncadd.s32 $0xFFFFF000  }
0x222: {  	_ =	swait.ge [sflag:s30], $0x1000  }
0x223: {  	[sflag:s30] =	ssyncset.done $0x0  }
0x224: {  	[sflag:s30] =	ssyncadd.s32 $0xFFFFF000  }
0x225: {  	_ =	swait.ge [sflag:s30], $0x1000  }
0x226: {  	[sflag:s30] =	ssyncset.done $0x0  }
0x227: {  	[sflag:s30] =	ssyncadd.s32 $0xFFFFF000  }
0x228: {  	_ =	swait.ge [sflag:s30], $0x1000  }
0x229: {  	[sflag:s30] =	ssyncset.done $0x0  }
0x22a: {  	[sflag:s30] =	ssyncadd.s32 $0xFFFFF000  }
0x22b: {  	_ =	swait.ge [sflag:s30], $0x1000  }
0x22c: {  	[sflag:s30] =	ssyncset.done $0x0  }
0x22d: {  	[sflag:s30] =	ssyncadd.s32 $0xFFFFF000  }
0x22e: {  	_ =	swait.ge [sflag:s30], $0x1000  }
0x22f: {  	[sflag:s30] =	ssyncset.done $0x0  }
0x230: {  	[sflag:s30] =	ssyncadd.s32 $0xFFFFF000  }
0x231: {  	_ =	swait.ge [sflag:s30], $0x1000  }
0x232: {  	[sflag:s30] =	ssyncset.done $0x0  }
0x233: {  	[sflag:s30] =	ssyncadd.s32 $0xFFFFF000  }
0x234: {  	_ =	swait.ge [sflag:s30], $0x1000  }
0x235: {  	v60 =	vshra.s32 v32, $0x1F;
	[sflag:s30] =	ssyncset.done $0x0  }
0x236: {  	v33 =	vshrl.u32 v60, $0x19;
	[sflag:s30] =	ssyncadd.s32 $0xFFFFF000  }
0x237: {  	v33 =	vadd.s32 v33, v32;
	_ =	swait.ge [sflag:s30], $0x1000  }
0x238: {  	v33 =	vshrl.u32 v33, $0x7;
	[sflag:s30] =	ssyncset.done $0x0  }
0x239: {  	v33 =	vshll.u32 v33, $0x7;
	[sflag:s30] =	ssyncadd.s32 $0xFFFFF000  }
0x23a: {  	v32 =	vsub.s32 v32, v33;
	_ =	swait.ge [sflag:s30], $0x1000  }
0x23b: {  	v33 =	vadd.s32 v0, v32;
	[sflag:s30] =	ssyncset.done $0x0  }
0x23c: {  	[sflag:s30] =	ssyncadd.s32 $0xFFFFF000  }
0x23d: {  	_ =	swait.ge [sflag:s30], $0x1000  }
0x23e: {  	[sflag:s30] =	ssyncset.done $0x0  }
0x23f: {  	[sflag:s30] =	ssyncadd.s32 $0xFFFFF000  }
0x240: {  	v33 =	vld.idx.msk [tilespmem:v33+s13+$0x0], $0xffff  }
0x241: {  	v61 =	vadd.s32 v1, v32;
	_ =	sdelay $0x3  }
0x242: {  	[tilespmem:$0x18600] =	vst v33  }
0x243: {  	v34 =	vld.idx.msk [tilespmem:v61+s13+$0x0], $0xffff  }
0x244: {  	v35 =	vadd.s32 v2, v32;
	_ =	sdelay $0x3  }
0x245: {  	[tilespmem:$0x18610] =	vst v34  }
0x246: {  	v35 =	vld.idx.msk [tilespmem:v35+s13+$0x0], $0xffff  }
0x247: {  	v36 =	vadd.s32 v3, v32;
	_ =	sdelay $0x3  }
0x248: {  	[tilespmem:$0x18620] =	vst v35  }
0x249: {  	v36 =	vld.idx.msk [tilespmem:v36+s13+$0x0], $0xffff  }
0x24a: {  	v37 =	vadd.s32 v4, v32;
	_ =	sdelay $0x3  }
0x24b: {  	[tilespmem:$0x18630] =	vst v36  }
0x24c: {  	v37 =	vld.idx.msk [tilespmem:v37+s13+$0x0], $0xffff  }
0x24d: {  	v38 =	vadd.s32 v5, v32;
	_ =	sdelay $0x3  }
0x24e: {  	[tilespmem:$0x18640] =	vst v37  }
0x24f: {  	v38 =	vld.idx.msk [tilespmem:v38+s13+$0x0], $0xffff  }
0x250: {  	v39 =	vadd.s32 v6, v32;
	_ =	sdelay $0x3  }
0x251: {  	[tilespmem:$0x18650] =	vst v38  }
0x252: {  	v39 =	vld.idx.msk [tilespmem:v39+s13+$0x0], $0xffff  }
0x253: {  	v40 =	vadd.s32 v7, v32;
	_ =	sdelay $0x3  }
0x254: {  	[tilespmem:$0x18660] =	vst v39  }
0x255: {  	v40 =	vld.idx.msk [tilespmem:v40+s13+$0x0], $0xffff  }
0x256: {  	v41 =	vadd.s32 v8, v32;
	_ =	sdelay $0x3  }
0x257: {  	[tilespmem:$0x18670] =	vst v40  }
0x258: {  	v41 =	vld.idx.msk [tilespmem:v41+s13+$0x0], $0xffff  }
0x259: {  	v42 =	vadd.s32 v9, v32;
	_ =	sdelay $0x3  }
0x25a: {  	[tilespmem:$0x18680] =	vst v41  }
0x25b: {  	v42 =	vld.idx.msk [tilespmem:v42+s13+$0x0], $0xffff  }
0x25c: {  	v43 =	vadd.s32 v10, v32;
	_ =	sdelay $0x3  }
0x25d: {  	[tilespmem:$0x18690] =	vst v42  }
0x25e: {  	v43 =	vld.idx.msk [tilespmem:v43+s13+$0x0], $0xffff  }
0x25f: {  	v44 =	vadd.s32 v11, v32;
	_ =	sdelay $0x3  }
0x260: {  	[tilespmem:$0x186A0] =	vst v43  }
0x261: {  	v44 =	vld.idx.msk [tilespmem:v44+s13+$0x0], $0xffff  }
0x262: {  	v45 =	vadd.s32 v12, v32;
	_ =	sdelay $0x3  }
0x263: {  	[tilespmem:$0x186B0] =	vst v44  }
0x264: {  	v45 =	vld.idx.msk [tilespmem:v45+s13+$0x0], $0xffff  }
0x265: {  	v46 =	vadd.s32 v13, v32;
	_ =	sdelay $0x3  }
0x266: {  	[tilespmem:$0x186C0] =	vst v45  }
0x267: {  	v46 =	vld.idx.msk [tilespmem:v46+s13+$0x0], $0xffff  }
0x268: {  	v47 =	vadd.s32 v14, v32;
	_ =	sdelay $0x3  }
0x269: {  	[tilespmem:$0x186D0] =	vst v46  }
0x26a: {  	v47 =	vld.idx.msk [tilespmem:v47+s13+$0x0], $0xffff  }
0x26b: {  	v48 =	vadd.s32 v15, v32;
	_ =	sdelay $0x3  }
0x26c: {  	[tilespmem:$0x186E0] =	vst v47  }
0x26d: {  	v48 =	vld.idx.msk [tilespmem:v48+s13+$0x0], $0xffff  }
0x26e: {  	v49 =	vadd.s32 v16, v32;
	_ =	sdelay $0x3  }
0x26f: {  	[tilespmem:$0x186F0] =	vst v48  }
0x270: {  	v49 =	vld.idx.msk [tilespmem:v49+s13+$0x0], $0xffff  }
0x271: {  	v50 =	vadd.s32 v17, v32;
	_ =	sdelay $0x3  }
0x272: {  	[tilespmem:$0x18700] =	vst v49  }
0x273: {  	v50 =	vld.idx.msk [tilespmem:v50+s13+$0x0], $0xffff  }
0x274: {  	v51 =	vadd.s32 v18, v32;
	_ =	sdelay $0x3  }
0x275: {  	[tilespmem:$0x18710] =	vst v50  }
0x276: {  	v51 =	vld.idx.msk [tilespmem:v51+s13+$0x0], $0xffff  }
0x277: {  	v52 =	vadd.s32 v19, v32;
	_ =	sdelay $0x3  }
0x278: {  	[tilespmem:$0x18720] =	vst v51  }
0x279: {  	v52 =	vld.idx.msk [tilespmem:v52+s13+$0x0], $0xffff  }
0x27a: {  	v53 =	vadd.s32 v20, v32;
	_ =	sdelay $0x3  }
0x27b: {  	[tilespmem:$0x18730] =	vst v52  }
0x27c: {  	v53 =	vld.idx.msk [tilespmem:v53+s13+$0x0], $0xffff  }
0x27d: {  	v54 =	vadd.s32 v21, v32;
	_ =	sdelay $0x3  }
0x27e: {  	v55 =	vld [tilespmem:$0x18400];
	[tilespmem:$0x18740] =	vst v53  }
0x27f: {  	v54 =	vld.idx.msk [tilespmem:v54+s13+$0x0], $0xffff  }
0x280: {  	v56 =	vadd.s32 v22, v32;
	v57 =	vld [tilespmem:$0x18410];
	_ =	sdelay $0x1  }
0x281: {  	v58 =	vld [tilespmem:$0x18420]  }
0x282: {  	v33 =	vmul.f32 v55, v33  }
0x283: {  	v62 =	vld [tilespmem:$0x18430];
	[tilespmem:$0x18750] =	vst v54  }
0x284: {  	v33 =	vadd.f32 $0.0e+00, v33;
	v34 =	vmul.f32 v57, v34;
	v56 =	vld.idx.msk [tilespmem:v56+s13+$0x0], $0xffff  }
0x285: {  	v63 =	vadd.s32 v23, v32;
	v59 =	vld [tilespmem:$0x18440]  }
0x286: {  	v33 =	vadd.f32 v34, v33;
	v60 =	vmul.f32 v58, v35  }
0x287: {  	v61 =	vld [tilespmem:$0x18450]  }
0x288: {  	v33 =	vadd.f32 v60, v33;
	v62 =	vmul.f32 v62, v36  }
0x289: {  	v36 =	vld [tilespmem:$0x18460];
	[tilespmem:$0x18760] =	vst v56  }
0x28a: {  	v33 =	vadd.f32 v62, v33;
	v55 =	vld.idx.msk [tilespmem:v63+s13+$0x0], $0xffff;
	v63 =	vmul.f32 v59, v37  }
0x28b: {  	v60 =	vld [tilespmem:$0x18470]  }
0x28c: {  	v61 =	vmul.f32 v61, v38;
	v37 =	vadd.s32 v24, v32;
	v33 =	vadd.f32 v63, v33  }
0x28d: {  	v62 =	vld [tilespmem:$0x18480]  }
0x28e: {  	v63 =	vmul.f32 v36, v39;
	v33 =	vadd.f32 v61, v33  }
0x28f: {  	v58 =	vld [tilespmem:$0x18490]  }
0x290: {  	v59 =	vmul.f32 v60, v40;
	v61 =	vld [tilespmem:$0x184A0];
	[tilespmem:$0x18770] =	vst v55;
	v33 =	vadd.f32 v63, v33  }
0x291: {  	v37 =	vld.idx.msk [tilespmem:v37+s13+$0x0], $0xffff  }
0x292: {  	v62 =	vmul.f32 v62, v41;
	v60 =	vadd.s32 v25, v32;
	v33 =	vadd.f32 v59, v33  }
0x293: {  	v63 =	vld [tilespmem:$0x184B0]  }
0x294: {  	v57 =	vmul.f32 v58, v42;
	v33 =	vadd.f32 v62, v33  }
0x295: {  	v58 =	vld [tilespmem:$0x184C0]  }
0x296: {  	v59 =	vmul.f32 v61, v43;
	v61 =	vld [tilespmem:$0x184D0];
	[tilespmem:$0x18780] =	vst v37;
	v33 =	vadd.f32 v57, v33  }
0x297: {  	v38 =	vld.idx.msk [tilespmem:v60+s13+$0x0], $0xffff  }
0x298: {  	v62 =	vmul.f32 v63, v44;
	v60 =	vadd.s32 v26, v32;
	v33 =	vadd.f32 v59, v33  }
0x299: {  	v63 =	vld [tilespmem:$0x184E0]  }
0x29a: {  	v44 =	vmul.f32 v58, v45;
	v33 =	vadd.f32 v62, v33  }
0x29b: {  	v45 =	vld [tilespmem:$0x184F0]  }
0x29c: {  	v58 =	vld [tilespmem:$0x18500];
	v46 =	vmul.f32 v61, v46;
	[tilespmem:$0x18790] =	vst v38;
	v33 =	vadd.f32 v44, v33  }
0x29d: {  	v39 =	vld.idx.msk [tilespmem:v60+s13+$0x0], $0xffff  }
0x29e: {  	v57 =	vadd.s32 v27, v32;
	v59 =	vmul.f32 v63, v47;
	v33 =	vadd.f32 v46, v33  }
0x29f: {  	v60 =	vld [tilespmem:$0x18510]  }
0x2a0: {  	v61 =	vmul.f32 v45, v48;
	v33 =	vadd.f32 v59, v33  }
0x2a1: {  	v62 =	vld [tilespmem:$0x18520]  }
0x2a2: {  	v63 =	vmul.f32 v58, v49;
	v46 =	vld [tilespmem:$0x18530];
	[tilespmem:$0x187A0] =	vst v39;
	v33 =	vadd.f32 v61, v33  }
0x2a3: {  	v40 =	vld.idx.msk [tilespmem:v57+s13+$0x0], $0xffff  }
0x2a4: {  	v45 =	vadd.s32 v28, v32;
	v47 =	vmul.f32 v60, v50;
	v33 =	vadd.f32 v63, v33  }
0x2a5: {  	v48 =	vld [tilespmem:$0x18540]  }
0x2a6: {  	v49 =	vmul.f32 v62, v51;
	v33 =	vadd.f32 v47, v33  }
0x2a7: {  	v50 =	vld [tilespmem:$0x18550]  }
0x2a8: {  	v57 =	vld [tilespmem:$0x18560];
	v51 =	vmul.f32 v46, v52;
	[tilespmem:$0x187B0] =	vst v40;
	v33 =	vadd.f32 v49, v33  }
0x2a9: {  	v41 =	vld.idx.msk [tilespmem:v45+s13+$0x0], $0xffff  }
0x2aa: {  	v58 =	vmul.f32 v48, v53;
	v52 =	vadd.s32 v29, v32;
	v33 =	vadd.f32 v51, v33  }
0x2ab: {  	v59 =	vld [tilespmem:$0x18570]  }
0x2ac: {  	v60 =	vmul.f32 v50, v54;
	v33 =	vadd.f32 v58, v33  }
0x2ad: {  	v61 =	vld [tilespmem:$0x18580]  }
0x2ae: {  	v48 =	vld [tilespmem:$0x18590];
	v62 =	vmul.f32 v57, v56;
	[tilespmem:$0x187C0] =	vst v41;
	v33 =	vadd.f32 v60, v33  }
0x2af: {  	v42 =	vld.idx.msk [tilespmem:v52+s13+$0x0], $0xffff  }
0x2b0: {  	v63 =	vadd.s32 v30, v32;
	v49 =	vmul.f32 v59, v55;
	v33 =	vadd.f32 v62, v33  }
0x2b1: {  	v50 =	vld [tilespmem:$0x185A0]  }
0x2b2: {  	v51 =	vmul.f32 v61, v37;
	v33 =	vadd.f32 v49, v33  }
0x2b3: {  	v52 =	vld [tilespmem:$0x185B0]  }
0x2b4: {  	v54 =	vmul.f32 v48, v38;
	v55 =	vld [tilespmem:$0x185C0];
	[tilespmem:$0x187D0] =	vst v42;
	v33 =	vadd.f32 v51, v33  }
0x2b5: {  	v53 =	vld.idx.msk [tilespmem:v63+s13+$0x0], $0xffff  }
0x2b6: {  	v32 =	vadd.s32 v31, v32;
	v35 =	vmul.f32 v50, v39;
	v33 =	vadd.f32 v54, v33  }
0x2b7: {  	v56 =	vld [tilespmem:$0x185D0]  }
0x2b8: {  	v57 =	vmul.f32 v52, v40;
	v33 =	vadd.f32 v35, v33  }
0x2b9: {  	v58 =	vld [tilespmem:$0x185E0]  }
0x2ba: {  	v59 =	vmul.f32 v55, v41;
	v60 =	vld [tilespmem:$0x185F0];
	[tilespmem:$0x187E0] =	vst v53;
	v33 =	vadd.f32 v57, v33  }
0x2bb: {  	v32 =	vld.idx.msk [tilespmem:v32+s13+$0x0], $0xffff  }
0x2bc: {  	v61 =	vmul.f32 v56, v42;
	v33 =	vadd.f32 v59, v33;
	_ =	sdelay $0x1  }
0x2bd: {  	v34 =	vmul.f32 v58, v53;
	v33 =	vadd.f32 v61, v33;
	_ =	sdelay $0x1  }
0x2be: {  	v62 =	vmul.f32 v60, v32;
	v33 =	vadd.f32 v34, v33;
	_ =	sdelay $0x1  }
0x2bf: {  	v33 =	vadd.f32 v62, v33;
	_ =	sdelay $0x1  }
0x2c0: {  	v33 =	vsub.f32 $0.0e+00, v33;
	_ =	sdelay $0x1  }
0x2c1: {  	v33 =	vmul.f32 $1.442695020e+00, v33;
	_ =	sdelay $0x1  }
0x2c2: {  	(erf) = vpow2.f32 v33;
	_ =	sdelay $0x8  }
0x2c3: {  	v33 =	vpop (erf)  }
0x2c4: {  	v33 =	vadd.f32 $1.000000000e+00, v33;
	_ =	sdelay $0x1  }
0x2c5: {  	(erf) = vrcp.f32 v33;
	_ =	sdelay $0x4  }
0x2c6: {  	p0 =	sne.s32 s3, $0x7C0  }
.Ltmp0:
0x2c7: {  	_ = 	snop;
	(pc) =	sbr.rel @p0 .LBB2_2-.Ltmp0, $3  }
0x2c8: {  	_ =	sdelay $0x1  }
0x2c9: {  	[tilespmem:$0x187F0] =	vst v32;
	v63 =	vpop (erf)  }
0x2ca: {  	s3 =	sadd.s32 $0x40, s3;
	[tilespmem:s10+$0x18800] =	vst v63  }
0x2cb: {  	s0 =	sadd.s32 $0x1, s0  }
0x2cc: {  	p0 =	sne.s32 s0, s8  }
.Ltmp1:
0x2cd: {  	s3 =	simm.s32 $0x18800;
	(pc) =	sbr.rel @p0 .LBB2_1-.Ltmp1, $4  }
0x2ce: {  	[hbm4b:s7+s4] =	stream.linear.scatter [tilespmem:s3], [sflag:$0x3], $0x200, $0x38;
	[tilespmem:$0x18A00] =	vst v63  }
0x2cf: {  	_ =	swait.ge [sflag:s9], $0x200  }
0x2d0: {  	[sflag:s9] =	ssyncset.done $0x0  }
0x2d1: {  	[sflag:s9] =	ssyncadd.s32 $0xFFFFFE00  }
0x2d2: {  	_ =	sfence.sel $0x180000  }
0x2d3: {  	[bflag:$0x0] =	sbarrier.arrive $0xFFFF  }
0x2d4: {  	_ =	strace $0x90000047  }
0x2d5: {  	s0 =	stileid.u32;
	[bflag:$0x2] =	sbarrier.arrive $0xFFFF  }
0x2d6: {  	p0 =	sne.s32 s0, $0x0;
	s0 =	rddreg [dreg:$0x5]  }
0x2d7: {  	s0 =	sadd.s32 @!p0 $0x100000, s0  }
0x2d8: {  	[sflag:s0] =	ssyncadd.tile.s32 @!p0 $0x1;
	_ =	shalt  }
.Lfunc_end2:
_tile_overlayer_lowered:
.L_overlay_start_2:
0x2d9: {  	(tag) =	ssettag $0x2  }
0x2da: {  	s0 =	rddreg [dreg:$0x0];
	s2 =	stileid.u32  }
0x2db: {  	s1 =	rddreg [dreg:$0x1];
	p0 =	sne.s32 s2, $0x0  }
0x2dc: {  	s3 =	rddreg [dreg:$0x2];
	[bflag:$0x3] =	sbarrier.arrive $0xFFFF;
	s2 =	simm.s32 @!p0 $0x1C03  }
0x2dd: {  	[timem:s3], [sflag:s2] =	dma.local @!p0 [hbm:s0], s1  }
0x2de: {  	s0 =	simm.s32 @!p0 $0x3  }
0x2df: {  	_ =	swait.ge @!p0 [sflag:s0], s1  }
0x2e0: {  	s1 =	ssub.s32 @!p0 $0x0, s1;
	[sflag:s0] =	ssyncset.done @!p0 $0x0  }
0x2e1: {  	[sflag:s0] =	ssyncadd.s32 @!p0 s1  }
0x2e2: {  	[bflag:$0x3] =	sbarrier.arrive $0xFFFF  }
0x2e3: {  	_ =	shalt  }

</sc_bundles>
